<compile_context>
chip_gen: v7x
topology: tpu7x:2x2x1
jax: 0.10.2.dev20260603
libtpu: 0.0.44.dev20260713+nightly
codegen_flags: <defaults>
</compile_context>

<pallas_src>
import jax
import jax.numpy as jnp
import numpy as np
from jax import lax
from jax.experimental import pallas as pl
from jax.experimental.pallas import tpu as pltpu
from jax.experimental.pallas import tpu_sc as plsc

_NUM_CLASSES = 80
_STRIDES = (32.0, 16.0, 8.0)
_SIZES = (13, 26, 52)
_NA = 3
_BS = 4
_SCORE_THRESH = 0.01
_NMS_THRESH = 0.45
_PRE = 1024
_PRE_REAL = 1000
_TOPK = 200
_NV = sum(_NA * s * s for s in _SIZES)
_NP = 10752
_CAP = 2048
_LOCAL = 2048
_REG = _CAP + 2048
_BISECT_ITERS = 14


def _decode_body(p_ref, aw_ref, ah_ref, gx_ref, gy_ref, sv_ref, valid_ref,
                 boxes_ref, s_ref, t_ref):
    p = p_ref[0]
    sv = sv_ref[0]
    x = jax.nn.sigmoid(p[0:1, :])
    y = jax.nn.sigmoid(p[1:2, :])
    w = p[2:3, :]
    h = p[3:4, :]
    conf = jax.nn.sigmoid(p[4:5, :])
    cls = jax.nn.sigmoid(p[5:85, :])
    bx = (x + gx_ref[0]) * sv
    by = (y + gy_ref[0]) * sv
    bw = (jnp.exp(w) * aw_ref[0]) * sv
    bh = (jnp.exp(h) * ah_ref[0]) * sv
    x1 = bx - bw * 0.5
    y1 = by - bh * 0.5
    x2 = bx + bw * 0.5
    y2 = by + bh * 0.5
    boxes_ref[0] = jnp.concatenate([x1, y1, x2, y2], axis=0)
    s = conf * cls
    s = jnp.where(s > _SCORE_THRESH, s, 0.0) * valid_ref[0]
    s_ref[0] = s

    def bis_body(_, lohi):
        lo, hi = lohi
        mid = (lo + hi) * 0.5
        cnt = jnp.sum(jnp.where(s > mid, 1.0, 0.0))
        good = cnt >= float(_PRE_REAL)
        return jnp.where(good, mid, lo), jnp.where(good, hi, mid)

    lo, _ = jax.lax.fori_loop(
        0, _BISECT_ITERS, bis_body,
        (jnp.float32(_SCORE_THRESH), jnp.float32(1.0)))
    t_ref[0] = jnp.full((1, 128), lo, jnp.float32)


def _decode(P, AW, AH, GX, GY, SV, VALID, *, interpret=False):
    return pl.pallas_call(
        _decode_body,
        grid=(_BS,),
        in_specs=[
            pl.BlockSpec((1, 85, _NP), lambda b: (b, 0, 0)),
            pl.BlockSpec((1, 1, _NP), lambda b: (b, 0, 0)),
            pl.BlockSpec((1, 1, _NP), lambda b: (b, 0, 0)),
            pl.BlockSpec((1, 1, _NP), lambda b: (b, 0, 0)),
            pl.BlockSpec((1, 1, _NP), lambda b: (b, 0, 0)),
            pl.BlockSpec((1, 1, _NP), lambda b: (0, 0, 0)),
            pl.BlockSpec((1, 1, _NP), lambda b: (0, 0, 0)),
        ],
        out_specs=[
            pl.BlockSpec((1, 4, _NP), lambda b: (b, 0, 0)),
            pl.BlockSpec((1, 80, _NP), lambda b: (b, 0, 0)),
            pl.BlockSpec((1, 1, 128), lambda b: (b, 0, 0)),
        ],
        out_shape=[
            jax.ShapeDtypeStruct((_BS, 4, _NP), jnp.float32),
            jax.ShapeDtypeStruct((_BS, 80, _NP), jnp.float32),
            jax.ShapeDtypeStruct((_BS, 1, 128), jnp.float32),
        ],
        interpret=interpret,
    )(P, AW, AH, GX, GY, SV, VALID)


def _nms_body(btT_ref, btC_ref, tsr_ref, tsc_ref, tlr_ref, tlc_ref, out_ref):
    f32 = jnp.float32
    btT = btT_ref[0]
    btC = btC_ref[0]
    tsr = tsr_ref[0]
    tsc = tsc_ref[0]
    tlr = tlr_ref[0]
    tlc = tlc_ref[0]

    offc = tlc * 4096.0
    offr = tlr * 4096.0
    x1c = btT[:, 0:1] + offc
    y1c = btT[:, 1:2] + offc
    x2c = btT[:, 2:3] + offc
    y2c = btT[:, 3:4] + offc
    x1r = btC[0:1, :] + offr
    y1r = btC[1:2, :] + offr
    x2r = btC[2:3, :] + offr
    y2r = btC[3:4, :] + offr

    area_c = jnp.maximum(x2c - x1c, 0.0) * jnp.maximum(y2c - y1c, 0.0)
    area_r = jnp.maximum(x2r - x1r, 0.0) * jnp.maximum(y2r - y1r, 0.0)
    ltx = jnp.maximum(x1c, x1r)
    lty = jnp.maximum(y1c, y1r)
    rbx = jnp.minimum(x2c, x2r)
    rby = jnp.minimum(y2c, y2r)
    iw = jnp.maximum(rbx - ltx, 0.0)
    ih = jnp.maximum(rby - lty, 0.0)
    inter = iw * ih
    iou = inter / (area_c + area_r - inter + 1e-9)
    iou_gt = iou > _NMS_THRESH

    ia = jax.lax.broadcasted_iota(jnp.int32, (_PRE, _PRE), 0)
    ib = jax.lax.broadcasted_iota(jnp.int32, (_PRE, _PRE), 1)
    M2 = jnp.where(iou_gt & (ib < ia), 1.0, 0.0).astype(f32)
    Mup = jnp.where(iou_gt & (ia < ib), 1.0, 0.0).astype(f32)

    init_c = jnp.where(tsc > _SCORE_THRESH, 1.0, 0.0).astype(f32)
    init_r = jnp.where(tsr > _SCORE_THRESH, 1.0, 0.0).astype(f32)

    def cond(carry):
        _, _, it, changed = carry
        return changed & (it < _PRE)

    def body(carry):
        kc, kr, it, _ = carry
        sup_c = jax.lax.dot(M2, kc, preferred_element_type=f32)
        sup_r = jax.lax.dot(kr, Mup, preferred_element_type=f32)
        kc2 = jnp.where(sup_c > 0.5, 0.0, init_c)
        kr2 = jnp.where(sup_r > 0.5, 0.0, init_r)
        changed = jnp.any(kc2 != kc)
        return kc2, kr2, it + 1, changed

    kc, kr, _, _ = jax.lax.while_loop(
        cond, body, (init_c, init_r, jnp.int32(0), jnp.bool_(True)))

    fs0_c = kc * tsc
    fs0_r = kr * tsr

    beats = (fs0_r > fs0_c) | ((fs0_r == fs0_c) & (ib < ia))
    rank_c = jnp.sum(jnp.where(beats, 1.0, 0.0), axis=1, keepdims=True)

    pcols = jax.lax.broadcasted_iota(jnp.int32, (_PRE, 256), 1).astype(f32)
    PT = jnp.where(rank_c == pcols, 1.0, 0.0).astype(f32)

    z = jnp.zeros((1, _PRE), f32)
    V = jnp.concatenate(
        [btC[0:1, :], btC[1:2, :], btC[2:3, :], btC[3:4, :],
         tlr, fs0_r, z, z], axis=0)
    out_ref[0] = jax.lax.dot(V, PT, preferred_element_type=f32)


def _nms(tbT, tbC, tsr, tsc, tlr, tlc, *, interpret=False):
    return pl.pallas_call(
        _nms_body,
        grid=(_BS,),
        in_specs=[
            pl.BlockSpec((1, _PRE, 4), lambda b: (b, 0, 0)),
            pl.BlockSpec((1, 4, _PRE), lambda b: (b, 0, 0)),
            pl.BlockSpec((1, 1, _PRE), lambda b: (b, 0, 0)),
            pl.BlockSpec((1, _PRE, 1), lambda b: (b, 0, 0)),
            pl.BlockSpec((1, 1, _PRE), lambda b: (b, 0, 0)),
            pl.BlockSpec((1, _PRE, 1), lambda b: (b, 0, 0)),
        ],
        out_specs=pl.BlockSpec((1, 8, 256), lambda b: (b, 0, 0)),
        out_shape=jax.ShapeDtypeStruct((_BS, 8, 256), jnp.float32),
        interpret=interpret,
    )(tbT, tbC, tsr, tsc, tlr, tlc)


def _compact_body(s_hbm, t_hbm, outS_hbm, outI_hbm, cnt_hbm,
                  rowbuf, tbuf, scorebuf, idxbuf, ncbuf, sharedc, allc):
    i32 = jnp.int32
    core = lax.axis_index("c")
    sub = lax.axis_index("s")
    img = core * 2 + sub // 8
    g = lax.rem(sub, 8)
    half = (sub // 8) * 8
    wid = core * 16 + sub
    iota16 = lax.iota(i32, 16)

    pltpu.sync_copy(t_hbm.at[pl.ds(img * 128, 128)], tbuf)
    tv = tbuf[pl.ds(0, 16)]

    def row_body(r, cur):
        c_cls = g * 10 + r
        pltpu.sync_copy(s_hbm.at[pl.ds((img * 80 + c_cls) * _NP, _NP)],
                        rowbuf)

        def vec_body(i, cur):
            v = rowbuf[pl.ds(i * 16, 16)]
            m = v > tv
            cur_c = jnp.minimum(cur, _LOCAL)
            key = jnp.where(m, iota16, iota16 + 16)
            _, vs = plsc.sort_key_val(key, v)
            flat = (i * 16 + iota16) * 80 + c_cls
            _, fs = plsc.sort_key_val(key, flat)
            cnt = plsc.all_reduce_population_count(m)
            wm = iota16 < cnt
            pos = cur_c + iota16
            plsc.store_scatter(scorebuf, [pos], vs, mask=wm)
            plsc.store_scatter(idxbuf, [pos], fs, mask=wm)
            return cur + jnp.max(cnt)

        return lax.fori_loop(0, _NP // 16, vec_body, cur)

    cur = lax.fori_loop(0, 10, row_body, jnp.int32(0))
    cur = jnp.minimum(cur, _LOCAL)

    cur8 = (cur + 7) & ~7
    padm = iota16 < (cur8 - cur)
    plsc.store_scatter(scorebuf, [cur + iota16],
                       jnp.zeros((16,), jnp.float32), mask=padm)
    plsc.store_scatter(idxbuf, [cur + iota16],
                       jnp.zeros((16,), i32) + (1 << 22), mask=padm)

    ncbuf[...] = lax.broadcast_in_dim(cur8, (16,), ())
    pltpu.sync_copy(ncbuf, cnt_hbm.at[pl.ds((img * 8 + g) * 16, 16)])
    pltpu.sync_copy(ncbuf, sharedc.at[wid])
    plsc.subcore_barrier()
    pltpu.sync_copy(sharedc, allc)
    base = jnp.zeros((16,), i32)
    grp0 = core * 16 + half
    me = core * 16 + sub
    for j in range(32):
        pred = (j >= grp0) & (j < me)
        predv = lax.broadcast_in_dim(pred, (16,), ())
        base = base + jnp.where(predv, allc[j], 0)
    base_s = pl.multiple_of(jnp.max(base), 8)
    gbase = img * _REG + base_s

    nch = (cur8 + 127) // 128
    for t in range(8):
        nch_t = jnp.where(g == t, nch, 0)

        def wk(k, _):
            pltpu.sync_copy(scorebuf.at[pl.ds(k * 128, 128)],
                            outS_hbm.at[pl.ds(gbase + k * 128, 128)])
            pltpu.sync_copy(idxbuf.at[pl.ds(k * 128, 128)],
                            outI_hbm.at[pl.ds(gbase + k * 128, 128)])
            return 0

        lax.fori_loop(0, nch_t, wk, 0)
        plsc.subcore_barrier()


def _compact(S, T):
    mesh = plsc.VectorSubcoreMesh(core_axis_name="c", subcore_axis_name="s")
    f = pl.kernel(
        _compact_body,
        out_type=[
            jax.ShapeDtypeStruct((_BS * _REG,), jnp.float32),
            jax.ShapeDtypeStruct((_BS * _REG,), jnp.int32),
            jax.ShapeDtypeStruct((_BS * 8 * 16,), jnp.int32),
        ],
        mesh=mesh,
        compiler_params=pltpu.CompilerParams(needs_layout_passes=False),
        scratch_types=[
            pltpu.VMEM((_NP,), jnp.float32),
            pltpu.VMEM((128,), jnp.float32),
            pltpu.VMEM((_LOCAL + 16,), jnp.float32),
            pltpu.VMEM((_LOCAL + 16,), jnp.int32),
            pltpu.VMEM((16,), jnp.int32),
            pltpu.VMEM_SHARED((32, 16), jnp.int32),
            pltpu.VMEM((32, 16), jnp.int32),
        ],
    )
    return f(S, T)


def _rank_body(sr_ref, sc_ref, ir_ref, ic_ref, cnt_ref, out_ref):
    f32 = jnp.float32
    total = jnp.sum(cnt_ref[0])
    slot_r = jax.lax.broadcasted_iota(jnp.int32, (1, _CAP), 1)
    slot_c = jax.lax.broadcasted_iota(jnp.int32, (_CAP, 1), 0)
    vr = slot_r < total
    vc = slot_c < total
    sr = jnp.where(vr, sr_ref[0], 0.0)
    sc = jnp.where(vc, sc_ref[0], 0.0)
    ir = jnp.where(vr, ir_ref[0], slot_r.astype(f32))
    ic = jnp.where(vc, ic_ref[0], slot_c.astype(f32))
    beats = (sr > sc) | ((sr == sc) & (ir < ic))
    rank_c = jnp.sum(jnp.where(beats, 1.0, 0.0), axis=1, keepdims=True)
    pcols = jax.lax.broadcasted_iota(jnp.int32, (_CAP, _PRE), 1).astype(f32)
    PT = jnp.where(rank_c == pcols, 1.0, 0.0).astype(f32)
    srt_s = jax.lax.dot(sr, PT, preferred_element_type=f32)
    srt_i = jax.lax.dot(ir, PT, preferred_element_type=f32)
    out_ref[0] = jnp.concatenate([srt_s, srt_i], axis=0)


def _rank(sr, sc, ir, ic, cnt):
    return pl.pallas_call(
        _rank_body,
        grid=(_BS,),
        in_specs=[
            pl.BlockSpec((1, 1, _CAP), lambda b: (b, 0, 0)),
            pl.BlockSpec((1, _CAP, 1), lambda b: (b, 0, 0)),
            pl.BlockSpec((1, 1, _CAP), lambda b: (b, 0, 0)),
            pl.BlockSpec((1, _CAP, 1), lambda b: (b, 0, 0)),
            pl.BlockSpec((1, 1, 8), lambda b: (b, 0, 0)),
        ],
        out_specs=pl.BlockSpec((1, 2, _PRE), lambda b: (b, 0, 0)),
        out_shape=jax.ShapeDtypeStruct((_BS, 2, _PRE), jnp.float32),
    )(sr, sc, ir, ic, cnt)


def _prep_inputs(args):
    Ps, AWs, AHs, GXs, GYs = [], [], [], [], []
    for i, s in enumerate(_SIZES):
        inp, aw, ah, gx, gy = args[5 * i:5 * i + 5]
        p = inp.reshape(_BS, _NA, _NUM_CLASSES + 5, s, s)
        p = p.transpose(0, 2, 1, 3, 4).reshape(_BS, _NUM_CLASSES + 5, -1)
        Ps.append(p)
        AWs.append(aw.reshape(_BS, -1))
        AHs.append(ah.reshape(_BS, -1))
        GXs.append(gx.reshape(_BS, -1))
        GYs.append(gy.reshape(_BS, -1))
    P = jnp.concatenate(Ps, axis=2)
    pad = _NP - _NV
    P = jnp.pad(P, ((0, 0), (0, 0), (0, pad)))
    AW = jnp.pad(jnp.concatenate(AWs, axis=1), ((0, 0), (0, pad)))[:, None, :]
    AH = jnp.pad(jnp.concatenate(AHs, axis=1), ((0, 0), (0, pad)))[:, None, :]
    GX = jnp.pad(jnp.concatenate(GXs, axis=1), ((0, 0), (0, pad)))[:, None, :]
    GY = jnp.pad(jnp.concatenate(GYs, axis=1), ((0, 0), (0, pad)))[:, None, :]
    sv = np.concatenate([
        np.full(_NA * s * s, st, np.float32)
        for s, st in zip(_SIZES, _STRIDES)] + [np.ones(pad, np.float32)])
    valid = np.concatenate(
        [np.ones(_NV, np.float32), np.zeros(pad, np.float32)])
    SV = jnp.asarray(sv)[None, None, :]
    VALID = jnp.asarray(valid)[None, None, :]
    return P, AW, AH, GX, GY, SV, VALID


def _pipeline(args, interpret=False):
    P, AW, AH, GX, GY, SV, VALID = _prep_inputs(args)
    boxes, S, T = _decode(P, AW, AH, GX, GY, SV, VALID, interpret=interpret)

    outS, outI, cnts = _compact(S.reshape(-1), T.reshape(-1))
    S2 = outS.reshape(_BS, _REG)[:, :_CAP]
    I2 = outI.reshape(_BS, _REG)[:, :_CAP].astype(jnp.float32)
    C2 = cnts.reshape(_BS, 8, 16)[:, :, 0][:, None, :]
    out2 = _rank(S2[:, None, :], S2[:, :, None],
                 I2[:, None, :], I2[:, :, None], C2)
    ts = out2[:, 0, :_PRE_REAL]
    ti = out2[:, 1, :_PRE_REAL].astype(jnp.int32)
    n = ti // _NUM_CLASSES
    c = ti % _NUM_CLASSES
    boxesT = boxes.transpose(0, 2, 1)
    tb = jnp.take_along_axis(boxesT, n[..., None], axis=1)
    tl = c.astype(jnp.float32)

    padk = _PRE - _PRE_REAL
    tbT = jnp.pad(tb, ((0, 0), (0, padk), (0, 0)))
    ts_p = jnp.pad(ts, ((0, 0), (0, padk)))
    tl_p = jnp.pad(tl, ((0, 0), (0, padk)))
    tbC = tbT.transpose(0, 2, 1)
    tsr = ts_p[:, None, :]
    tsc = ts_p[:, :, None]
    tlr = tl_p[:, None, :]
    tlc = tl_p[:, :, None]

    out = _nms(tbT, tbC, tsr, tsc, tlr, tlc, interpret=interpret)
    return out.transpose(0, 2, 1)[:, :_TOPK, :6]


def kernel(input_l0, anchor_w_l0, anchor_h_l0, grid_x_l0, grid_y_l0,
           input_l1, anchor_w_l1, anchor_h_l1, grid_x_l1, grid_y_l1,
           input_l2, anchor_w_l2, anchor_h_l2, grid_x_l2, grid_y_l2):
    args = (input_l0, anchor_w_l0, anchor_h_l0, grid_x_l0, grid_y_l0,
            input_l1, anchor_w_l1, anchor_h_l1, grid_x_l1, grid_y_l1,
            input_l2, anchor_w_l2, anchor_h_l2, grid_x_l2, grid_y_l2)
    return _pipeline(args)

# --- scband reference (transcript-rebuilt; emitter-appended) ---
"""Pipeline reference for scband-yolov3-post-process-15719580304017 (READ-ONLY COPY).

The authoritative reference and input builder live on the scoring server;
editing this copy changes nothing except your own understanding.
"""

import jax, jax.numpy as jnp
import numpy as np

NUM_CLASSES = 80
STRIDES = (32.0, 16.0, 8.0)
SCORE_THRESH = 0.01
NMS_THRESH = 0.45
TOP_K = 200
PRE_NMS = 1000
NA = 3
BS = 4
SIZES = (13, 26, 52)


def setup_inputs(seed: int = 0) -> dict:
    key = jax.random.key(seed)
    inp = {}
    c = NA * (NUM_CLASSES + 5)
    for i, s in enumerate(SIZES):
        inp[f"input_l{i}"] = jax.random.normal(jax.random.fold_in(key, i * 10 + 0), (BS, c, s, s), dtype=jnp.float32)
        inp[f"anchor_w_l{i}"] = jax.random.uniform(jax.random.fold_in(key, i * 10 + 1), (BS, NA, s, s), dtype=jnp.float32)
        inp[f"anchor_h_l{i}"] = jax.random.uniform(jax.random.fold_in(key, i * 10 + 2), (BS, NA, s, s), dtype=jnp.float32)
        inp[f"grid_x_l{i}"] = jax.random.uniform(jax.random.fold_in(key, i * 10 + 3), (BS, NA, s, s), dtype=jnp.float32)
        inp[f"grid_y_l{i}"] = jax.random.uniform(jax.random.fold_in(key, i * 10 + 4), (BS, NA, s, s), dtype=jnp.float32)
    return inp


def _level(inp, aw, ah, gx, gy, stride):
    bs, _, H, W = inp.shape
    p = inp.reshape(bs, NA, NUM_CLASSES + 5, H, W).transpose(0, 1, 3, 4, 2)
    x = jax.nn.sigmoid(p[..., 0])
    y = jax.nn.sigmoid(p[..., 1])
    w = p[..., 2]
    h = p[..., 3]
    conf = jax.nn.sigmoid(p[..., 4])
    cls = jax.nn.sigmoid(p[..., 5:])
    bx = x + gx.reshape(x.shape)
    by = y + gy.reshape(y.shape)
    bw = jnp.exp(w) * aw.reshape(w.shape)
    bh = jnp.exp(h) * ah.reshape(h.shape)
    boxes = jnp.stack([bx, by, bw, bh], axis=-1).reshape(bs, -1, 4) * stride
    return jnp.concatenate([boxes, conf.reshape(bs, -1, 1), cls.reshape(bs, -1, NUM_CLASSES)], axis=-1)


def _iou(b):
    area = jnp.maximum(b[:, 2] - b[:, 0], 0.0) * jnp.maximum(b[:, 3] - b[:, 1], 0.0)
    lt = jnp.maximum(b[:, None, :2], b[None, :, :2])
    rb = jnp.minimum(b[:, None, 2:], b[None, :, 2:])
    wh = jnp.maximum(rb - lt, 0.0)
    inter = wh[..., 0] * wh[..., 1]
    return inter / (area[:, None] + area[None, :] - inter + 1e-9)


def _per_image(img):
    N = img.shape[0]
    score = jnp.repeat(img[:, 4], NUM_CLASSES)
    bbox = jnp.repeat(img[:, :4], NUM_CLASSES, axis=0)
    class_conf = img[:, 5:5 + NUM_CLASSES].reshape(-1)
    class_pred = jnp.tile(jnp.arange(NUM_CLASSES), N)
    score = score * class_conf
    score = jnp.where(score > SCORE_THRESH, score, 0.0)
    ts, ti = jax.lax.top_k(score, PRE_NMS)
    tb = bbox[ti]
    tl = class_pred[ti]
    off = tb + (tl.astype(jnp.float32) * 4096.0)[:, None]
    iou = _iou(off)
    idx = jnp.arange(PRE_NMS)
    init = ts > SCORE_THRESH

    def body(keep, i):
        sup = (iou[i] > NMS_THRESH) & (idx > i) & keep[i]
        return keep & (~sup), None

    keep, _ = jax.lax.scan(body, init, idx)
    fs0 = jnp.where(keep, ts, 0.0)
    fs, fi = jax.lax.top_k(fs0, TOP_K)
    fb = tb[fi]
    fl = tl[fi].astype(jnp.float32)
    return jnp.concatenate([fb, fl[:, None], fs[:, None]], axis=-1)


def _forward(input_l0, anchor_w_l0, anchor_h_l0, grid_x_l0, grid_y_l0,
             input_l1, anchor_w_l1, anchor_h_l1, grid_x_l1, grid_y_l1,
             input_l2, anchor_w_l2, anchor_h_l2, grid_x_l2, grid_y_l2):
    inputs = [input_l0, input_l1, input_l2]
    anchors = [
        (anchor_w_l0, anchor_h_l0, grid_x_l0, grid_y_l0),
        (anchor_w_l1, anchor_h_l1, grid_x_l1, grid_y_l1),
        (anchor_w_l2, anchor_h_l2, grid_x_l2, grid_y_l2),
    ]
    preds = [_level(inp, a[0], a[1], a[2], a[3], s) for inp, a, s in zip(inputs, anchors, STRIDES)]
    pred = jnp.concatenate(preds, axis=1)
    cx, cy, w, h = pred[..., 0], pred[..., 1], pred[..., 2], pred[..., 3]
    corners = jnp.stack([cx - w / 2.0, cy - h / 2.0, cx + w / 2.0, cy + h / 2.0], axis=-1)
    pred = jnp.concatenate([corners, pred[..., 4:]], axis=-1)
    return jax.vmap(_per_image)(pred)


def reference(input_l0, anchor_w_l0, anchor_h_l0, grid_x_l0, grid_y_l0,
              input_l1, anchor_w_l1, anchor_h_l1, grid_x_l1, grid_y_l1,
              input_l2, anchor_w_l2, anchor_h_l2, grid_x_l2, grid_y_l2):
    return _forward(
        input_l0, anchor_w_l0, anchor_h_l0, grid_x_l0, grid_y_l0,
        input_l1, anchor_w_l1, anchor_h_l1, grid_x_l1, grid_y_l1,
        input_l2, anchor_w_l2, anchor_h_l2, grid_x_l2, grid_y_l2,
    )

if __name__ == "__main__":
    import jax
    _d = setup_inputs()
    print(jax.jit(kernel)(*tuple(_d.values())))

</pallas_src>

<mosaic_0001>
#map = affine_map<(d0, d1) -> (0)>
module attributes {stable_mosaic.version = 14 : i64} {
  func.func @_compact_body(%arg0: i32, %arg1: i32, %arg2: memref<3440640xf32, #tpu.memory_space<hbm>>, %arg3: memref<512xf32, #tpu.memory_space<hbm>>, %arg4: memref<16384xf32, #tpu.memory_space<hbm>>, %arg5: memref<16384xi32, #tpu.memory_space<hbm>>, %arg6: memref<512xi32, #tpu.memory_space<hbm>>, %arg7: memref<10752xf32, #tpu.memory_space<vmem>>, %arg8: memref<128xf32, #tpu.memory_space<vmem>>, %arg9: memref<2064xf32, #tpu.memory_space<vmem>>, %arg10: memref<2064xi32, #tpu.memory_space<vmem>>, %arg11: memref<16xi32, #tpu.memory_space<vmem>>, %arg12: memref<32x16xi32, #tpu.memory_space<vmem_shared>>, %arg13: memref<32x16xi32, #tpu.memory_space<vmem>>) attributes {dimension_semantics = [#tpu.dimension_semantics<core_parallel>, #tpu.dimension_semantics<subcore_parallel>], iteration_bounds = array<i64: 2, 16>, scalar_prefetch = 0 : i64, scratch_operands = 7 : i64, tpu.core_type = #tpu.core_type<sc_vector_subcore>, window_params = [{transform_indices = #map}, {transform_indices = #map}, {transform_indices = #map}, {transform_indices = #map}, {transform_indices = #map}]} {
    %mul3A = arith.constant 2 : i32
    %mul3A_0 = arith.muli %arg0, %mul3A : i32
    %jit3A = arith.constant 8 : i32
    %div3A = arith.divsi %arg1, %jit3A : i32
    %sign3A = arith.constant 0 : i32
    %sign3A_1 = arith.cmpi sgt, %arg1, %sign3A : i32
    %sign3A_2 = arith.extui %sign3A_1 : i1 to i32
    %sign3A_3 = arith.constant 0 : i32
    %sign3A_4 = arith.cmpi slt, %arg1, %sign3A_3 : i32
    %sign3A_5 = arith.extui %sign3A_4 : i1 to i32
    %sign3A_6 = arith.subi %sign3A_2, %sign3A_5 : i32
    %sign3A_7 = arith.constant 0 : i32
    %sign3A_8 = arith.cmpi sgt, %jit3A, %sign3A_7 : i32
    %sign3A_9 = arith.extui %sign3A_8 : i1 to i32
    %sign3A_10 = arith.constant 0 : i32
    %sign3A_11 = arith.cmpi slt, %jit3A, %sign3A_10 : i32
    %sign3A_12 = arith.extui %sign3A_11 : i1 to i32
    %sign3A_13 = arith.subi %sign3A_9, %sign3A_12 : i32
    %ne3A = arith.cmpi ne, %sign3A_6, %sign3A_13 : i32
    %rem3A = arith.remsi %arg1, %jit3A : i32
    %ne3A_14 = arith.constant 0 : i32
    %ne3A_15 = arith.cmpi ne, %rem3A, %ne3A_14 : i32
    %and3A = arith.andi %ne3A, %ne3A_15 : i1
    %sub3A = arith.constant 1 : i32
    %sub3A_16 = arith.subi %div3A, %sub3A : i32
    %select_n3A = arith.select %and3A, %sub3A_16, %div3A : i32
    %add3A = arith.addi %mul3A_0, %select_n3A : i32
    %rem3A_17 = arith.constant 8 : i32
    %rem3A_18 = arith.remsi %arg1, %rem3A_17 : i32
    %jit3A_19 = arith.constant 8 : i32
    %div3A_20 = arith.divsi %arg1, %jit3A_19 : i32
    %sign3A_21 = arith.constant 0 : i32
    %sign3A_22 = arith.cmpi sgt, %arg1, %sign3A_21 : i32
    %sign3A_23 = arith.extui %sign3A_22 : i1 to i32
    %sign3A_24 = arith.constant 0 : i32
    %sign3A_25 = arith.cmpi slt, %arg1, %sign3A_24 : i32
    %sign3A_26 = arith.extui %sign3A_25 : i1 to i32
    %sign3A_27 = arith.subi %sign3A_23, %sign3A_26 : i32
    %sign3A_28 = arith.constant 0 : i32
    %sign3A_29 = arith.cmpi sgt, %jit3A_19, %sign3A_28 : i32
    %sign3A_30 = arith.extui %sign3A_29 : i1 to i32
    %sign3A_31 = arith.constant 0 : i32
    %sign3A_32 = arith.cmpi slt, %jit3A_19, %sign3A_31 : i32
    %sign3A_33 = arith.extui %sign3A_32 : i1 to i32
    %sign3A_34 = arith.subi %sign3A_30, %sign3A_33 : i32
    %ne3A_35 = arith.cmpi ne, %sign3A_27, %sign3A_34 : i32
    %rem3A_36 = arith.remsi %arg1, %jit3A_19 : i32
    %ne3A_37 = arith.constant 0 : i32
    %ne3A_38 = arith.cmpi ne, %rem3A_36, %ne3A_37 : i32
    %and3A_39 = arith.andi %ne3A_35, %ne3A_38 : i1
    %sub3A_40 = arith.constant 1 : i32
    %sub3A_41 = arith.subi %div3A_20, %sub3A_40 : i32
    %select_n3A_42 = arith.select %and3A_39, %sub3A_41, %div3A_20 : i32
    %mul3A_43 = arith.constant 8 : i32
    %mul3A_44 = arith.muli %select_n3A_42, %mul3A_43 : i32
    %mul3A_45 = arith.constant 16 : i32
    %mul3A_46 = arith.muli %arg0, %mul3A_45 : i32
    %add3A_47 = arith.addi %mul3A_46, %arg1 : i32
    %iota3A = tpu.iota {dimensions = array<i32: 0>} : vector<16xi32>
    %mul3A_48 = arith.constant 128 : i32
    %mul3A_49 = arith.muli %add3A, %mul3A_48 : i32
    "tpu.region"() ({
      %run_scoped3A = tpu.sem_alloc : memref<!tpu.dma_semaphore, #tpu.memory_space<semaphore_mem>>
      %dma_start3A = tpu.memref_slice %arg3[%mul3A_49] : memref<512xf32, #tpu.memory_space<hbm>> -> memref<128xf32, #tpu.memory_space<hbm>>
      %dma_start3A_705 = tpu.memref_slice %arg3[%mul3A_49] : memref<512xf32, #tpu.memory_space<hbm>> -> memref<128xf32, #tpu.memory_space<hbm>>
      tpu.enqueue_dma source(%dma_start3A_705 : memref<128xf32, #tpu.memory_space<hbm>>) target(%arg8 : memref<128xf32, #tpu.memory_space<vmem>>) target_semaphore(%run_scoped3A : memref<!tpu.dma_semaphore, #tpu.memory_space<semaphore_mem>>)
      %dma_wait3A = tpu.memref_slice %arg3[%mul3A_49] : memref<512xf32, #tpu.memory_space<hbm>> -> memref<128xf32, #tpu.memory_space<hbm>>
      %dma_wait3A_706 = tpu.memref_slice %arg3[%mul3A_49] : memref<512xf32, #tpu.memory_space<hbm>> -> memref<128xf32, #tpu.memory_space<hbm>>
      tpu.wait_dma2 semaphore(%run_scoped3A : memref<!tpu.dma_semaphore, #tpu.memory_space<semaphore_mem>>) src(%dma_wait3A_706 : memref<128xf32, #tpu.memory_space<hbm>>) dst(%arg8 : memref<128xf32, #tpu.memory_space<vmem>>)
      tpu.yield
    }) : () -> ()
    %get3A = arith.constant 0 : index
    %get3A_50 = tpu.vector_load %arg8[%get3A] {strides = array<i32>} : memref<128xf32, #tpu.memory_space<vmem>>, vector<16xf32>,
    %scan3A = arith.constant 0 : i32
    %scan3A_51 = arith.constant 0 : i32
    %scan3A_52 = arith.constant 10 : i32
    %scan3A_53 = arith.addi %scan3A_51, %scan3A_52 : i32
    %scan3A_54 = arith.constant 1 : i32
    %scan3A_55 = scf.for %scan3A_705 = %scan3A_51 to %scan3A_53 step %scan3A_54 iter_args(%scan3A_706 = %scan3A) -> (i32)  : i32 {
      %mul3A_707 = arith.constant 10 : i32
      %mul3A_708 = arith.muli %rem3A_18, %mul3A_707 : i32
      %add3A_709 = arith.addi %mul3A_708, %scan3A_705 : i32
      %mul3A_710 = arith.constant 80 : i32
      %mul3A_711 = arith.muli %add3A, %mul3A_710 : i32
      %add3A_712 = arith.addi %mul3A_711, %add3A_709 : i32
      %mul3A_713 = arith.constant 10752 : i32
      %mul3A_714 = arith.muli %add3A_712, %mul3A_713 : i32
      "tpu.region"() ({
        %run_scoped3A = tpu.sem_alloc : memref<!tpu.dma_semaphore, #tpu.memory_space<semaphore_mem>>
        %dma_start3A = tpu.memref_slice %arg2[%mul3A_714] : memref<3440640xf32, #tpu.memory_space<hbm>> -> memref<10752xf32, #tpu.memory_space<hbm>>
        %dma_start3A_721 = tpu.memref_slice %arg2[%mul3A_714] : memref<3440640xf32, #tpu.memory_space<hbm>> -> memref<10752xf32, #tpu.memory_space<hbm>>
        tpu.enqueue_dma source(%dma_start3A_721 : memref<10752xf32, #tpu.memory_space<hbm>>) target(%arg7 : memref<10752xf32, #tpu.memory_space<vmem>>) target_semaphore(%run_scoped3A : memref<!tpu.dma_semaphore, #tpu.memory_space<semaphore_mem>>)
        %dma_wait3A = tpu.memref_slice %arg2[%mul3A_714] : memref<3440640xf32, #tpu.memory_space<hbm>> -> memref<10752xf32, #tpu.memory_space<hbm>>
        %dma_wait3A_722 = tpu.memref_slice %arg2[%mul3A_714] : memref<3440640xf32, #tpu.memory_space<hbm>> -> memref<10752xf32, #tpu.memory_space<hbm>>
        tpu.wait_dma2 semaphore(%run_scoped3A : memref<!tpu.dma_semaphore, #tpu.memory_space<semaphore_mem>>) src(%dma_wait3A_722 : memref<10752xf32, #tpu.memory_space<hbm>>) dst(%arg7 : memref<10752xf32, #tpu.memory_space<vmem>>)
        tpu.yield
      }) : () -> ()
      %scan3A_715 = arith.constant 0 : i32
      %scan3A_716 = arith.constant 672 : i32
      %scan3A_717 = arith.addi %scan3A_715, %scan3A_716 : i32
      %scan3A_718 = arith.constant 1 : i32
      %scan3A_719 = scf.for %scan3A_721 = %scan3A_715 to %scan3A_717 step %scan3A_718 iter_args(%scan3A_722 = %scan3A_706) -> (i32)  : i32 {
        %mul3A_723 = arith.constant 16 : i32
        %mul3A_724 = arith.muli %scan3A_721, %mul3A_723 : i32
        %get3A_725 = arith.index_cast %mul3A_724 : i32 to index
        %get3A_726 = tpu.vector_load %arg7[%get3A_725] {strides = array<i32>} : memref<10752xf32, #tpu.memory_space<vmem>>, vector<16xf32>,
        %gt3A_727 = arith.cmpf ogt, %get3A_726, %get3A_50 : vector<16xf32>
        %min3A_728 = arith.constant 2048 : i32
        %min3A_729 = arith.minsi %scan3A_722, %min3A_728 : i32
        %add3A_730 = arith.constant 16 : i32
        %add3A_731 = vector.broadcast %add3A_730 : i32 to vector<16xi32>
        %add3A_732 = arith.addi %iota3A, %add3A_731 : vector<16xi32>
        %select_n3A_733 = arith.select %gt3A_727, %iota3A, %add3A_732 : vector<16xi1>, vector<16xi32>
        %masked_sort3A = arith.constant dense<true> : vector<16xi1>
        %masked_sort3A_734 = arith.constant -2147483648 : i32
        %masked_sort3A_735 = vector.broadcast %masked_sort3A_734 : i32 to vector<16xi32>
        %masked_sort3A_736 = arith.xori %select_n3A_733, %masked_sort3A_735 : vector<16xi32>
        %masked_sort3A_737, %masked_sort3A_738, %masked_sort3A_739 = tpu.sort %masked_sort3A_736, %get3A_726 masked %masked_sort3A : (vector<16xi32>, vector<16xf32>, vector<16xi1>) -> (vector<16xi1>, vector<16xi32>, vector<16xf32>)
        %masked_sort3A_740 = arith.xori %masked_sort3A_738, %masked_sort3A_735 : vector<16xi32>
        %mul3A_741 = arith.constant 16 : i32
        %mul3A_742 = arith.muli %scan3A_721, %mul3A_741 : i32
        %add3A_743 = vector.broadcast %mul3A_742 : i32 to vector<16xi32>
        %add3A_744 = arith.addi %add3A_743, %iota3A : vector<16xi32>
        %mul3A_745 = arith.constant 80 : i32
        %mul3A_746 = vector.broadcast %mul3A_745 : i32 to vector<16xi32>
        %mul3A_747 = arith.muli %add3A_744, %mul3A_746 : vector<16xi32>
        %add3A_748 = vector.broadcast %add3A_709 : i32 to vector<16xi32>
        %add3A_749 = arith.addi %mul3A_747, %add3A_748 : vector<16xi32>
        %masked_sort3A_750 = arith.constant dense<true> : vector<16xi1>
        %masked_sort3A_751 = arith.constant -2147483648 : i32
        %masked_sort3A_752 = vector.broadcast %masked_sort3A_751 : i32 to vector<16xi32>
        %masked_sort3A_753 = arith.xori %select_n3A_733, %masked_sort3A_752 : vector<16xi32>
        %masked_sort3A_754, %masked_sort3A_755, %masked_sort3A_756 = tpu.sort %masked_sort3A_753, %add3A_749 masked %masked_sort3A_750 : (vector<16xi32>, vector<16xi32>, vector<16xi1>) -> (vector<16xi1>, vector<16xi32>, vector<16xi32>)
        %masked_sort3A_757 = arith.xori %masked_sort3A_755, %masked_sort3A_752 : vector<16xi32>
        %all_reduce_population_count3A = tpu.all_reduce %gt3A_727 {dim = 0 : i64, kind = #tpu.reduction_kind<sum>} : vector<16xi1> -> vector<16xi32>
        %lt3A_758 = arith.cmpi slt, %iota3A, %all_reduce_population_count3A : vector<16xi32>
        %add3A_759 = vector.broadcast %min3A_729 : i32 to vector<16xi32>
        %add3A_760 = arith.addi %add3A_759, %iota3A : vector<16xi32>
        tpu.vector_store_idx %arg9[%add3A_760], %masked_sort3A_739 masked %lt3A_758 : memref<2064xf32, #tpu.memory_space<vmem>>[vector<16xi32>], vector<16xf32>, vector<16xi1>
        tpu.vector_store_idx %arg10[%add3A_760], %masked_sort3A_756 masked %lt3A_758 : memref<2064xi32, #tpu.memory_space<vmem>>[vector<16xi32>], vector<16xi32>, vector<16xi1>
        %reduce_max3A_761 = arith.constant true
        %reduce_max3A_762 = vector.broadcast %reduce_max3A_761 : i1 to vector<16xi1>
        %reduce_max3A_763 = arith.constant -2147483648 : i32
        %reduce_max3A_764 = vector.broadcast %reduce_max3A_763 : i32 to vector<16xi32>
        %reduce_max3A_765 = arith.xori %all_reduce_population_count3A, %reduce_max3A_764 : vector<16xi32>
        %reduce_max3A_766 = tpu.scan <max>, %reduce_max3A_765 masked %reduce_max3A_762 : vector<16xi32>, vector<16xi1> -> vector<16xi32>
        %reduce_max3A_767 = arith.xori %reduce_max3A_766, %reduce_max3A_764 : vector<16xi32>
        %reduce_max3A_768 = vector.extract %reduce_max3A_767[15] : i32 from vector<16xi32>
        %add3A_769 = arith.addi %scan3A_722, %reduce_max3A_768 : i32
        scf.yield %add3A_769 : i32
      }
      %scan3A_720 = arith.constant 672 : i32
      scf.yield %scan3A_719 : i32
    }
    %scan3A_56 = arith.constant 10 : i32
    %min3A = arith.constant 2048 : i32
    %min3A_57 = arith.minsi %scan3A_55, %min3A : i32
    %add3A_58 = arith.constant 7 : i32
    %add3A_59 = arith.addi %min3A_57, %add3A_58 : i32
    %and3A_60 = arith.constant -8 : i32
    %and3A_61 = arith.andi %add3A_59, %and3A_60 : i32
    %sub3A_62 = arith.subi %and3A_61, %min3A_57 : i32
    %lt3A = vector.broadcast %sub3A_62 : i32 to vector<16xi32>
    %lt3A_63 = arith.cmpi slt, %iota3A, %lt3A : vector<16xi32>
    %add3A_64 = vector.broadcast %min3A_57 : i32 to vector<16xi32>
    %add3A_65 = arith.addi %add3A_64, %iota3A : vector<16xi32>
    %broadcast_in_dim3A = arith.constant 0.000000e+00 : f32
    %broadcast_in_dim3A_66 = vector.broadcast %broadcast_in_dim3A : f32 to vector<16xf32>
    tpu.vector_store_idx %arg9[%add3A_65], %broadcast_in_dim3A_66 masked %lt3A_63 : memref<2064xf32, #tpu.memory_space<vmem>>[vector<16xi32>], vector<16xf32>, vector<16xi1>
    %add3A_67 = vector.broadcast %min3A_57 : i32 to vector<16xi32>
    %add3A_68 = arith.addi %add3A_67, %iota3A : vector<16xi32>
    %broadcast_in_dim3A_69 = arith.constant 0 : i32
    %broadcast_in_dim3A_70 = vector.broadcast %broadcast_in_dim3A_69 : i32 to vector<16xi32>
    %add3A_71 = arith.constant 4194304 : i32
    %add3A_72 = vector.broadcast %add3A_71 : i32 to vector<16xi32>
    %add3A_73 = arith.addi %broadcast_in_dim3A_70, %add3A_72 : vector<16xi32>
    tpu.vector_store_idx %arg10[%add3A_68], %add3A_73 masked %lt3A_63 : memref<2064xi32, #tpu.memory_space<vmem>>[vector<16xi32>], vector<16xi32>, vector<16xi1>
    %broadcast_in_dim3A_74 = vector.broadcast %and3A_61 : i32 to vector<16xi32>
    %swap3A = arith.constant 0 : index
    %swap3A_75 = tpu.vector_load %arg11[%swap3A] {strides = array<i32>} : memref<16xi32, #tpu.memory_space<vmem>>, vector<16xi32>,
    tpu.vector_store %arg11[%swap3A], %broadcast_in_dim3A_74 {strides = array<i32>} : memref<16xi32, #tpu.memory_space<vmem>>, vector<16xi32>,
    %mul3A_76 = arith.constant 8 : i32
    %mul3A_77 = arith.muli %add3A, %mul3A_76 : i32
    %add3A_78 = arith.addi %mul3A_77, %rem3A_18 : i32
    %mul3A_79 = arith.constant 16 : i32
    %mul3A_80 = arith.muli %add3A_78, %mul3A_79 : i32
    "tpu.region"() ({
      %run_scoped3A = tpu.sem_alloc : memref<!tpu.dma_semaphore, #tpu.memory_space<semaphore_mem>>
      %dma_start3A = tpu.memref_slice %arg6[%mul3A_80] : memref<512xi32, #tpu.memory_space<hbm>> -> memref<16xi32, #tpu.memory_space<hbm>>
      %dma_start3A_705 = tpu.memref_slice %arg6[%mul3A_80] : memref<512xi32, #tpu.memory_space<hbm>> -> memref<16xi32, #tpu.memory_space<hbm>>
      tpu.enqueue_dma source(%arg11 : memref<16xi32, #tpu.memory_space<vmem>>) target(%dma_start3A_705 : memref<16xi32, #tpu.memory_space<hbm>>) target_semaphore(%run_scoped3A : memref<!tpu.dma_semaphore, #tpu.memory_space<semaphore_mem>>)
      %dma_wait3A = tpu.memref_slice %arg6[%mul3A_80] : memref<512xi32, #tpu.memory_space<hbm>> -> memref<16xi32, #tpu.memory_space<hbm>>
      %dma_wait3A_706 = tpu.memref_slice %arg6[%mul3A_80] : memref<512xi32, #tpu.memory_space<hbm>> -> memref<16xi32, #tpu.memory_space<hbm>>
      tpu.wait_dma2 semaphore(%run_scoped3A : memref<!tpu.dma_semaphore, #tpu.memory_space<semaphore_mem>>) src(%arg11 : memref<16xi32, #tpu.memory_space<vmem>>) dst(%dma_wait3A_706 : memref<16xi32, #tpu.memory_space<hbm>>)
      tpu.yield
    }) : () -> ()
    "tpu.region"() ({
      %run_scoped3A = tpu.sem_alloc : memref<!tpu.dma_semaphore, #tpu.memory_space<semaphore_mem>>
      %dma_start3A = arith.constant 0 : i32
      %dma_start3A_705 = tpu.memref_slice %arg12[%add3A_47, %dma_start3A] : memref<32x16xi32, #tpu.memory_space<vmem_shared>> -> memref<1x16xi32, #tpu.memory_space<vmem_shared>>
      %dma_start3A_706 = tpu.memref_squeeze %dma_start3A_705 : memref<1x16xi32, #tpu.memory_space<vmem_shared>> -> memref<16xi32, #tpu.memory_space<vmem_shared>>
      %dma_start3A_707 = arith.constant 0 : i32
      %dma_start3A_708 = tpu.memref_slice %arg12[%add3A_47, %dma_start3A_707] : memref<32x16xi32, #tpu.memory_space<vmem_shared>> -> memref<1x16xi32, #tpu.memory_space<vmem_shared>>
      %dma_start3A_709 = tpu.memref_squeeze %dma_start3A_708 : memref<1x16xi32, #tpu.memory_space<vmem_shared>> -> memref<16xi32, #tpu.memory_space<vmem_shared>>
      tpu.enqueue_dma source(%arg11 : memref<16xi32, #tpu.memory_space<vmem>>) target(%dma_start3A_709 : memref<16xi32, #tpu.memory_space<vmem_shared>>) target_semaphore(%run_scoped3A : memref<!tpu.dma_semaphore, #tpu.memory_space<semaphore_mem>>)
      %dma_wait3A = arith.constant 0 : i32
      %dma_wait3A_710 = tpu.memref_slice %arg12[%add3A_47, %dma_wait3A] : memref<32x16xi32, #tpu.memory_space<vmem_shared>> -> memref<1x16xi32, #tpu.memory_space<vmem_shared>>
      %dma_wait3A_711 = tpu.memref_squeeze %dma_wait3A_710 : memref<1x16xi32, #tpu.memory_space<vmem_shared>> -> memref<16xi32, #tpu.memory_space<vmem_shared>>
      %dma_wait3A_712 = arith.constant 0 : i32
      %dma_wait3A_713 = tpu.memref_slice %arg12[%add3A_47, %dma_wait3A_712] : memref<32x16xi32, #tpu.memory_space<vmem_shared>> -> memref<1x16xi32, #tpu.memory_space<vmem_shared>>
      %dma_wait3A_714 = tpu.memref_squeeze %dma_wait3A_713 : memref<1x16xi32, #tpu.memory_space<vmem_shared>> -> memref<16xi32, #tpu.memory_space<vmem_shared>>
      tpu.wait_dma2 semaphore(%run_scoped3A : memref<!tpu.dma_semaphore, #tpu.memory_space<semaphore_mem>>) src(%arg11 : memref<16xi32, #tpu.memory_space<vmem>>) dst(%dma_wait3A_714 : memref<16xi32, #tpu.memory_space<vmem_shared>>)
      tpu.yield
    }) : () -> ()
    %barrier3A = arith.constant 0 : index
    tpu.barrier barrier_id(%barrier3A)
    "tpu.region"() ({
      %run_scoped3A = tpu.sem_alloc : memref<!tpu.dma_semaphore, #tpu.memory_space<semaphore_mem>>
      tpu.enqueue_dma source(%arg12 : memref<32x16xi32, #tpu.memory_space<vmem_shared>>) target(%arg13 : memref<32x16xi32, #tpu.memory_space<vmem>>) target_semaphore(%run_scoped3A : memref<!tpu.dma_semaphore, #tpu.memory_space<semaphore_mem>>)
      tpu.wait_dma2 semaphore(%run_scoped3A : memref<!tpu.dma_semaphore, #tpu.memory_space<semaphore_mem>>) src(%arg12 : memref<32x16xi32, #tpu.memory_space<vmem_shared>>) dst(%arg13 : memref<32x16xi32, #tpu.memory_space<vmem>>)
      tpu.yield
    }) : () -> ()
    %broadcast_in_dim3A_81 = arith.constant 0 : i32
    %broadcast_in_dim3A_82 = vector.broadcast %broadcast_in_dim3A_81 : i32 to vector<16xi32>
    %mul3A_83 = arith.constant 16 : i32
    %mul3A_84 = arith.muli %arg0, %mul3A_83 : i32
    %add3A_85 = arith.addi %mul3A_84, %mul3A_44 : i32
    %mul3A_86 = arith.constant 16 : i32
    %mul3A_87 = arith.muli %arg0, %mul3A_86 : i32
    %add3A_88 = arith.addi %mul3A_87, %arg1 : i32
    %le3A = arith.constant 0 : i32
    %le3A_89 = arith.cmpi sle, %add3A_85, %le3A : i32
    %gt3A = arith.constant 0 : i32
    %gt3A_90 = arith.cmpi sgt, %add3A_88, %gt3A : i32
    %and3A_91 = arith.andi %le3A_89, %gt3A_90 : i1
    %broadcast_in_dim3A_92 = vector.broadcast %and3A_91 : i1 to vector<16xi1>
    %get3A_93 = arith.constant 0 : i32
    %get3A_94 = arith.index_cast %get3A_93 : i32 to index
    %get3A_95 = arith.constant 0 : index
    %get3A_96 = tpu.vector_load %arg13[%get3A_94, %get3A_95] {strides = array<i32>} : memref<32x16xi32, #tpu.memory_space<vmem>>, vector<16xi32>,
    %jit3A_97 = arith.constant 0 : i32
    %broadcast_in_dim3A_98 = vector.broadcast %jit3A_97 : i32 to vector<16xi32>
    %select_n3A_99 = arith.select %broadcast_in_dim3A_92, %get3A_96, %broadcast_in_dim3A_98 : vector<16xi1>, vector<16xi32>
    %add3A_100 = arith.addi %broadcast_in_dim3A_82, %select_n3A_99 : vector<16xi32>
    %le3A_101 = arith.constant 1 : i32
    %le3A_102 = arith.cmpi sle, %add3A_85, %le3A_101 : i32
    %gt3A_103 = arith.constant 1 : i32
    %gt3A_104 = arith.cmpi sgt, %add3A_88, %gt3A_103 : i32
    %and3A_105 = arith.andi %le3A_102, %gt3A_104 : i1
    %broadcast_in_dim3A_106 = vector.broadcast %and3A_105 : i1 to vector<16xi1>
    %get3A_107 = arith.constant 1 : i32
    %get3A_108 = arith.index_cast %get3A_107 : i32 to index
    %get3A_109 = arith.constant 0 : index
    %get3A_110 = tpu.vector_load %arg13[%get3A_108, %get3A_109] {strides = array<i32>} : memref<32x16xi32, #tpu.memory_space<vmem>>, vector<16xi32>,
    %jit3A_111 = arith.constant 0 : i32
    %broadcast_in_dim3A_112 = vector.broadcast %jit3A_111 : i32 to vector<16xi32>
    %select_n3A_113 = arith.select %broadcast_in_dim3A_106, %get3A_110, %broadcast_in_dim3A_112 : vector<16xi1>, vector<16xi32>
    %add3A_114 = arith.addi %add3A_100, %select_n3A_113 : vector<16xi32>
    %le3A_115 = arith.constant 2 : i32
    %le3A_116 = arith.cmpi sle, %add3A_85, %le3A_115 : i32
    %gt3A_117 = arith.constant 2 : i32
    %gt3A_118 = arith.cmpi sgt, %add3A_88, %gt3A_117 : i32
    %and3A_119 = arith.andi %le3A_116, %gt3A_118 : i1
    %broadcast_in_dim3A_120 = vector.broadcast %and3A_119 : i1 to vector<16xi1>
    %get3A_121 = arith.constant 2 : i32
    %get3A_122 = arith.index_cast %get3A_121 : i32 to index
    %get3A_123 = arith.constant 0 : index
    %get3A_124 = tpu.vector_load %arg13[%get3A_122, %get3A_123] {strides = array<i32>} : memref<32x16xi32, #tpu.memory_space<vmem>>, vector<16xi32>,
    %jit3A_125 = arith.constant 0 : i32
    %broadcast_in_dim3A_126 = vector.broadcast %jit3A_125 : i32 to vector<16xi32>
    %select_n3A_127 = arith.select %broadcast_in_dim3A_120, %get3A_124, %broadcast_in_dim3A_126 : vector<16xi1>, vector<16xi32>
    %add3A_128 = arith.addi %add3A_114, %select_n3A_127 : vector<16xi32>
    %le3A_129 = arith.constant 3 : i32
    %le3A_130 = arith.cmpi sle, %add3A_85, %le3A_129 : i32
    %gt3A_131 = arith.constant 3 : i32
    %gt3A_132 = arith.cmpi sgt, %add3A_88, %gt3A_131 : i32
    %and3A_133 = arith.andi %le3A_130, %gt3A_132 : i1
    %broadcast_in_dim3A_134 = vector.broadcast %and3A_133 : i1 to vector<16xi1>
    %get3A_135 = arith.constant 3 : i32
    %get3A_136 = arith.index_cast %get3A_135 : i32 to index
    %get3A_137 = arith.constant 0 : index
    %get3A_138 = tpu.vector_load %arg13[%get3A_136, %get3A_137] {strides = array<i32>} : memref<32x16xi32, #tpu.memory_space<vmem>>, vector<16xi32>,
    %jit3A_139 = arith.constant 0 : i32
    %broadcast_in_dim3A_140 = vector.broadcast %jit3A_139 : i32 to vector<16xi32>
    %select_n3A_141 = arith.select %broadcast_in_dim3A_134, %get3A_138, %broadcast_in_dim3A_140 : vector<16xi1>, vector<16xi32>
    %add3A_142 = arith.addi %add3A_128, %select_n3A_141 : vector<16xi32>
    %le3A_143 = arith.constant 4 : i32
    %le3A_144 = arith.cmpi sle, %add3A_85, %le3A_143 : i32
    %gt3A_145 = arith.constant 4 : i32
    %gt3A_146 = arith.cmpi sgt, %add3A_88, %gt3A_145 : i32
    %and3A_147 = arith.andi %le3A_144, %gt3A_146 : i1
    %broadcast_in_dim3A_148 = vector.broadcast %and3A_147 : i1 to vector<16xi1>
    %get3A_149 = arith.constant 4 : i32
    %get3A_150 = arith.index_cast %get3A_149 : i32 to index
    %get3A_151 = arith.constant 0 : index
    %get3A_152 = tpu.vector_load %arg13[%get3A_150, %get3A_151] {strides = array<i32>} : memref<32x16xi32, #tpu.memory_space<vmem>>, vector<16xi32>,
    %jit3A_153 = arith.constant 0 : i32
    %broadcast_in_dim3A_154 = vector.broadcast %jit3A_153 : i32 to vector<16xi32>
    %select_n3A_155 = arith.select %broadcast_in_dim3A_148, %get3A_152, %broadcast_in_dim3A_154 : vector<16xi1>, vector<16xi32>
    %add3A_156 = arith.addi %add3A_142, %select_n3A_155 : vector<16xi32>
    %le3A_157 = arith.constant 5 : i32
    %le3A_158 = arith.cmpi sle, %add3A_85, %le3A_157 : i32
    %gt3A_159 = arith.constant 5 : i32
    %gt3A_160 = arith.cmpi sgt, %add3A_88, %gt3A_159 : i32
    %and3A_161 = arith.andi %le3A_158, %gt3A_160 : i1
    %broadcast_in_dim3A_162 = vector.broadcast %and3A_161 : i1 to vector<16xi1>
    %get3A_163 = arith.constant 5 : i32
    %get3A_164 = arith.index_cast %get3A_163 : i32 to index
    %get3A_165 = arith.constant 0 : index
    %get3A_166 = tpu.vector_load %arg13[%get3A_164, %get3A_165] {strides = array<i32>} : memref<32x16xi32, #tpu.memory_space<vmem>>, vector<16xi32>,
    %jit3A_167 = arith.constant 0 : i32
    %broadcast_in_dim3A_168 = vector.broadcast %jit3A_167 : i32 to vector<16xi32>
    %select_n3A_169 = arith.select %broadcast_in_dim3A_162, %get3A_166, %broadcast_in_dim3A_168 : vector<16xi1>, vector<16xi32>
    %add3A_170 = arith.addi %add3A_156, %select_n3A_169 : vector<16xi32>
    %le3A_171 = arith.constant 6 : i32
    %le3A_172 = arith.cmpi sle, %add3A_85, %le3A_171 : i32
    %gt3A_173 = arith.constant 6 : i32
    %gt3A_174 = arith.cmpi sgt, %add3A_88, %gt3A_173 : i32
    %and3A_175 = arith.andi %le3A_172, %gt3A_174 : i1
    %broadcast_in_dim3A_176 = vector.broadcast %and3A_175 : i1 to vector<16xi1>
    %get3A_177 = arith.constant 6 : i32
    %get3A_178 = arith.index_cast %get3A_177 : i32 to index
    %get3A_179 = arith.constant 0 : index
    %get3A_180 = tpu.vector_load %arg13[%get3A_178, %get3A_179] {strides = array<i32>} : memref<32x16xi32, #tpu.memory_space<vmem>>, vector<16xi32>,
    %jit3A_181 = arith.constant 0 : i32
    %broadcast_in_dim3A_182 = vector.broadcast %jit3A_181 : i32 to vector<16xi32>
    %select_n3A_183 = arith.select %broadcast_in_dim3A_176, %get3A_180, %broadcast_in_dim3A_182 : vector<16xi1>, vector<16xi32>
    %add3A_184 = arith.addi %add3A_170, %select_n3A_183 : vector<16xi32>
    %le3A_185 = arith.constant 7 : i32
    %le3A_186 = arith.cmpi sle, %add3A_85, %le3A_185 : i32
    %gt3A_187 = arith.constant 7 : i32
    %gt3A_188 = arith.cmpi sgt, %add3A_88, %gt3A_187 : i32
    %and3A_189 = arith.andi %le3A_186, %gt3A_188 : i1
    %broadcast_in_dim3A_190 = vector.broadcast %and3A_189 : i1 to vector<16xi1>
    %get3A_191 = arith.constant 7 : i32
    %get3A_192 = arith.index_cast %get3A_191 : i32 to index
    %get3A_193 = arith.constant 0 : index
    %get3A_194 = tpu.vector_load %arg13[%get3A_192, %get3A_193] {strides = array<i32>} : memref<32x16xi32, #tpu.memory_space<vmem>>, vector<16xi32>,
    %jit3A_195 = arith.constant 0 : i32
    %broadcast_in_dim3A_196 = vector.broadcast %jit3A_195 : i32 to vector<16xi32>
    %select_n3A_197 = arith.select %broadcast_in_dim3A_190, %get3A_194, %broadcast_in_dim3A_196 : vector<16xi1>, vector<16xi32>
    %add3A_198 = arith.addi %add3A_184, %select_n3A_197 : vector<16xi32>
    %le3A_199 = arith.constant 8 : i32
    %le3A_200 = arith.cmpi sle, %add3A_85, %le3A_199 : i32
    %gt3A_201 = arith.constant 8 : i32
    %gt3A_202 = arith.cmpi sgt, %add3A_88, %gt3A_201 : i32
    %and3A_203 = arith.andi %le3A_200, %gt3A_202 : i1
    %broadcast_in_dim3A_204 = vector.broadcast %and3A_203 : i1 to vector<16xi1>
    %get3A_205 = arith.constant 8 : i32
    %get3A_206 = arith.index_cast %get3A_205 : i32 to index
    %get3A_207 = arith.constant 0 : index
    %get3A_208 = tpu.vector_load %arg13[%get3A_206, %get3A_207] {strides = array<i32>} : memref<32x16xi32, #tpu.memory_space<vmem>>, vector<16xi32>,
    %jit3A_209 = arith.constant 0 : i32
    %broadcast_in_dim3A_210 = vector.broadcast %jit3A_209 : i32 to vector<16xi32>
    %select_n3A_211 = arith.select %broadcast_in_dim3A_204, %get3A_208, %broadcast_in_dim3A_210 : vector<16xi1>, vector<16xi32>
    %add3A_212 = arith.addi %add3A_198, %select_n3A_211 : vector<16xi32>
    %le3A_213 = arith.constant 9 : i32
    %le3A_214 = arith.cmpi sle, %add3A_85, %le3A_213 : i32
    %gt3A_215 = arith.constant 9 : i32
    %gt3A_216 = arith.cmpi sgt, %add3A_88, %gt3A_215 : i32
    %and3A_217 = arith.andi %le3A_214, %gt3A_216 : i1
    %broadcast_in_dim3A_218 = vector.broadcast %and3A_217 : i1 to vector<16xi1>
    %get3A_219 = arith.constant 9 : i32
    %get3A_220 = arith.index_cast %get3A_219 : i32 to index
    %get3A_221 = arith.constant 0 : index
    %get3A_222 = tpu.vector_load %arg13[%get3A_220, %get3A_221] {strides = array<i32>} : memref<32x16xi32, #tpu.memory_space<vmem>>, vector<16xi32>,
    %jit3A_223 = arith.constant 0 : i32
    %broadcast_in_dim3A_224 = vector.broadcast %jit3A_223 : i32 to vector<16xi32>
    %select_n3A_225 = arith.select %broadcast_in_dim3A_218, %get3A_222, %broadcast_in_dim3A_224 : vector<16xi1>, vector<16xi32>
    %add3A_226 = arith.addi %add3A_212, %select_n3A_225 : vector<16xi32>
    %le3A_227 = arith.constant 10 : i32
    %le3A_228 = arith.cmpi sle, %add3A_85, %le3A_227 : i32
    %gt3A_229 = arith.constant 10 : i32
    %gt3A_230 = arith.cmpi sgt, %add3A_88, %gt3A_229 : i32
    %and3A_231 = arith.andi %le3A_228, %gt3A_230 : i1
    %broadcast_in_dim3A_232 = vector.broadcast %and3A_231 : i1 to vector<16xi1>
    %get3A_233 = arith.constant 10 : i32
    %get3A_234 = arith.index_cast %get3A_233 : i32 to index
    %get3A_235 = arith.constant 0 : index
    %get3A_236 = tpu.vector_load %arg13[%get3A_234, %get3A_235] {strides = array<i32>} : memref<32x16xi32, #tpu.memory_space<vmem>>, vector<16xi32>,
    %jit3A_237 = arith.constant 0 : i32
    %broadcast_in_dim3A_238 = vector.broadcast %jit3A_237 : i32 to vector<16xi32>
    %select_n3A_239 = arith.select %broadcast_in_dim3A_232, %get3A_236, %broadcast_in_dim3A_238 : vector<16xi1>, vector<16xi32>
    %add3A_240 = arith.addi %add3A_226, %select_n3A_239 : vector<16xi32>
    %le3A_241 = arith.constant 11 : i32
    %le3A_242 = arith.cmpi sle, %add3A_85, %le3A_241 : i32
    %gt3A_243 = arith.constant 11 : i32
    %gt3A_244 = arith.cmpi sgt, %add3A_88, %gt3A_243 : i32
    %and3A_245 = arith.andi %le3A_242, %gt3A_244 : i1
    %broadcast_in_dim3A_246 = vector.broadcast %and3A_245 : i1 to vector<16xi1>
    %get3A_247 = arith.constant 11 : i32
    %get3A_248 = arith.index_cast %get3A_247 : i32 to index
    %get3A_249 = arith.constant 0 : index
    %get3A_250 = tpu.vector_load %arg13[%get3A_248, %get3A_249] {strides = array<i32>} : memref<32x16xi32, #tpu.memory_space<vmem>>, vector<16xi32>,
    %jit3A_251 = arith.constant 0 : i32
    %broadcast_in_dim3A_252 = vector.broadcast %jit3A_251 : i32 to vector<16xi32>
    %select_n3A_253 = arith.select %broadcast_in_dim3A_246, %get3A_250, %broadcast_in_dim3A_252 : vector<16xi1>, vector<16xi32>
    %add3A_254 = arith.addi %add3A_240, %select_n3A_253 : vector<16xi32>
    %le3A_255 = arith.constant 12 : i32
    %le3A_256 = arith.cmpi sle, %add3A_85, %le3A_255 : i32
    %gt3A_257 = arith.constant 12 : i32
    %gt3A_258 = arith.cmpi sgt, %add3A_88, %gt3A_257 : i32
    %and3A_259 = arith.andi %le3A_256, %gt3A_258 : i1
    %broadcast_in_dim3A_260 = vector.broadcast %and3A_259 : i1 to vector<16xi1>
    %get3A_261 = arith.constant 12 : i32
    %get3A_262 = arith.index_cast %get3A_261 : i32 to index
    %get3A_263 = arith.constant 0 : index
    %get3A_264 = tpu.vector_load %arg13[%get3A_262, %get3A_263] {strides = array<i32>} : memref<32x16xi32, #tpu.memory_space<vmem>>, vector<16xi32>,
    %jit3A_265 = arith.constant 0 : i32
    %broadcast_in_dim3A_266 = vector.broadcast %jit3A_265 : i32 to vector<16xi32>
    %select_n3A_267 = arith.select %broadcast_in_dim3A_260, %get3A_264, %broadcast_in_dim3A_266 : vector<16xi1>, vector<16xi32>
    %add3A_268 = arith.addi %add3A_254, %select_n3A_267 : vector<16xi32>
    %le3A_269 = arith.constant 13 : i32
    %le3A_270 = arith.cmpi sle, %add3A_85, %le3A_269 : i32
    %gt3A_271 = arith.constant 13 : i32
    %gt3A_272 = arith.cmpi sgt, %add3A_88, %gt3A_271 : i32
    %and3A_273 = arith.andi %le3A_270, %gt3A_272 : i1
    %broadcast_in_dim3A_274 = vector.broadcast %and3A_273 : i1 to vector<16xi1>
    %get3A_275 = arith.constant 13 : i32
    %get3A_276 = arith.index_cast %get3A_275 : i32 to index
    %get3A_277 = arith.constant 0 : index
    %get3A_278 = tpu.vector_load %arg13[%get3A_276, %get3A_277] {strides = array<i32>} : memref<32x16xi32, #tpu.memory_space<vmem>>, vector<16xi32>,
    %jit3A_279 = arith.constant 0 : i32
    %broadcast_in_dim3A_280 = vector.broadcast %jit3A_279 : i32 to vector<16xi32>
    %select_n3A_281 = arith.select %broadcast_in_dim3A_274, %get3A_278, %broadcast_in_dim3A_280 : vector<16xi1>, vector<16xi32>
    %add3A_282 = arith.addi %add3A_268, %select_n3A_281 : vector<16xi32>
    %le3A_283 = arith.constant 14 : i32
    %le3A_284 = arith.cmpi sle, %add3A_85, %le3A_283 : i32
    %gt3A_285 = arith.constant 14 : i32
    %gt3A_286 = arith.cmpi sgt, %add3A_88, %gt3A_285 : i32
    %and3A_287 = arith.andi %le3A_284, %gt3A_286 : i1
    %broadcast_in_dim3A_288 = vector.broadcast %and3A_287 : i1 to vector<16xi1>
    %get3A_289 = arith.constant 14 : i32
    %get3A_290 = arith.index_cast %get3A_289 : i32 to index
    %get3A_291 = arith.constant 0 : index
    %get3A_292 = tpu.vector_load %arg13[%get3A_290, %get3A_291] {strides = array<i32>} : memref<32x16xi32, #tpu.memory_space<vmem>>, vector<16xi32>,
    %jit3A_293 = arith.constant 0 : i32
    %broadcast_in_dim3A_294 = vector.broadcast %jit3A_293 : i32 to vector<16xi32>
    %select_n3A_295 = arith.select %broadcast_in_dim3A_288, %get3A_292, %broadcast_in_dim3A_294 : vector<16xi1>, vector<16xi32>
    %add3A_296 = arith.addi %add3A_282, %select_n3A_295 : vector<16xi32>
    %le3A_297 = arith.constant 15 : i32
    %le3A_298 = arith.cmpi sle, %add3A_85, %le3A_297 : i32
    %gt3A_299 = arith.constant 15 : i32
    %gt3A_300 = arith.cmpi sgt, %add3A_88, %gt3A_299 : i32
    %and3A_301 = arith.andi %le3A_298, %gt3A_300 : i1
    %broadcast_in_dim3A_302 = vector.broadcast %and3A_301 : i1 to vector<16xi1>
    %get3A_303 = arith.constant 15 : i32
    %get3A_304 = arith.index_cast %get3A_303 : i32 to index
    %get3A_305 = arith.constant 0 : index
    %get3A_306 = tpu.vector_load %arg13[%get3A_304, %get3A_305] {strides = array<i32>} : memref<32x16xi32, #tpu.memory_space<vmem>>, vector<16xi32>,
    %jit3A_307 = arith.constant 0 : i32
    %broadcast_in_dim3A_308 = vector.broadcast %jit3A_307 : i32 to vector<16xi32>
    %select_n3A_309 = arith.select %broadcast_in_dim3A_302, %get3A_306, %broadcast_in_dim3A_308 : vector<16xi1>, vector<16xi32>
    %add3A_310 = arith.addi %add3A_296, %select_n3A_309 : vector<16xi32>
    %le3A_311 = arith.constant 16 : i32
    %le3A_312 = arith.cmpi sle, %add3A_85, %le3A_311 : i32
    %gt3A_313 = arith.constant 16 : i32
    %gt3A_314 = arith.cmpi sgt, %add3A_88, %gt3A_313 : i32
    %and3A_315 = arith.andi %le3A_312, %gt3A_314 : i1
    %broadcast_in_dim3A_316 = vector.broadcast %and3A_315 : i1 to vector<16xi1>
    %get3A_317 = arith.constant 16 : i32
    %get3A_318 = arith.index_cast %get3A_317 : i32 to index
    %get3A_319 = arith.constant 0 : index
    %get3A_320 = tpu.vector_load %arg13[%get3A_318, %get3A_319] {strides = array<i32>} : memref<32x16xi32, #tpu.memory_space<vmem>>, vector<16xi32>,
    %jit3A_321 = arith.constant 0 : i32
    %broadcast_in_dim3A_322 = vector.broadcast %jit3A_321 : i32 to vector<16xi32>
    %select_n3A_323 = arith.select %broadcast_in_dim3A_316, %get3A_320, %broadcast_in_dim3A_322 : vector<16xi1>, vector<16xi32>
    %add3A_324 = arith.addi %add3A_310, %select_n3A_323 : vector<16xi32>
    %le3A_325 = arith.constant 17 : i32
    %le3A_326 = arith.cmpi sle, %add3A_85, %le3A_325 : i32
    %gt3A_327 = arith.constant 17 : i32
    %gt3A_328 = arith.cmpi sgt, %add3A_88, %gt3A_327 : i32
    %and3A_329 = arith.andi %le3A_326, %gt3A_328 : i1
    %broadcast_in_dim3A_330 = vector.broadcast %and3A_329 : i1 to vector<16xi1>
    %get3A_331 = arith.constant 17 : i32
    %get3A_332 = arith.index_cast %get3A_331 : i32 to index
    %get3A_333 = arith.constant 0 : index
    %get3A_334 = tpu.vector_load %arg13[%get3A_332, %get3A_333] {strides = array<i32>} : memref<32x16xi32, #tpu.memory_space<vmem>>, vector<16xi32>,
    %jit3A_335 = arith.constant 0 : i32
    %broadcast_in_dim3A_336 = vector.broadcast %jit3A_335 : i32 to vector<16xi32>
    %select_n3A_337 = arith.select %broadcast_in_dim3A_330, %get3A_334, %broadcast_in_dim3A_336 : vector<16xi1>, vector<16xi32>
    %add3A_338 = arith.addi %add3A_324, %select_n3A_337 : vector<16xi32>
    %le3A_339 = arith.constant 18 : i32
    %le3A_340 = arith.cmpi sle, %add3A_85, %le3A_339 : i32
    %gt3A_341 = arith.constant 18 : i32
    %gt3A_342 = arith.cmpi sgt, %add3A_88, %gt3A_341 : i32
    %and3A_343 = arith.andi %le3A_340, %gt3A_342 : i1
    %broadcast_in_dim3A_344 = vector.broadcast %and3A_343 : i1 to vector<16xi1>
    %get3A_345 = arith.constant 18 : i32
    %get3A_346 = arith.index_cast %get3A_345 : i32 to index
    %get3A_347 = arith.constant 0 : index
    %get3A_348 = tpu.vector_load %arg13[%get3A_346, %get3A_347] {strides = array<i32>} : memref<32x16xi32, #tpu.memory_space<vmem>>, vector<16xi32>,
    %jit3A_349 = arith.constant 0 : i32
    %broadcast_in_dim3A_350 = vector.broadcast %jit3A_349 : i32 to vector<16xi32>
    %select_n3A_351 = arith.select %broadcast_in_dim3A_344, %get3A_348, %broadcast_in_dim3A_350 : vector<16xi1>, vector<16xi32>
    %add3A_352 = arith.addi %add3A_338, %select_n3A_351 : vector<16xi32>
    %le3A_353 = arith.constant 19 : i32
    %le3A_354 = arith.cmpi sle, %add3A_85, %le3A_353 : i32
    %gt3A_355 = arith.constant 19 : i32
    %gt3A_356 = arith.cmpi sgt, %add3A_88, %gt3A_355 : i32
    %and3A_357 = arith.andi %le3A_354, %gt3A_356 : i1
    %broadcast_in_dim3A_358 = vector.broadcast %and3A_357 : i1 to vector<16xi1>
    %get3A_359 = arith.constant 19 : i32
    %get3A_360 = arith.index_cast %get3A_359 : i32 to index
    %get3A_361 = arith.constant 0 : index
    %get3A_362 = tpu.vector_load %arg13[%get3A_360, %get3A_361] {strides = array<i32>} : memref<32x16xi32, #tpu.memory_space<vmem>>, vector<16xi32>,
    %jit3A_363 = arith.constant 0 : i32
    %broadcast_in_dim3A_364 = vector.broadcast %jit3A_363 : i32 to vector<16xi32>
    %select_n3A_365 = arith.select %broadcast_in_dim3A_358, %get3A_362, %broadcast_in_dim3A_364 : vector<16xi1>, vector<16xi32>
    %add3A_366 = arith.addi %add3A_352, %select_n3A_365 : vector<16xi32>
    %le3A_367 = arith.constant 20 : i32
    %le3A_368 = arith.cmpi sle, %add3A_85, %le3A_367 : i32
    %gt3A_369 = arith.constant 20 : i32
    %gt3A_370 = arith.cmpi sgt, %add3A_88, %gt3A_369 : i32
    %and3A_371 = arith.andi %le3A_368, %gt3A_370 : i1
    %broadcast_in_dim3A_372 = vector.broadcast %and3A_371 : i1 to vector<16xi1>
    %get3A_373 = arith.constant 20 : i32
    %get3A_374 = arith.index_cast %get3A_373 : i32 to index
    %get3A_375 = arith.constant 0 : index
    %get3A_376 = tpu.vector_load %arg13[%get3A_374, %get3A_375] {strides = array<i32>} : memref<32x16xi32, #tpu.memory_space<vmem>>, vector<16xi32>,
    %jit3A_377 = arith.constant 0 : i32
    %broadcast_in_dim3A_378 = vector.broadcast %jit3A_377 : i32 to vector<16xi32>
    %select_n3A_379 = arith.select %broadcast_in_dim3A_372, %get3A_376, %broadcast_in_dim3A_378 : vector<16xi1>, vector<16xi32>
    %add3A_380 = arith.addi %add3A_366, %select_n3A_379 : vector<16xi32>
    %le3A_381 = arith.constant 21 : i32
    %le3A_382 = arith.cmpi sle, %add3A_85, %le3A_381 : i32
    %gt3A_383 = arith.constant 21 : i32
    %gt3A_384 = arith.cmpi sgt, %add3A_88, %gt3A_383 : i32
    %and3A_385 = arith.andi %le3A_382, %gt3A_384 : i1
    %broadcast_in_dim3A_386 = vector.broadcast %and3A_385 : i1 to vector<16xi1>
    %get3A_387 = arith.constant 21 : i32
    %get3A_388 = arith.index_cast %get3A_387 : i32 to index
    %get3A_389 = arith.constant 0 : index
    %get3A_390 = tpu.vector_load %arg13[%get3A_388, %get3A_389] {strides = array<i32>} : memref<32x16xi32, #tpu.memory_space<vmem>>, vector<16xi32>,
    %jit3A_391 = arith.constant 0 : i32
    %broadcast_in_dim3A_392 = vector.broadcast %jit3A_391 : i32 to vector<16xi32>
    %select_n3A_393 = arith.select %broadcast_in_dim3A_386, %get3A_390, %broadcast_in_dim3A_392 : vector<16xi1>, vector<16xi32>
    %add3A_394 = arith.addi %add3A_380, %select_n3A_393 : vector<16xi32>
    %le3A_395 = arith.constant 22 : i32
    %le3A_396 = arith.cmpi sle, %add3A_85, %le3A_395 : i32
    %gt3A_397 = arith.constant 22 : i32
    %gt3A_398 = arith.cmpi sgt, %add3A_88, %gt3A_397 : i32
    %and3A_399 = arith.andi %le3A_396, %gt3A_398 : i1
    %broadcast_in_dim3A_400 = vector.broadcast %and3A_399 : i1 to vector<16xi1>
    %get3A_401 = arith.constant 22 : i32
    %get3A_402 = arith.index_cast %get3A_401 : i32 to index
    %get3A_403 = arith.constant 0 : index
    %get3A_404 = tpu.vector_load %arg13[%get3A_402, %get3A_403] {strides = array<i32>} : memref<32x16xi32, #tpu.memory_space<vmem>>, vector<16xi32>,
    %jit3A_405 = arith.constant 0 : i32
    %broadcast_in_dim3A_406 = vector.broadcast %jit3A_405 : i32 to vector<16xi32>
    %select_n3A_407 = arith.select %broadcast_in_dim3A_400, %get3A_404, %broadcast_in_dim3A_406 : vector<16xi1>, vector<16xi32>
    %add3A_408 = arith.addi %add3A_394, %select_n3A_407 : vector<16xi32>
    %le3A_409 = arith.constant 23 : i32
    %le3A_410 = arith.cmpi sle, %add3A_85, %le3A_409 : i32
    %gt3A_411 = arith.constant 23 : i32
    %gt3A_412 = arith.cmpi sgt, %add3A_88, %gt3A_411 : i32
    %and3A_413 = arith.andi %le3A_410, %gt3A_412 : i1
    %broadcast_in_dim3A_414 = vector.broadcast %and3A_413 : i1 to vector<16xi1>
    %get3A_415 = arith.constant 23 : i32
    %get3A_416 = arith.index_cast %get3A_415 : i32 to index
    %get3A_417 = arith.constant 0 : index
    %get3A_418 = tpu.vector_load %arg13[%get3A_416, %get3A_417] {strides = array<i32>} : memref<32x16xi32, #tpu.memory_space<vmem>>, vector<16xi32>,
    %jit3A_419 = arith.constant 0 : i32
    %broadcast_in_dim3A_420 = vector.broadcast %jit3A_419 : i32 to vector<16xi32>
    %select_n3A_421 = arith.select %broadcast_in_dim3A_414, %get3A_418, %broadcast_in_dim3A_420 : vector<16xi1>, vector<16xi32>
    %add3A_422 = arith.addi %add3A_408, %select_n3A_421 : vector<16xi32>
    %le3A_423 = arith.constant 24 : i32
    %le3A_424 = arith.cmpi sle, %add3A_85, %le3A_423 : i32
    %gt3A_425 = arith.constant 24 : i32
    %gt3A_426 = arith.cmpi sgt, %add3A_88, %gt3A_425 : i32
    %and3A_427 = arith.andi %le3A_424, %gt3A_426 : i1
    %broadcast_in_dim3A_428 = vector.broadcast %and3A_427 : i1 to vector<16xi1>
    %get3A_429 = arith.constant 24 : i32
    %get3A_430 = arith.index_cast %get3A_429 : i32 to index
    %get3A_431 = arith.constant 0 : index
    %get3A_432 = tpu.vector_load %arg13[%get3A_430, %get3A_431] {strides = array<i32>} : memref<32x16xi32, #tpu.memory_space<vmem>>, vector<16xi32>,
    %jit3A_433 = arith.constant 0 : i32
    %broadcast_in_dim3A_434 = vector.broadcast %jit3A_433 : i32 to vector<16xi32>
    %select_n3A_435 = arith.select %broadcast_in_dim3A_428, %get3A_432, %broadcast_in_dim3A_434 : vector<16xi1>, vector<16xi32>
    %add3A_436 = arith.addi %add3A_422, %select_n3A_435 : vector<16xi32>
    %le3A_437 = arith.constant 25 : i32
    %le3A_438 = arith.cmpi sle, %add3A_85, %le3A_437 : i32
    %gt3A_439 = arith.constant 25 : i32
    %gt3A_440 = arith.cmpi sgt, %add3A_88, %gt3A_439 : i32
    %and3A_441 = arith.andi %le3A_438, %gt3A_440 : i1
    %broadcast_in_dim3A_442 = vector.broadcast %and3A_441 : i1 to vector<16xi1>
    %get3A_443 = arith.constant 25 : i32
    %get3A_444 = arith.index_cast %get3A_443 : i32 to index
    %get3A_445 = arith.constant 0 : index
    %get3A_446 = tpu.vector_load %arg13[%get3A_444, %get3A_445] {strides = array<i32>} : memref<32x16xi32, #tpu.memory_space<vmem>>, vector<16xi32>,
    %jit3A_447 = arith.constant 0 : i32
    %broadcast_in_dim3A_448 = vector.broadcast %jit3A_447 : i32 to vector<16xi32>
    %select_n3A_449 = arith.select %broadcast_in_dim3A_442, %get3A_446, %broadcast_in_dim3A_448 : vector<16xi1>, vector<16xi32>
    %add3A_450 = arith.addi %add3A_436, %select_n3A_449 : vector<16xi32>
    %le3A_451 = arith.constant 26 : i32
    %le3A_452 = arith.cmpi sle, %add3A_85, %le3A_451 : i32
    %gt3A_453 = arith.constant 26 : i32
    %gt3A_454 = arith.cmpi sgt, %add3A_88, %gt3A_453 : i32
    %and3A_455 = arith.andi %le3A_452, %gt3A_454 : i1
    %broadcast_in_dim3A_456 = vector.broadcast %and3A_455 : i1 to vector<16xi1>
    %get3A_457 = arith.constant 26 : i32
    %get3A_458 = arith.index_cast %get3A_457 : i32 to index
    %get3A_459 = arith.constant 0 : index
    %get3A_460 = tpu.vector_load %arg13[%get3A_458, %get3A_459] {strides = array<i32>} : memref<32x16xi32, #tpu.memory_space<vmem>>, vector<16xi32>,
    %jit3A_461 = arith.constant 0 : i32
    %broadcast_in_dim3A_462 = vector.broadcast %jit3A_461 : i32 to vector<16xi32>
    %select_n3A_463 = arith.select %broadcast_in_dim3A_456, %get3A_460, %broadcast_in_dim3A_462 : vector<16xi1>, vector<16xi32>
    %add3A_464 = arith.addi %add3A_450, %select_n3A_463 : vector<16xi32>
    %le3A_465 = arith.constant 27 : i32
    %le3A_466 = arith.cmpi sle, %add3A_85, %le3A_465 : i32
    %gt3A_467 = arith.constant 27 : i32
    %gt3A_468 = arith.cmpi sgt, %add3A_88, %gt3A_467 : i32
    %and3A_469 = arith.andi %le3A_466, %gt3A_468 : i1
    %broadcast_in_dim3A_470 = vector.broadcast %and3A_469 : i1 to vector<16xi1>
    %get3A_471 = arith.constant 27 : i32
    %get3A_472 = arith.index_cast %get3A_471 : i32 to index
    %get3A_473 = arith.constant 0 : index
    %get3A_474 = tpu.vector_load %arg13[%get3A_472, %get3A_473] {strides = array<i32>} : memref<32x16xi32, #tpu.memory_space<vmem>>, vector<16xi32>,
    %jit3A_475 = arith.constant 0 : i32
    %broadcast_in_dim3A_476 = vector.broadcast %jit3A_475 : i32 to vector<16xi32>
    %select_n3A_477 = arith.select %broadcast_in_dim3A_470, %get3A_474, %broadcast_in_dim3A_476 : vector<16xi1>, vector<16xi32>
    %add3A_478 = arith.addi %add3A_464, %select_n3A_477 : vector<16xi32>
    %le3A_479 = arith.constant 28 : i32
    %le3A_480 = arith.cmpi sle, %add3A_85, %le3A_479 : i32
    %gt3A_481 = arith.constant 28 : i32
    %gt3A_482 = arith.cmpi sgt, %add3A_88, %gt3A_481 : i32
    %and3A_483 = arith.andi %le3A_480, %gt3A_482 : i1
    %broadcast_in_dim3A_484 = vector.broadcast %and3A_483 : i1 to vector<16xi1>
    %get3A_485 = arith.constant 28 : i32
    %get3A_486 = arith.index_cast %get3A_485 : i32 to index
    %get3A_487 = arith.constant 0 : index
    %get3A_488 = tpu.vector_load %arg13[%get3A_486, %get3A_487] {strides = array<i32>} : memref<32x16xi32, #tpu.memory_space<vmem>>, vector<16xi32>,
    %jit3A_489 = arith.constant 0 : i32
    %broadcast_in_dim3A_490 = vector.broadcast %jit3A_489 : i32 to vector<16xi32>
    %select_n3A_491 = arith.select %broadcast_in_dim3A_484, %get3A_488, %broadcast_in_dim3A_490 : vector<16xi1>, vector<16xi32>
    %add3A_492 = arith.addi %add3A_478, %select_n3A_491 : vector<16xi32>
    %le3A_493 = arith.constant 29 : i32
    %le3A_494 = arith.cmpi sle, %add3A_85, %le3A_493 : i32
    %gt3A_495 = arith.constant 29 : i32
    %gt3A_496 = arith.cmpi sgt, %add3A_88, %gt3A_495 : i32
    %and3A_497 = arith.andi %le3A_494, %gt3A_496 : i1
    %broadcast_in_dim3A_498 = vector.broadcast %and3A_497 : i1 to vector<16xi1>
    %get3A_499 = arith.constant 29 : i32
    %get3A_500 = arith.index_cast %get3A_499 : i32 to index
    %get3A_501 = arith.constant 0 : index
    %get3A_502 = tpu.vector_load %arg13[%get3A_500, %get3A_501] {strides = array<i32>} : memref<32x16xi32, #tpu.memory_space<vmem>>, vector<16xi32>,
    %jit3A_503 = arith.constant 0 : i32
    %broadcast_in_dim3A_504 = vector.broadcast %jit3A_503 : i32 to vector<16xi32>
    %select_n3A_505 = arith.select %broadcast_in_dim3A_498, %get3A_502, %broadcast_in_dim3A_504 : vector<16xi1>, vector<16xi32>
    %add3A_506 = arith.addi %add3A_492, %select_n3A_505 : vector<16xi32>
    %le3A_507 = arith.constant 30 : i32
    %le3A_508 = arith.cmpi sle, %add3A_85, %le3A_507 : i32
    %gt3A_509 = arith.constant 30 : i32
    %gt3A_510 = arith.cmpi sgt, %add3A_88, %gt3A_509 : i32
    %and3A_511 = arith.andi %le3A_508, %gt3A_510 : i1
    %broadcast_in_dim3A_512 = vector.broadcast %and3A_511 : i1 to vector<16xi1>
    %get3A_513 = arith.constant 30 : i32
    %get3A_514 = arith.index_cast %get3A_513 : i32 to index
    %get3A_515 = arith.constant 0 : index
    %get3A_516 = tpu.vector_load %arg13[%get3A_514, %get3A_515] {strides = array<i32>} : memref<32x16xi32, #tpu.memory_space<vmem>>, vector<16xi32>,
    %jit3A_517 = arith.constant 0 : i32
    %broadcast_in_dim3A_518 = vector.broadcast %jit3A_517 : i32 to vector<16xi32>
    %select_n3A_519 = arith.select %broadcast_in_dim3A_512, %get3A_516, %broadcast_in_dim3A_518 : vector<16xi1>, vector<16xi32>
    %add3A_520 = arith.addi %add3A_506, %select_n3A_519 : vector<16xi32>
    %le3A_521 = arith.constant 31 : i32
    %le3A_522 = arith.cmpi sle, %add3A_85, %le3A_521 : i32
    %gt3A_523 = arith.constant 31 : i32
    %gt3A_524 = arith.cmpi sgt, %add3A_88, %gt3A_523 : i32
    %and3A_525 = arith.andi %le3A_522, %gt3A_524 : i1
    %broadcast_in_dim3A_526 = vector.broadcast %and3A_525 : i1 to vector<16xi1>
    %get3A_527 = arith.constant 31 : i32
    %get3A_528 = arith.index_cast %get3A_527 : i32 to index
    %get3A_529 = arith.constant 0 : index
    %get3A_530 = tpu.vector_load %arg13[%get3A_528, %get3A_529] {strides = array<i32>} : memref<32x16xi32, #tpu.memory_space<vmem>>, vector<16xi32>,
    %jit3A_531 = arith.constant 0 : i32
    %broadcast_in_dim3A_532 = vector.broadcast %jit3A_531 : i32 to vector<16xi32>
    %select_n3A_533 = arith.select %broadcast_in_dim3A_526, %get3A_530, %broadcast_in_dim3A_532 : vector<16xi1>, vector<16xi32>
    %add3A_534 = arith.addi %add3A_520, %select_n3A_533 : vector<16xi32>
    %reduce_max3A = arith.constant true
    %reduce_max3A_535 = vector.broadcast %reduce_max3A : i1 to vector<16xi1>
    %reduce_max3A_536 = arith.constant -2147483648 : i32
    %reduce_max3A_537 = vector.broadcast %reduce_max3A_536 : i32 to vector<16xi32>
    %reduce_max3A_538 = arith.xori %add3A_534, %reduce_max3A_537 : vector<16xi32>
    %reduce_max3A_539 = tpu.scan <max>, %reduce_max3A_538 masked %reduce_max3A_535 : vector<16xi32>, vector<16xi1> -> vector<16xi32>
    %reduce_max3A_540 = arith.xori %reduce_max3A_539, %reduce_max3A_537 : vector<16xi32>
    %reduce_max3A_541 = vector.extract %reduce_max3A_540[15] : i32 from vector<16xi32>
    %multiple_of3A = tpu.assume_multiple %reduce_max3A_541, 8 : i32
    %mul3A_542 = arith.constant 4096 : i32
    %mul3A_543 = arith.muli %add3A, %mul3A_542 : i32
    %add3A_544 = arith.addi %mul3A_543, %multiple_of3A : i32
    %add3A_545 = arith.constant 127 : i32
    %add3A_546 = arith.addi %and3A_61, %add3A_545 : i32
    %jit3A_547 = arith.constant 128 : i32
    %div3A_548 = arith.divsi %add3A_546, %jit3A_547 : i32
    %sign3A_549 = arith.constant 0 : i32
    %sign3A_550 = arith.cmpi sgt, %add3A_546, %sign3A_549 : i32
    %sign3A_551 = arith.extui %sign3A_550 : i1 to i32
    %sign3A_552 = arith.constant 0 : i32
    %sign3A_553 = arith.cmpi slt, %add3A_546, %sign3A_552 : i32
    %sign3A_554 = arith.extui %sign3A_553 : i1 to i32
    %sign3A_555 = arith.subi %sign3A_551, %sign3A_554 : i32
    %sign3A_556 = arith.constant 0 : i32
    %sign3A_557 = arith.cmpi sgt, %jit3A_547, %sign3A_556 : i32
    %sign3A_558 = arith.extui %sign3A_557 : i1 to i32
    %sign3A_559 = arith.constant 0 : i32
    %sign3A_560 = arith.cmpi slt, %jit3A_547, %sign3A_559 : i32
    %sign3A_561 = arith.extui %sign3A_560 : i1 to i32
    %sign3A_562 = arith.subi %sign3A_558, %sign3A_561 : i32
    %ne3A_563 = arith.cmpi ne, %sign3A_555, %sign3A_562 : i32
    %rem3A_564 = arith.remsi %add3A_546, %jit3A_547 : i32
    %ne3A_565 = arith.constant 0 : i32
    %ne3A_566 = arith.cmpi ne, %rem3A_564, %ne3A_565 : i32
    %and3A_567 = arith.andi %ne3A_563, %ne3A_566 : i1
    %sub3A_568 = arith.constant 1 : i32
    %sub3A_569 = arith.subi %div3A_548, %sub3A_568 : i32
    %select_n3A_570 = arith.select %and3A_567, %sub3A_569, %div3A_548 : i32
    %eq3A = arith.constant 0 : i32
    %eq3A_571 = arith.cmpi eq, %rem3A_18, %eq3A : i32
    %jit3A_572 = arith.constant 0 : i32
    %select_n3A_573 = arith.select %eq3A_571, %select_n3A_570, %jit3A_572 : i32
    %while3A = arith.constant 0 : i32
    %while3A_574 = arith.constant 0 : i32
    %while3A_575 = arith.subi %select_n3A_573, %while3A : i32
    %while3A_576 = arith.addi %while3A, %while3A_575 : i32
    %while3A_577 = arith.constant 1 : i32
    %while3A_578 = arith.divsi %while3A_575, %while3A_577 : i32
    %while3A_579 = arith.muli %while3A_578, %while3A_577 : i32
    %while3A_580 = arith.addi %while3A, %while3A_579 : i32
    %while3A_581 = arith.constant 1 : i32
    %while3A_582 = scf.for %while3A_705 = %while3A to %while3A_580 step %while3A_581 iter_args(%while3A_706 = %while3A_574) -> (i32)  : i32 {
      %mul3A_707 = arith.constant 128 : i32
      %mul3A_708 = arith.muli %while3A_705, %mul3A_707 : i32
      %mul3A_709 = arith.constant 128 : i32
      %mul3A_710 = arith.muli %while3A_705, %mul3A_709 : i32
      %add3A_711 = arith.addi %add3A_544, %mul3A_710 : i32
      "tpu.region"() ({
        %run_scoped3A = tpu.sem_alloc : memref<!tpu.dma_semaphore, #tpu.memory_space<semaphore_mem>>
        %dma_start3A = tpu.memref_slice %arg9[%mul3A_708] : memref<2064xf32, #tpu.memory_space<vmem>> -> memref<128xf32, #tpu.memory_space<vmem>>
        %dma_start3A_718 = tpu.memref_slice %arg4[%add3A_711] : memref<16384xf32, #tpu.memory_space<hbm>> -> memref<128xf32, #tpu.memory_space<hbm>>
        %dma_start3A_719 = tpu.memref_slice %arg4[%add3A_711] : memref<16384xf32, #tpu.memory_space<hbm>> -> memref<128xf32, #tpu.memory_space<hbm>>
        %dma_start3A_720 = tpu.memref_slice %arg9[%mul3A_708] : memref<2064xf32, #tpu.memory_space<vmem>> -> memref<128xf32, #tpu.memory_space<vmem>>
        tpu.enqueue_dma source(%dma_start3A_720 : memref<128xf32, #tpu.memory_space<vmem>>) target(%dma_start3A_719 : memref<128xf32, #tpu.memory_space<hbm>>) target_semaphore(%run_scoped3A : memref<!tpu.dma_semaphore, #tpu.memory_space<semaphore_mem>>)
        %dma_wait3A = tpu.memref_slice %arg9[%mul3A_708] : memref<2064xf32, #tpu.memory_space<vmem>> -> memref<128xf32, #tpu.memory_space<vmem>>
        %dma_wait3A_721 = tpu.memref_slice %arg4[%add3A_711] : memref<16384xf32, #tpu.memory_space<hbm>> -> memref<128xf32, #tpu.memory_space<hbm>>
        %dma_wait3A_722 = tpu.memref_slice %arg4[%add3A_711] : memref<16384xf32, #tpu.memory_space<hbm>> -> memref<128xf32, #tpu.memory_space<hbm>>
        %dma_wait3A_723 = tpu.memref_slice %arg9[%mul3A_708] : memref<2064xf32, #tpu.memory_space<vmem>> -> memref<128xf32, #tpu.memory_space<vmem>>
        tpu.wait_dma2 semaphore(%run_scoped3A : memref<!tpu.dma_semaphore, #tpu.memory_space<semaphore_mem>>) src(%dma_wait3A_723 : memref<128xf32, #tpu.memory_space<vmem>>) dst(%dma_wait3A_722 : memref<128xf32, #tpu.memory_space<hbm>>)
        tpu.yield
      }) : () -> ()
      %mul3A_712 = arith.constant 128 : i32
      %mul3A_713 = arith.muli %while3A_705, %mul3A_712 : i32
      %mul3A_714 = arith.constant 128 : i32
      %mul3A_715 = arith.muli %while3A_705, %mul3A_714 : i32
      %add3A_716 = arith.addi %add3A_544, %mul3A_715 : i32
      "tpu.region"() ({
        %run_scoped3A = tpu.sem_alloc : memref<!tpu.dma_semaphore, #tpu.memory_space<semaphore_mem>>
        %dma_start3A = tpu.memref_slice %arg10[%mul3A_713] : memref<2064xi32, #tpu.memory_space<vmem>> -> memref<128xi32, #tpu.memory_space<vmem>>
        %dma_start3A_718 = tpu.memref_slice %arg5[%add3A_716] : memref<16384xi32, #tpu.memory_space<hbm>> -> memref<128xi32, #tpu.memory_space<hbm>>
        %dma_start3A_719 = tpu.memref_slice %arg5[%add3A_716] : memref<16384xi32, #tpu.memory_space<hbm>> -> memref<128xi32, #tpu.memory_space<hbm>>
        %dma_start3A_720 = tpu.memref_slice %arg10[%mul3A_713] : memref<2064xi32, #tpu.memory_space<vmem>> -> memref<128xi32, #tpu.memory_space<vmem>>
        tpu.enqueue_dma source(%dma_start3A_720 : memref<128xi32, #tpu.memory_space<vmem>>) target(%dma_start3A_719 : memref<128xi32, #tpu.memory_space<hbm>>) target_semaphore(%run_scoped3A : memref<!tpu.dma_semaphore, #tpu.memory_space<semaphore_mem>>)
        %dma_wait3A = tpu.memref_slice %arg10[%mul3A_713] : memref<2064xi32, #tpu.memory_space<vmem>> -> memref<128xi32, #tpu.memory_space<vmem>>
        %dma_wait3A_721 = tpu.memref_slice %arg5[%add3A_716] : memref<16384xi32, #tpu.memory_space<hbm>> -> memref<128xi32, #tpu.memory_space<hbm>>
        %dma_wait3A_722 = tpu.memref_slice %arg5[%add3A_716] : memref<16384xi32, #tpu.memory_space<hbm>> -> memref<128xi32, #tpu.memory_space<hbm>>
        %dma_wait3A_723 = tpu.memref_slice %arg10[%mul3A_713] : memref<2064xi32, #tpu.memory_space<vmem>> -> memref<128xi32, #tpu.memory_space<vmem>>
        tpu.wait_dma2 semaphore(%run_scoped3A : memref<!tpu.dma_semaphore, #tpu.memory_space<semaphore_mem>>) src(%dma_wait3A_723 : memref<128xi32, #tpu.memory_space<vmem>>) dst(%dma_wait3A_722 : memref<128xi32, #tpu.memory_space<hbm>>)
        tpu.yield
      }) : () -> ()
      %while3A_717 = arith.constant 0 : i32
      scf.yield %while3A_717 : i32
    }
    %while3A_583 = arith.constant 1 : i32
    %while3A_584 = scf.for %while3A_705 = %while3A_580 to %while3A_576 step %while3A_583 iter_args(%while3A_706 = %while3A_582) -> (i32)  : i32 {
      %mul3A_707 = arith.constant 128 : i32
      %mul3A_708 = arith.muli %while3A_705, %mul3A_707 : i32
      %mul3A_709 = arith.constant 128 : i32
      %mul3A_710 = arith.muli %while3A_705, %mul3A_709 : i32
      %add3A_711 = arith.addi %add3A_544, %mul3A_710 : i32
      "tpu.region"() ({
        %run_scoped3A = tpu.sem_alloc : memref<!tpu.dma_semaphore, #tpu.memory_space<semaphore_mem>>
        %dma_start3A = tpu.memref_slice %arg9[%mul3A_708] : memref<2064xf32, #tpu.memory_space<vmem>> -> memref<128xf32, #tpu.memory_space<vmem>>
        %dma_start3A_718 = tpu.memref_slice %arg4[%add3A_711] : memref<16384xf32, #tpu.memory_space<hbm>> -> memref<128xf32, #tpu.memory_space<hbm>>
        %dma_start3A_719 = tpu.memref_slice %arg4[%add3A_711] : memref<16384xf32, #tpu.memory_space<hbm>> -> memref<128xf32, #tpu.memory_space<hbm>>
        %dma_start3A_720 = tpu.memref_slice %arg9[%mul3A_708] : memref<2064xf32, #tpu.memory_space<vmem>> -> memref<128xf32, #tpu.memory_space<vmem>>
        tpu.enqueue_dma source(%dma_start3A_720 : memref<128xf32, #tpu.memory_space<vmem>>) target(%dma_start3A_719 : memref<128xf32, #tpu.memory_space<hbm>>) target_semaphore(%run_scoped3A : memref<!tpu.dma_semaphore, #tpu.memory_space<semaphore_mem>>)
        %dma_wait3A = tpu.memref_slice %arg9[%mul3A_708] : memref<2064xf32, #tpu.memory_space<vmem>> -> memref<128xf32, #tpu.memory_space<vmem>>
        %dma_wait3A_721 = tpu.memref_slice %arg4[%add3A_711] : memref<16384xf32, #tpu.memory_space<hbm>> -> memref<128xf32, #tpu.memory_space<hbm>>
        %dma_wait3A_722 = tpu.memref_slice %arg4[%add3A_711] : memref<16384xf32, #tpu.memory_space<hbm>> -> memref<128xf32, #tpu.memory_space<hbm>>
        %dma_wait3A_723 = tpu.memref_slice %arg9[%mul3A_708] : memref<2064xf32, #tpu.memory_space<vmem>> -> memref<128xf32, #tpu.memory_space<vmem>>
        tpu.wait_dma2 semaphore(%run_scoped3A : memref<!tpu.dma_semaphore, #tpu.memory_space<semaphore_mem>>) src(%dma_wait3A_723 : memref<128xf32, #tpu.memory_space<vmem>>) dst(%dma_wait3A_722 : memref<128xf32, #tpu.memory_space<hbm>>)
        tpu.yield
      }) : () -> ()
      %mul3A_712 = arith.constant 128 : i32
      %mul3A_713 = arith.muli %while3A_705, %mul3A_712 : i32
      %mul3A_714 = arith.constant 128 : i32
      %mul3A_715 = arith.muli %while3A_705, %mul3A_714 : i32
      %add3A_716 = arith.addi %add3A_544, %mul3A_715 : i32
      "tpu.region"() ({
        %run_scoped3A = tpu.sem_alloc : memref<!tpu.dma_semaphore, #tpu.memory_space<semaphore_mem>>
        %dma_start3A = tpu.memref_slice %arg10[%mul3A_713] : memref<2064xi32, #tpu.memory_space<vmem>> -> memref<128xi32, #tpu.memory_space<vmem>>
        %dma_start3A_718 = tpu.memref_slice %arg5[%add3A_716] : memref<16384xi32, #tpu.memory_space<hbm>> -> memref<128xi32, #tpu.memory_space<hbm>>
        %dma_start3A_719 = tpu.memref_slice %arg5[%add3A_716] : memref<16384xi32, #tpu.memory_space<hbm>> -> memref<128xi32, #tpu.memory_space<hbm>>
        %dma_start3A_720 = tpu.memref_slice %arg10[%mul3A_713] : memref<2064xi32, #tpu.memory_space<vmem>> -> memref<128xi32, #tpu.memory_space<vmem>>
        tpu.enqueue_dma source(%dma_start3A_720 : memref<128xi32, #tpu.memory_space<vmem>>) target(%dma_start3A_719 : memref<128xi32, #tpu.memory_space<hbm>>) target_semaphore(%run_scoped3A : memref<!tpu.dma_semaphore, #tpu.memory_space<semaphore_mem>>)
        %dma_wait3A = tpu.memref_slice %arg10[%mul3A_713] : memref<2064xi32, #tpu.memory_space<vmem>> -> memref<128xi32, #tpu.memory_space<vmem>>
        %dma_wait3A_721 = tpu.memref_slice %arg5[%add3A_716] : memref<16384xi32, #tpu.memory_space<hbm>> -> memref<128xi32, #tpu.memory_space<hbm>>
        %dma_wait3A_722 = tpu.memref_slice %arg5[%add3A_716] : memref<16384xi32, #tpu.memory_space<hbm>> -> memref<128xi32, #tpu.memory_space<hbm>>
        %dma_wait3A_723 = tpu.memref_slice %arg10[%mul3A_713] : memref<2064xi32, #tpu.memory_space<vmem>> -> memref<128xi32, #tpu.memory_space<vmem>>
        tpu.wait_dma2 semaphore(%run_scoped3A : memref<!tpu.dma_semaphore, #tpu.memory_space<semaphore_mem>>) src(%dma_wait3A_723 : memref<128xi32, #tpu.memory_space<vmem>>) dst(%dma_wait3A_722 : memref<128xi32, #tpu.memory_space<hbm>>)
        tpu.yield
      }) : () -> ()
      %while3A_717 = arith.constant 0 : i32
      scf.yield %while3A_717 : i32
    }
    %barrier3A_585 = arith.constant 0 : index
    tpu.barrier barrier_id(%barrier3A_585)
    %eq3A_586 = arith.constant 1 : i32
    %eq3A_587 = arith.cmpi eq, %rem3A_18, %eq3A_586 : i32
    %jit3A_588 = arith.constant 0 : i32
    %select_n3A_589 = arith.select %eq3A_587, %select_n3A_570, %jit3A_588 : i32
    %while3A_590 = arith.constant 0 : i32
    %while3A_591 = arith.constant 0 : i32
    %while3A_592 = arith.subi %select_n3A_589, %while3A_590 : i32
    %while3A_593 = arith.addi %while3A_590, %while3A_592 : i32
    %while3A_594 = arith.constant 1 : i32
    %while3A_595 = arith.divsi %while3A_592, %while3A_594 : i32
    %while3A_596 = arith.muli %while3A_595, %while3A_594 : i32
    %while3A_597 = arith.addi %while3A_590, %while3A_596 : i32
    %while3A_598 = arith.constant 1 : i32
    %while3A_599 = scf.for %while3A_705 = %while3A_590 to %while3A_597 step %while3A_598 iter_args(%while3A_706 = %while3A_591) -> (i32)  : i32 {
      %mul3A_707 = arith.constant 128 : i32
      %mul3A_708 = arith.muli %while3A_705, %mul3A_707 : i32
      %mul3A_709 = arith.constant 128 : i32
      %mul3A_710 = arith.muli %while3A_705, %mul3A_709 : i32
      %add3A_711 = arith.addi %add3A_544, %mul3A_710 : i32
      "tpu.region"() ({
        %run_scoped3A = tpu.sem_alloc : memref<!tpu.dma_semaphore, #tpu.memory_space<semaphore_mem>>
        %dma_start3A = tpu.memref_slice %arg9[%mul3A_708] : memref<2064xf32, #tpu.memory_space<vmem>> -> memref<128xf32, #tpu.memory_space<vmem>>
        %dma_start3A_718 = tpu.memref_slice %arg4[%add3A_711] : memref<16384xf32, #tpu.memory_space<hbm>> -> memref<128xf32, #tpu.memory_space<hbm>>
        %dma_start3A_719 = tpu.memref_slice %arg4[%add3A_711] : memref<16384xf32, #tpu.memory_space<hbm>> -> memref<128xf32, #tpu.memory_space<hbm>>
        %dma_start3A_720 = tpu.memref_slice %arg9[%mul3A_708] : memref<2064xf32, #tpu.memory_space<vmem>> -> memref<128xf32, #tpu.memory_space<vmem>>
        tpu.enqueue_dma source(%dma_start3A_720 : memref<128xf32, #tpu.memory_space<vmem>>) target(%dma_start3A_719 : memref<128xf32, #tpu.memory_space<hbm>>) target_semaphore(%run_scoped3A : memref<!tpu.dma_semaphore, #tpu.memory_space<semaphore_mem>>)
        %dma_wait3A = tpu.memref_slice %arg9[%mul3A_708] : memref<2064xf32, #tpu.memory_space<vmem>> -> memref<128xf32, #tpu.memory_space<vmem>>
        %dma_wait3A_721 = tpu.memref_slice %arg4[%add3A_711] : memref<16384xf32, #tpu.memory_space<hbm>> -> memref<128xf32, #tpu.memory_space<hbm>>
        %dma_wait3A_722 = tpu.memref_slice %arg4[%add3A_711] : memref<16384xf32, #tpu.memory_space<hbm>> -> memref<128xf32, #tpu.memory_space<hbm>>
        %dma_wait3A_723 = tpu.memref_slice %arg9[%mul3A_708] : memref<2064xf32, #tpu.memory_space<vmem>> -> memref<128xf32, #tpu.memory_space<vmem>>
        tpu.wait_dma2 semaphore(%run_scoped3A : memref<!tpu.dma_semaphore, #tpu.memory_space<semaphore_mem>>) src(%dma_wait3A_723 : memref<128xf32, #tpu.memory_space<vmem>>) dst(%dma_wait3A_722 : memref<128xf32, #tpu.memory_space<hbm>>)
        tpu.yield
      }) : () -> ()
      %mul3A_712 = arith.constant 128 : i32
      %mul3A_713 = arith.muli %while3A_705, %mul3A_712 : i32
      %mul3A_714 = arith.constant 128 : i32
      %mul3A_715 = arith.muli %while3A_705, %mul3A_714 : i32
      %add3A_716 = arith.addi %add3A_544, %mul3A_715 : i32
      "tpu.region"() ({
        %run_scoped3A = tpu.sem_alloc : memref<!tpu.dma_semaphore, #tpu.memory_space<semaphore_mem>>
        %dma_start3A = tpu.memref_slice %arg10[%mul3A_713] : memref<2064xi32, #tpu.memory_space<vmem>> -> memref<128xi32, #tpu.memory_space<vmem>>
        %dma_start3A_718 = tpu.memref_slice %arg5[%add3A_716] : memref<16384xi32, #tpu.memory_space<hbm>> -> memref<128xi32, #tpu.memory_space<hbm>>
        %dma_start3A_719 = tpu.memref_slice %arg5[%add3A_716] : memref<16384xi32, #tpu.memory_space<hbm>> -> memref<128xi32, #tpu.memory_space<hbm>>
        %dma_start3A_720 = tpu.memref_slice %arg10[%mul3A_713] : memref<2064xi32, #tpu.memory_space<vmem>> -> memref<128xi32, #tpu.memory_space<vmem>>
        tpu.enqueue_dma source(%dma_start3A_720 : memref<128xi32, #tpu.memory_space<vmem>>) target(%dma_start3A_719 : memref<128xi32, #tpu.memory_space<hbm>>) target_semaphore(%run_scoped3A : memref<!tpu.dma_semaphore, #tpu.memory_space<semaphore_mem>>)
        %dma_wait3A = tpu.memref_slice %arg10[%mul3A_713] : memref<2064xi32, #tpu.memory_space<vmem>> -> memref<128xi32, #tpu.memory_space<vmem>>
        %dma_wait3A_721 = tpu.memref_slice %arg5[%add3A_716] : memref<16384xi32, #tpu.memory_space<hbm>> -> memref<128xi32, #tpu.memory_space<hbm>>
        %dma_wait3A_722 = tpu.memref_slice %arg5[%add3A_716] : memref<16384xi32, #tpu.memory_space<hbm>> -> memref<128xi32, #tpu.memory_space<hbm>>
        %dma_wait3A_723 = tpu.memref_slice %arg10[%mul3A_713] : memref<2064xi32, #tpu.memory_space<vmem>> -> memref<128xi32, #tpu.memory_space<vmem>>
        tpu.wait_dma2 semaphore(%run_scoped3A : memref<!tpu.dma_semaphore, #tpu.memory_space<semaphore_mem>>) src(%dma_wait3A_723 : memref<128xi32, #tpu.memory_space<vmem>>) dst(%dma_wait3A_722 : memref<128xi32, #tpu.memory_space<hbm>>)
        tpu.yield
      }) : () -> ()
      %while3A_717 = arith.constant 0 : i32
      scf.yield %while3A_717 : i32
    }
    %while3A_600 = arith.constant 1 : i32
    %while3A_601 = scf.for %while3A_705 = %while3A_597 to %while3A_593 step %while3A_600 iter_args(%while3A_706 = %while3A_599) -> (i32)  : i32 {
      %mul3A_707 = arith.constant 128 : i32
      %mul3A_708 = arith.muli %while3A_705, %mul3A_707 : i32
      %mul3A_709 = arith.constant 128 : i32
      %mul3A_710 = arith.muli %while3A_705, %mul3A_709 : i32
      %add3A_711 = arith.addi %add3A_544, %mul3A_710 : i32
      "tpu.region"() ({
        %run_scoped3A = tpu.sem_alloc : memref<!tpu.dma_semaphore, #tpu.memory_space<semaphore_mem>>
        %dma_start3A = tpu.memref_slice %arg9[%mul3A_708] : memref<2064xf32, #tpu.memory_space<vmem>> -> memref<128xf32, #tpu.memory_space<vmem>>
        %dma_start3A_718 = tpu.memref_slice %arg4[%add3A_711] : memref<16384xf32, #tpu.memory_space<hbm>> -> memref<128xf32, #tpu.memory_space<hbm>>
        %dma_start3A_719 = tpu.memref_slice %arg4[%add3A_711] : memref<16384xf32, #tpu.memory_space<hbm>> -> memref<128xf32, #tpu.memory_space<hbm>>
        %dma_start3A_720 = tpu.memref_slice %arg9[%mul3A_708] : memref<2064xf32, #tpu.memory_space<vmem>> -> memref<128xf32, #tpu.memory_space<vmem>>
        tpu.enqueue_dma source(%dma_start3A_720 : memref<128xf32, #tpu.memory_space<vmem>>) target(%dma_start3A_719 : memref<128xf32, #tpu.memory_space<hbm>>) target_semaphore(%run_scoped3A : memref<!tpu.dma_semaphore, #tpu.memory_space<semaphore_mem>>)
        %dma_wait3A = tpu.memref_slice %arg9[%mul3A_708] : memref<2064xf32, #tpu.memory_space<vmem>> -> memref<128xf32, #tpu.memory_space<vmem>>
        %dma_wait3A_721 = tpu.memref_slice %arg4[%add3A_711] : memref<16384xf32, #tpu.memory_space<hbm>> -> memref<128xf32, #tpu.memory_space<hbm>>
        %dma_wait3A_722 = tpu.memref_slice %arg4[%add3A_711] : memref<16384xf32, #tpu.memory_space<hbm>> -> memref<128xf32, #tpu.memory_space<hbm>>
        %dma_wait3A_723 = tpu.memref_slice %arg9[%mul3A_708] : memref<2064xf32, #tpu.memory_space<vmem>> -> memref<128xf32, #tpu.memory_space<vmem>>
        tpu.wait_dma2 semaphore(%run_scoped3A : memref<!tpu.dma_semaphore, #tpu.memory_space<semaphore_mem>>) src(%dma_wait3A_723 : memref<128xf32, #tpu.memory_space<vmem>>) dst(%dma_wait3A_722 : memref<128xf32, #tpu.memory_space<hbm>>)
        tpu.yield
      }) : () -> ()
      %mul3A_712 = arith.constant 128 : i32
      %mul3A_713 = arith.muli %while3A_705, %mul3A_712 : i32
      %mul3A_714 = arith.constant 128 : i32
      %mul3A_715 = arith.muli %while3A_705, %mul3A_714 : i32
      %add3A_716 = arith.addi %add3A_544, %mul3A_715 : i32
      "tpu.region"() ({
        %run_scoped3A = tpu.sem_alloc : memref<!tpu.dma_semaphore, #tpu.memory_space<semaphore_mem>>
        %dma_start3A = tpu.memref_slice %arg10[%mul3A_713] : memref<2064xi32, #tpu.memory_space<vmem>> -> memref<128xi32, #tpu.memory_space<vmem>>
        %dma_start3A_718 = tpu.memref_slice %arg5[%add3A_716] : memref<16384xi32, #tpu.memory_space<hbm>> -> memref<128xi32, #tpu.memory_space<hbm>>
        %dma_start3A_719 = tpu.memref_slice %arg5[%add3A_716] : memref<16384xi32, #tpu.memory_space<hbm>> -> memref<128xi32, #tpu.memory_space<hbm>>
        %dma_start3A_720 = tpu.memref_slice %arg10[%mul3A_713] : memref<2064xi32, #tpu.memory_space<vmem>> -> memref<128xi32, #tpu.memory_space<vmem>>
        tpu.enqueue_dma source(%dma_start3A_720 : memref<128xi32, #tpu.memory_space<vmem>>) target(%dma_start3A_719 : memref<128xi32, #tpu.memory_space<hbm>>) target_semaphore(%run_scoped3A : memref<!tpu.dma_semaphore, #tpu.memory_space<semaphore_mem>>)
        %dma_wait3A = tpu.memref_slice %arg10[%mul3A_713] : memref<2064xi32, #tpu.memory_space<vmem>> -> memref<128xi32, #tpu.memory_space<vmem>>
        %dma_wait3A_721 = tpu.memref_slice %arg5[%add3A_716] : memref<16384xi32, #tpu.memory_space<hbm>> -> memref<128xi32, #tpu.memory_space<hbm>>
        %dma_wait3A_722 = tpu.memref_slice %arg5[%add3A_716] : memref<16384xi32, #tpu.memory_space<hbm>> -> memref<128xi32, #tpu.memory_space<hbm>>
        %dma_wait3A_723 = tpu.memref_slice %arg10[%mul3A_713] : memref<2064xi32, #tpu.memory_space<vmem>> -> memref<128xi32, #tpu.memory_space<vmem>>
        tpu.wait_dma2 semaphore(%run_scoped3A : memref<!tpu.dma_semaphore, #tpu.memory_space<semaphore_mem>>) src(%dma_wait3A_723 : memref<128xi32, #tpu.memory_space<vmem>>) dst(%dma_wait3A_722 : memref<128xi32, #tpu.memory_space<hbm>>)
        tpu.yield
      }) : () -> ()
      %while3A_717 = arith.constant 0 : i32
      scf.yield %while3A_717 : i32
    }
    %barrier3A_602 = arith.constant 0 : index
    tpu.barrier barrier_id(%barrier3A_602)
    %eq3A_603 = arith.constant 2 : i32
    %eq3A_604 = arith.cmpi eq, %rem3A_18, %eq3A_603 : i32
    %jit3A_605 = arith.constant 0 : i32
    %select_n3A_606 = arith.select %eq3A_604, %select_n3A_570, %jit3A_605 : i32
    %while3A_607 = arith.constant 0 : i32
    %while3A_608 = arith.constant 0 : i32
    %while3A_609 = arith.subi %select_n3A_606, %while3A_607 : i32
    %while3A_610 = arith.addi %while3A_607, %while3A_609 : i32
    %while3A_611 = arith.constant 1 : i32
    %while3A_612 = arith.divsi %while3A_609, %while3A_611 : i32
    %while3A_613 = arith.muli %while3A_612, %while3A_611 : i32
    %while3A_614 = arith.addi %while3A_607, %while3A_613 : i32
    %while3A_615 = arith.constant 1 : i32
    %while3A_616 = scf.for %while3A_705 = %while3A_607 to %while3A_614 step %while3A_615 iter_args(%while3A_706 = %while3A_608) -> (i32)  : i32 {
      %mul3A_707 = arith.constant 128 : i32
      %mul3A_708 = arith.muli %while3A_705, %mul3A_707 : i32
      %mul3A_709 = arith.constant 128 : i32
      %mul3A_710 = arith.muli %while3A_705, %mul3A_709 : i32
      %add3A_711 = arith.addi %add3A_544, %mul3A_710 : i32
      "tpu.region"() ({
        %run_scoped3A = tpu.sem_alloc : memref<!tpu.dma_semaphore, #tpu.memory_space<semaphore_mem>>
        %dma_start3A = tpu.memref_slice %arg9[%mul3A_708] : memref<2064xf32, #tpu.memory_space<vmem>> -> memref<128xf32, #tpu.memory_space<vmem>>
        %dma_start3A_718 = tpu.memref_slice %arg4[%add3A_711] : memref<16384xf32, #tpu.memory_space<hbm>> -> memref<128xf32, #tpu.memory_space<hbm>>
        %dma_start3A_719 = tpu.memref_slice %arg4[%add3A_711] : memref<16384xf32, #tpu.memory_space<hbm>> -> memref<128xf32, #tpu.memory_space<hbm>>
        %dma_start3A_720 = tpu.memref_slice %arg9[%mul3A_708] : memref<2064xf32, #tpu.memory_space<vmem>> -> memref<128xf32, #tpu.memory_space<vmem>>
        tpu.enqueue_dma source(%dma_start3A_720 : memref<128xf32, #tpu.memory_space<vmem>>) target(%dma_start3A_719 : memref<128xf32, #tpu.memory_space<hbm>>) target_semaphore(%run_scoped3A : memref<!tpu.dma_semaphore, #tpu.memory_space<semaphore_mem>>)
        %dma_wait3A = tpu.memref_slice %arg9[%mul3A_708] : memref<2064xf32, #tpu.memory_space<vmem>> -> memref<128xf32, #tpu.memory_space<vmem>>
        %dma_wait3A_721 = tpu.memref_slice %arg4[%add3A_711] : memref<16384xf32, #tpu.memory_space<hbm>> -> memref<128xf32, #tpu.memory_space<hbm>>
        %dma_wait3A_722 = tpu.memref_slice %arg4[%add3A_711] : memref<16384xf32, #tpu.memory_space<hbm>> -> memref<128xf32, #tpu.memory_space<hbm>>
        %dma_wait3A_723 = tpu.memref_slice %arg9[%mul3A_708] : memref<2064xf32, #tpu.memory_space<vmem>> -> memref<128xf32, #tpu.memory_space<vmem>>
        tpu.wait_dma2 semaphore(%run_scoped3A : memref<!tpu.dma_semaphore, #tpu.memory_space<semaphore_mem>>) src(%dma_wait3A_723 : memref<128xf32, #tpu.memory_space<vmem>>) dst(%dma_wait3A_722 : memref<128xf32, #tpu.memory_space<hbm>>)
        tpu.yield
      }) : () -> ()
      %mul3A_712 = arith.constant 128 : i32
      %mul3A_713 = arith.muli %while3A_705, %mul3A_712 : i32
      %mul3A_714 = arith.constant 128 : i32
      %mul3A_715 = arith.muli %while3A_705, %mul3A_714 : i32
      %add3A_716 = arith.addi %add3A_544, %mul3A_715 : i32
      "tpu.region"() ({
        %run_scoped3A = tpu.sem_alloc : memref<!tpu.dma_semaphore, #tpu.memory_space<semaphore_mem>>
        %dma_start3A = tpu.memref_slice %arg10[%mul3A_713] : memref<2064xi32, #tpu.memory_space<vmem>> -> memref<128xi32, #tpu.memory_space<vmem>>
        %dma_start3A_718 = tpu.memref_slice %arg5[%add3A_716] : memref<16384xi32, #tpu.memory_space<hbm>> -> memref<128xi32, #tpu.memory_space<hbm>>
        %dma_start3A_719 = tpu.memref_slice %arg5[%add3A_716] : memref<16384xi32, #tpu.memory_space<hbm>> -> memref<128xi32, #tpu.memory_space<hbm>>
        %dma_start3A_720 = tpu.memref_slice %arg10[%mul3A_713] : memref<2064xi32, #tpu.memory_space<vmem>> -> memref<128xi32, #tpu.memory_space<vmem>>
        tpu.enqueue_dma source(%dma_start3A_720 : memref<128xi32, #tpu.memory_space<vmem>>) target(%dma_start3A_719 : memref<128xi32, #tpu.memory_space<hbm>>) target_semaphore(%run_scoped3A : memref<!tpu.dma_semaphore, #tpu.memory_space<semaphore_mem>>)
        %dma_wait3A = tpu.memref_slice %arg10[%mul3A_713] : memref<2064xi32, #tpu.memory_space<vmem>> -> memref<128xi32, #tpu.memory_space<vmem>>
        %dma_wait3A_721 = tpu.memref_slice %arg5[%add3A_716] : memref<16384xi32, #tpu.memory_space<hbm>> -> memref<128xi32, #tpu.memory_space<hbm>>
        %dma_wait3A_722 = tpu.memref_slice %arg5[%add3A_716] : memref<16384xi32, #tpu.memory_space<hbm>> -> memref<128xi32, #tpu.memory_space<hbm>>
        %dma_wait3A_723 = tpu.memref_slice %arg10[%mul3A_713] : memref<2064xi32, #tpu.memory_space<vmem>> -> memref<128xi32, #tpu.memory_space<vmem>>
        tpu.wait_dma2 semaphore(%run_scoped3A : memref<!tpu.dma_semaphore, #tpu.memory_space<semaphore_mem>>) src(%dma_wait3A_723 : memref<128xi32, #tpu.memory_space<vmem>>) dst(%dma_wait3A_722 : memref<128xi32, #tpu.memory_space<hbm>>)
        tpu.yield
      }) : () -> ()
      %while3A_717 = arith.constant 0 : i32
      scf.yield %while3A_717 : i32
    }
    %while3A_617 = arith.constant 1 : i32
    %while3A_618 = scf.for %while3A_705 = %while3A_614 to %while3A_610 step %while3A_617 iter_args(%while3A_706 = %while3A_616) -> (i32)  : i32 {
      %mul3A_707 = arith.constant 128 : i32
      %mul3A_708 = arith.muli %while3A_705, %mul3A_707 : i32
      %mul3A_709 = arith.constant 128 : i32
      %mul3A_710 = arith.muli %while3A_705, %mul3A_709 : i32
      %add3A_711 = arith.addi %add3A_544, %mul3A_710 : i32
      "tpu.region"() ({
        %run_scoped3A = tpu.sem_alloc : memref<!tpu.dma_semaphore, #tpu.memory_space<semaphore_mem>>
        %dma_start3A = tpu.memref_slice %arg9[%mul3A_708] : memref<2064xf32, #tpu.memory_space<vmem>> -> memref<128xf32, #tpu.memory_space<vmem>>
        %dma_start3A_718 = tpu.memref_slice %arg4[%add3A_711] : memref<16384xf32, #tpu.memory_space<hbm>> -> memref<128xf32, #tpu.memory_space<hbm>>
        %dma_start3A_719 = tpu.memref_slice %arg4[%add3A_711] : memref<16384xf32, #tpu.memory_space<hbm>> -> memref<128xf32, #tpu.memory_space<hbm>>
        %dma_start3A_720 = tpu.memref_slice %arg9[%mul3A_708] : memref<2064xf32, #tpu.memory_space<vmem>> -> memref<128xf32, #tpu.memory_space<vmem>>
        tpu.enqueue_dma source(%dma_start3A_720 : memref<128xf32, #tpu.memory_space<vmem>>) target(%dma_start3A_719 : memref<128xf32, #tpu.memory_space<hbm>>) target_semaphore(%run_scoped3A : memref<!tpu.dma_semaphore, #tpu.memory_space<semaphore_mem>>)
        %dma_wait3A = tpu.memref_slice %arg9[%mul3A_708] : memref<2064xf32, #tpu.memory_space<vmem>> -> memref<128xf32, #tpu.memory_space<vmem>>
        %dma_wait3A_721 = tpu.memref_slice %arg4[%add3A_711] : memref<16384xf32, #tpu.memory_space<hbm>> -> memref<128xf32, #tpu.memory_space<hbm>>
        %dma_wait3A_722 = tpu.memref_slice %arg4[%add3A_711] : memref<16384xf32, #tpu.memory_space<hbm>> -> memref<128xf32, #tpu.memory_space<hbm>>
        %dma_wait3A_723 = tpu.memref_slice %arg9[%mul3A_708] : memref<2064xf32, #tpu.memory_space<vmem>> -> memref<128xf32, #tpu.memory_space<vmem>>
        tpu.wait_dma2 semaphore(%run_scoped3A : memref<!tpu.dma_semaphore, #tpu.memory_space<semaphore_mem>>) src(%dma_wait3A_723 : memref<128xf32, #tpu.memory_space<vmem>>) dst(%dma_wait3A_722 : memref<128xf32, #tpu.memory_space<hbm>>)
        tpu.yield
      }) : () -> ()
      %mul3A_712 = arith.constant 128 : i32
      %mul3A_713 = arith.muli %while3A_705, %mul3A_712 : i32
      %mul3A_714 = arith.constant 128 : i32
      %mul3A_715 = arith.muli %while3A_705, %mul3A_714 : i32
      %add3A_716 = arith.addi %add3A_544, %mul3A_715 : i32
      "tpu.region"() ({
        %run_scoped3A = tpu.sem_alloc : memref<!tpu.dma_semaphore, #tpu.memory_space<semaphore_mem>>
        %dma_start3A = tpu.memref_slice %arg10[%mul3A_713] : memref<2064xi32, #tpu.memory_space<vmem>> -> memref<128xi32, #tpu.memory_space<vmem>>
        %dma_start3A_718 = tpu.memref_slice %arg5[%add3A_716] : memref<16384xi32, #tpu.memory_space<hbm>> -> memref<128xi32, #tpu.memory_space<hbm>>
        %dma_start3A_719 = tpu.memref_slice %arg5[%add3A_716] : memref<16384xi32, #tpu.memory_space<hbm>> -> memref<128xi32, #tpu.memory_space<hbm>>
        %dma_start3A_720 = tpu.memref_slice %arg10[%mul3A_713] : memref<2064xi32, #tpu.memory_space<vmem>> -> memref<128xi32, #tpu.memory_space<vmem>>
        tpu.enqueue_dma source(%dma_start3A_720 : memref<128xi32, #tpu.memory_space<vmem>>) target(%dma_start3A_719 : memref<128xi32, #tpu.memory_space<hbm>>) target_semaphore(%run_scoped3A : memref<!tpu.dma_semaphore, #tpu.memory_space<semaphore_mem>>)
        %dma_wait3A = tpu.memref_slice %arg10[%mul3A_713] : memref<2064xi32, #tpu.memory_space<vmem>> -> memref<128xi32, #tpu.memory_space<vmem>>
        %dma_wait3A_721 = tpu.memref_slice %arg5[%add3A_716] : memref<16384xi32, #tpu.memory_space<hbm>> -> memref<128xi32, #tpu.memory_space<hbm>>
        %dma_wait3A_722 = tpu.memref_slice %arg5[%add3A_716] : memref<16384xi32, #tpu.memory_space<hbm>> -> memref<128xi32, #tpu.memory_space<hbm>>
        %dma_wait3A_723 = tpu.memref_slice %arg10[%mul3A_713] : memref<2064xi32, #tpu.memory_space<vmem>> -> memref<128xi32, #tpu.memory_space<vmem>>
        tpu.wait_dma2 semaphore(%run_scoped3A : memref<!tpu.dma_semaphore, #tpu.memory_space<semaphore_mem>>) src(%dma_wait3A_723 : memref<128xi32, #tpu.memory_space<vmem>>) dst(%dma_wait3A_722 : memref<128xi32, #tpu.memory_space<hbm>>)
        tpu.yield
      }) : () -> ()
      %while3A_717 = arith.constant 0 : i32
      scf.yield %while3A_717 : i32
    }
    %barrier3A_619 = arith.constant 0 : index
    tpu.barrier barrier_id(%barrier3A_619)
    %eq3A_620 = arith.constant 3 : i32
    %eq3A_621 = arith.cmpi eq, %rem3A_18, %eq3A_620 : i32
    %jit3A_622 = arith.constant 0 : i32
    %select_n3A_623 = arith.select %eq3A_621, %select_n3A_570, %jit3A_622 : i32
    %while3A_624 = arith.constant 0 : i32
    %while3A_625 = arith.constant 0 : i32
    %while3A_626 = arith.subi %select_n3A_623, %while3A_624 : i32
    %while3A_627 = arith.addi %while3A_624, %while3A_626 : i32
    %while3A_628 = arith.constant 1 : i32
    %while3A_629 = arith.divsi %while3A_626, %while3A_628 : i32
    %while3A_630 = arith.muli %while3A_629, %while3A_628 : i32
    %while3A_631 = arith.addi %while3A_624, %while3A_630 : i32
    %while3A_632 = arith.constant 1 : i32
    %while3A_633 = scf.for %while3A_705 = %while3A_624 to %while3A_631 step %while3A_632 iter_args(%while3A_706 = %while3A_625) -> (i32)  : i32 {
      %mul3A_707 = arith.constant 128 : i32
      %mul3A_708 = arith.muli %while3A_705, %mul3A_707 : i32
      %mul3A_709 = arith.constant 128 : i32
      %mul3A_710 = arith.muli %while3A_705, %mul3A_709 : i32
      %add3A_711 = arith.addi %add3A_544, %mul3A_710 : i32
      "tpu.region"() ({
        %run_scoped3A = tpu.sem_alloc : memref<!tpu.dma_semaphore, #tpu.memory_space<semaphore_mem>>
        %dma_start3A = tpu.memref_slice %arg9[%mul3A_708] : memref<2064xf32, #tpu.memory_space<vmem>> -> memref<128xf32, #tpu.memory_space<vmem>>
        %dma_start3A_718 = tpu.memref_slice %arg4[%add3A_711] : memref<16384xf32, #tpu.memory_space<hbm>> -> memref<128xf32, #tpu.memory_space<hbm>>
        %dma_start3A_719 = tpu.memref_slice %arg4[%add3A_711] : memref<16384xf32, #tpu.memory_space<hbm>> -> memref<128xf32, #tpu.memory_space<hbm>>
        %dma_start3A_720 = tpu.memref_slice %arg9[%mul3A_708] : memref<2064xf32, #tpu.memory_space<vmem>> -> memref<128xf32, #tpu.memory_space<vmem>>
        tpu.enqueue_dma source(%dma_start3A_720 : memref<128xf32, #tpu.memory_space<vmem>>) target(%dma_start3A_719 : memref<128xf32, #tpu.memory_space<hbm>>) target_semaphore(%run_scoped3A : memref<!tpu.dma_semaphore, #tpu.memory_space<semaphore_mem>>)
        %dma_wait3A = tpu.memref_slice %arg9[%mul3A_708] : memref<2064xf32, #tpu.memory_space<vmem>> -> memref<128xf32, #tpu.memory_space<vmem>>
        %dma_wait3A_721 = tpu.memref_slice %arg4[%add3A_711] : memref<16384xf32, #tpu.memory_space<hbm>> -> memref<128xf32, #tpu.memory_space<hbm>>
        %dma_wait3A_722 = tpu.memref_slice %arg4[%add3A_711] : memref<16384xf32, #tpu.memory_space<hbm>> -> memref<128xf32, #tpu.memory_space<hbm>>
        %dma_wait3A_723 = tpu.memref_slice %arg9[%mul3A_708] : memref<2064xf32, #tpu.memory_space<vmem>> -> memref<128xf32, #tpu.memory_space<vmem>>
        tpu.wait_dma2 semaphore(%run_scoped3A : memref<!tpu.dma_semaphore, #tpu.memory_space<semaphore_mem>>) src(%dma_wait3A_723 : memref<128xf32, #tpu.memory_space<vmem>>) dst(%dma_wait3A_722 : memref<128xf32, #tpu.memory_space<hbm>>)
        tpu.yield
      }) : () -> ()
      %mul3A_712 = arith.constant 128 : i32
      %mul3A_713 = arith.muli %while3A_705, %mul3A_712 : i32
      %mul3A_714 = arith.constant 128 : i32
      %mul3A_715 = arith.muli %while3A_705, %mul3A_714 : i32
      %add3A_716 = arith.addi %add3A_544, %mul3A_715 : i32
      "tpu.region"() ({
        %run_scoped3A = tpu.sem_alloc : memref<!tpu.dma_semaphore, #tpu.memory_space<semaphore_mem>>
        %dma_start3A = tpu.memref_slice %arg10[%mul3A_713] : memref<2064xi32, #tpu.memory_space<vmem>> -> memref<128xi32, #tpu.memory_space<vmem>>
        %dma_start3A_718 = tpu.memref_slice %arg5[%add3A_716] : memref<16384xi32, #tpu.memory_space<hbm>> -> memref<128xi32, #tpu.memory_space<hbm>>
        %dma_start3A_719 = tpu.memref_slice %arg5[%add3A_716] : memref<16384xi32, #tpu.memory_space<hbm>> -> memref<128xi32, #tpu.memory_space<hbm>>
        %dma_start3A_720 = tpu.memref_slice %arg10[%mul3A_713] : memref<2064xi32, #tpu.memory_space<vmem>> -> memref<128xi32, #tpu.memory_space<vmem>>
        tpu.enqueue_dma source(%dma_start3A_720 : memref<128xi32, #tpu.memory_space<vmem>>) target(%dma_start3A_719 : memref<128xi32, #tpu.memory_space<hbm>>) target_semaphore(%run_scoped3A : memref<!tpu.dma_semaphore, #tpu.memory_space<semaphore_mem>>)
        %dma_wait3A = tpu.memref_slice %arg10[%mul3A_713] : memref<2064xi32, #tpu.memory_space<vmem>> -> memref<128xi32, #tpu.memory_space<vmem>>
        %dma_wait3A_721 = tpu.memref_slice %arg5[%add3A_716] : memref<16384xi32, #tpu.memory_space<hbm>> -> memref<128xi32, #tpu.memory_space<hbm>>
        %dma_wait3A_722 = tpu.memref_slice %arg5[%add3A_716] : memref<16384xi32, #tpu.memory_space<hbm>> -> memref<128xi32, #tpu.memory_space<hbm>>
        %dma_wait3A_723 = tpu.memref_slice %arg10[%mul3A_713] : memref<2064xi32, #tpu.memory_space<vmem>> -> memref<128xi32, #tpu.memory_space<vmem>>
        tpu.wait_dma2 semaphore(%run_scoped3A : memref<!tpu.dma_semaphore, #tpu.memory_space<semaphore_mem>>) src(%dma_wait3A_723 : memref<128xi32, #tpu.memory_space<vmem>>) dst(%dma_wait3A_722 : memref<128xi32, #tpu.memory_space<hbm>>)
        tpu.yield
      }) : () -> ()
      %while3A_717 = arith.constant 0 : i32
      scf.yield %while3A_717 : i32
    }
    %while3A_634 = arith.constant 1 : i32
    %while3A_635 = scf.for %while3A_705 = %while3A_631 to %while3A_627 step %while3A_634 iter_args(%while3A_706 = %while3A_633) -> (i32)  : i32 {
      %mul3A_707 = arith.constant 128 : i32
      %mul3A_708 = arith.muli %while3A_705, %mul3A_707 : i32
      %mul3A_709 = arith.constant 128 : i32
      %mul3A_710 = arith.muli %while3A_705, %mul3A_709 : i32
      %add3A_711 = arith.addi %add3A_544, %mul3A_710 : i32
      "tpu.region"() ({
        %run_scoped3A = tpu.sem_alloc : memref<!tpu.dma_semaphore, #tpu.memory_space<semaphore_mem>>
        %dma_start3A = tpu.memref_slice %arg9[%mul3A_708] : memref<2064xf32, #tpu.memory_space<vmem>> -> memref<128xf32, #tpu.memory_space<vmem>>
        %dma_start3A_718 = tpu.memref_slice %arg4[%add3A_711] : memref<16384xf32, #tpu.memory_space<hbm>> -> memref<128xf32, #tpu.memory_space<hbm>>
        %dma_start3A_719 = tpu.memref_slice %arg4[%add3A_711] : memref<16384xf32, #tpu.memory_space<hbm>> -> memref<128xf32, #tpu.memory_space<hbm>>
        %dma_start3A_720 = tpu.memref_slice %arg9[%mul3A_708] : memref<2064xf32, #tpu.memory_space<vmem>> -> memref<128xf32, #tpu.memory_space<vmem>>
        tpu.enqueue_dma source(%dma_start3A_720 : memref<128xf32, #tpu.memory_space<vmem>>) target(%dma_start3A_719 : memref<128xf32, #tpu.memory_space<hbm>>) target_semaphore(%run_scoped3A : memref<!tpu.dma_semaphore, #tpu.memory_space<semaphore_mem>>)
        %dma_wait3A = tpu.memref_slice %arg9[%mul3A_708] : memref<2064xf32, #tpu.memory_space<vmem>> -> memref<128xf32, #tpu.memory_space<vmem>>
        %dma_wait3A_721 = tpu.memref_slice %arg4[%add3A_711] : memref<16384xf32, #tpu.memory_space<hbm>> -> memref<128xf32, #tpu.memory_space<hbm>>
        %dma_wait3A_722 = tpu.memref_slice %arg4[%add3A_711] : memref<16384xf32, #tpu.memory_space<hbm>> -> memref<128xf32, #tpu.memory_space<hbm>>
        %dma_wait3A_723 = tpu.memref_slice %arg9[%mul3A_708] : memref<2064xf32, #tpu.memory_space<vmem>> -> memref<128xf32, #tpu.memory_space<vmem>>
        tpu.wait_dma2 semaphore(%run_scoped3A : memref<!tpu.dma_semaphore, #tpu.memory_space<semaphore_mem>>) src(%dma_wait3A_723 : memref<128xf32, #tpu.memory_space<vmem>>) dst(%dma_wait3A_722 : memref<128xf32, #tpu.memory_space<hbm>>)
        tpu.yield
      }) : () -> ()
      %mul3A_712 = arith.constant 128 : i32
      %mul3A_713 = arith.muli %while3A_705, %mul3A_712 : i32
      %mul3A_714 = arith.constant 128 : i32
      %mul3A_715 = arith.muli %while3A_705, %mul3A_714 : i32
      %add3A_716 = arith.addi %add3A_544, %mul3A_715 : i32
      "tpu.region"() ({
        %run_scoped3A = tpu.sem_alloc : memref<!tpu.dma_semaphore, #tpu.memory_space<semaphore_mem>>
        %dma_start3A = tpu.memref_slice %arg10[%mul3A_713] : memref<2064xi32, #tpu.memory_space<vmem>> -> memref<128xi32, #tpu.memory_space<vmem>>
        %dma_start3A_718 = tpu.memref_slice %arg5[%add3A_716] : memref<16384xi32, #tpu.memory_space<hbm>> -> memref<128xi32, #tpu.memory_space<hbm>>
        %dma_start3A_719 = tpu.memref_slice %arg5[%add3A_716] : memref<16384xi32, #tpu.memory_space<hbm>> -> memref<128xi32, #tpu.memory_space<hbm>>
        %dma_start3A_720 = tpu.memref_slice %arg10[%mul3A_713] : memref<2064xi32, #tpu.memory_space<vmem>> -> memref<128xi32, #tpu.memory_space<vmem>>
        tpu.enqueue_dma source(%dma_start3A_720 : memref<128xi32, #tpu.memory_space<vmem>>) target(%dma_start3A_719 : memref<128xi32, #tpu.memory_space<hbm>>) target_semaphore(%run_scoped3A : memref<!tpu.dma_semaphore, #tpu.memory_space<semaphore_mem>>)
        %dma_wait3A = tpu.memref_slice %arg10[%mul3A_713] : memref<2064xi32, #tpu.memory_space<vmem>> -> memref<128xi32, #tpu.memory_space<vmem>>
        %dma_wait3A_721 = tpu.memref_slice %arg5[%add3A_716] : memref<16384xi32, #tpu.memory_space<hbm>> -> memref<128xi32, #tpu.memory_space<hbm>>
        %dma_wait3A_722 = tpu.memref_slice %arg5[%add3A_716] : memref<16384xi32, #tpu.memory_space<hbm>> -> memref<128xi32, #tpu.memory_space<hbm>>
        %dma_wait3A_723 = tpu.memref_slice %arg10[%mul3A_713] : memref<2064xi32, #tpu.memory_space<vmem>> -> memref<128xi32, #tpu.memory_space<vmem>>
        tpu.wait_dma2 semaphore(%run_scoped3A : memref<!tpu.dma_semaphore, #tpu.memory_space<semaphore_mem>>) src(%dma_wait3A_723 : memref<128xi32, #tpu.memory_space<vmem>>) dst(%dma_wait3A_722 : memref<128xi32, #tpu.memory_space<hbm>>)
        tpu.yield
      }) : () -> ()
      %while3A_717 = arith.constant 0 : i32
      scf.yield %while3A_717 : i32
    }
    %barrier3A_636 = arith.constant 0 : index
    tpu.barrier barrier_id(%barrier3A_636)
    %eq3A_637 = arith.constant 4 : i32
    %eq3A_638 = arith.cmpi eq, %rem3A_18, %eq3A_637 : i32
    %jit3A_639 = arith.constant 0 : i32
    %select_n3A_640 = arith.select %eq3A_638, %select_n3A_570, %jit3A_639 : i32
    %while3A_641 = arith.constant 0 : i32
    %while3A_642 = arith.constant 0 : i32
    %while3A_643 = arith.subi %select_n3A_640, %while3A_641 : i32
    %while3A_644 = arith.addi %while3A_641, %while3A_643 : i32
    %while3A_645 = arith.constant 1 : i32
    %while3A_646 = arith.divsi %while3A_643, %while3A_645 : i32
    %while3A_647 = arith.muli %while3A_646, %while3A_645 : i32
    %while3A_648 = arith.addi %while3A_641, %while3A_647 : i32
    %while3A_649 = arith.constant 1 : i32
    %while3A_650 = scf.for %while3A_705 = %while3A_641 to %while3A_648 step %while3A_649 iter_args(%while3A_706 = %while3A_642) -> (i32)  : i32 {
      %mul3A_707 = arith.constant 128 : i32
      %mul3A_708 = arith.muli %while3A_705, %mul3A_707 : i32
      %mul3A_709 = arith.constant 128 : i32
      %mul3A_710 = arith.muli %while3A_705, %mul3A_709 : i32
      %add3A_711 = arith.addi %add3A_544, %mul3A_710 : i32
      "tpu.region"() ({
        %run_scoped3A = tpu.sem_alloc : memref<!tpu.dma_semaphore, #tpu.memory_space<semaphore_mem>>
        %dma_start3A = tpu.memref_slice %arg9[%mul3A_708] : memref<2064xf32, #tpu.memory_space<vmem>> -> memref<128xf32, #tpu.memory_space<vmem>>
        %dma_start3A_718 = tpu.memref_slice %arg4[%add3A_711] : memref<16384xf32, #tpu.memory_space<hbm>> -> memref<128xf32, #tpu.memory_space<hbm>>
        %dma_start3A_719 = tpu.memref_slice %arg4[%add3A_711] : memref<16384xf32, #tpu.memory_space<hbm>> -> memref<128xf32, #tpu.memory_space<hbm>>
        %dma_start3A_720 = tpu.memref_slice %arg9[%mul3A_708] : memref<2064xf32, #tpu.memory_space<vmem>> -> memref<128xf32, #tpu.memory_space<vmem>>
        tpu.enqueue_dma source(%dma_start3A_720 : memref<128xf32, #tpu.memory_space<vmem>>) target(%dma_start3A_719 : memref<128xf32, #tpu.memory_space<hbm>>) target_semaphore(%run_scoped3A : memref<!tpu.dma_semaphore, #tpu.memory_space<semaphore_mem>>)
        %dma_wait3A = tpu.memref_slice %arg9[%mul3A_708] : memref<2064xf32, #tpu.memory_space<vmem>> -> memref<128xf32, #tpu.memory_space<vmem>>
        %dma_wait3A_721 = tpu.memref_slice %arg4[%add3A_711] : memref<16384xf32, #tpu.memory_space<hbm>> -> memref<128xf32, #tpu.memory_space<hbm>>
        %dma_wait3A_722 = tpu.memref_slice %arg4[%add3A_711] : memref<16384xf32, #tpu.memory_space<hbm>> -> memref<128xf32, #tpu.memory_space<hbm>>
        %dma_wait3A_723 = tpu.memref_slice %arg9[%mul3A_708] : memref<2064xf32, #tpu.memory_space<vmem>> -> memref<128xf32, #tpu.memory_space<vmem>>
        tpu.wait_dma2 semaphore(%run_scoped3A : memref<!tpu.dma_semaphore, #tpu.memory_space<semaphore_mem>>) src(%dma_wait3A_723 : memref<128xf32, #tpu.memory_space<vmem>>) dst(%dma_wait3A_722 : memref<128xf32, #tpu.memory_space<hbm>>)
        tpu.yield
      }) : () -> ()
      %mul3A_712 = arith.constant 128 : i32
      %mul3A_713 = arith.muli %while3A_705, %mul3A_712 : i32
      %mul3A_714 = arith.constant 128 : i32
      %mul3A_715 = arith.muli %while3A_705, %mul3A_714 : i32
      %add3A_716 = arith.addi %add3A_544, %mul3A_715 : i32
      "tpu.region"() ({
        %run_scoped3A = tpu.sem_alloc : memref<!tpu.dma_semaphore, #tpu.memory_space<semaphore_mem>>
        %dma_start3A = tpu.memref_slice %arg10[%mul3A_713] : memref<2064xi32, #tpu.memory_space<vmem>> -> memref<128xi32, #tpu.memory_space<vmem>>
        %dma_start3A_718 = tpu.memref_slice %arg5[%add3A_716] : memref<16384xi32, #tpu.memory_space<hbm>> -> memref<128xi32, #tpu.memory_space<hbm>>
        %dma_start3A_719 = tpu.memref_slice %arg5[%add3A_716] : memref<16384xi32, #tpu.memory_space<hbm>> -> memref<128xi32, #tpu.memory_space<hbm>>
        %dma_start3A_720 = tpu.memref_slice %arg10[%mul3A_713] : memref<2064xi32, #tpu.memory_space<vmem>> -> memref<128xi32, #tpu.memory_space<vmem>>
        tpu.enqueue_dma source(%dma_start3A_720 : memref<128xi32, #tpu.memory_space<vmem>>) target(%dma_start3A_719 : memref<128xi32, #tpu.memory_space<hbm>>) target_semaphore(%run_scoped3A : memref<!tpu.dma_semaphore, #tpu.memory_space<semaphore_mem>>)
        %dma_wait3A = tpu.memref_slice %arg10[%mul3A_713] : memref<2064xi32, #tpu.memory_space<vmem>> -> memref<128xi32, #tpu.memory_space<vmem>>
        %dma_wait3A_721 = tpu.memref_slice %arg5[%add3A_716] : memref<16384xi32, #tpu.memory_space<hbm>> -> memref<128xi32, #tpu.memory_space<hbm>>
        %dma_wait3A_722 = tpu.memref_slice %arg5[%add3A_716] : memref<16384xi32, #tpu.memory_space<hbm>> -> memref<128xi32, #tpu.memory_space<hbm>>
        %dma_wait3A_723 = tpu.memref_slice %arg10[%mul3A_713] : memref<2064xi32, #tpu.memory_space<vmem>> -> memref<128xi32, #tpu.memory_space<vmem>>
        tpu.wait_dma2 semaphore(%run_scoped3A : memref<!tpu.dma_semaphore, #tpu.memory_space<semaphore_mem>>) src(%dma_wait3A_723 : memref<128xi32, #tpu.memory_space<vmem>>) dst(%dma_wait3A_722 : memref<128xi32, #tpu.memory_space<hbm>>)
        tpu.yield
      }) : () -> ()
      %while3A_717 = arith.constant 0 : i32
      scf.yield %while3A_717 : i32
    }
    %while3A_651 = arith.constant 1 : i32
    %while3A_652 = scf.for %while3A_705 = %while3A_648 to %while3A_644 step %while3A_651 iter_args(%while3A_706 = %while3A_650) -> (i32)  : i32 {
      %mul3A_707 = arith.constant 128 : i32
      %mul3A_708 = arith.muli %while3A_705, %mul3A_707 : i32
      %mul3A_709 = arith.constant 128 : i32
      %mul3A_710 = arith.muli %while3A_705, %mul3A_709 : i32
      %add3A_711 = arith.addi %add3A_544, %mul3A_710 : i32
      "tpu.region"() ({
        %run_scoped3A = tpu.sem_alloc : memref<!tpu.dma_semaphore, #tpu.memory_space<semaphore_mem>>
        %dma_start3A = tpu.memref_slice %arg9[%mul3A_708] : memref<2064xf32, #tpu.memory_space<vmem>> -> memref<128xf32, #tpu.memory_space<vmem>>
        %dma_start3A_718 = tpu.memref_slice %arg4[%add3A_711] : memref<16384xf32, #tpu.memory_space<hbm>> -> memref<128xf32, #tpu.memory_space<hbm>>
        %dma_start3A_719 = tpu.memref_slice %arg4[%add3A_711] : memref<16384xf32, #tpu.memory_space<hbm>> -> memref<128xf32, #tpu.memory_space<hbm>>
        %dma_start3A_720 = tpu.memref_slice %arg9[%mul3A_708] : memref<2064xf32, #tpu.memory_space<vmem>> -> memref<128xf32, #tpu.memory_space<vmem>>
        tpu.enqueue_dma source(%dma_start3A_720 : memref<128xf32, #tpu.memory_space<vmem>>) target(%dma_start3A_719 : memref<128xf32, #tpu.memory_space<hbm>>) target_semaphore(%run_scoped3A : memref<!tpu.dma_semaphore, #tpu.memory_space<semaphore_mem>>)
        %dma_wait3A = tpu.memref_slice %arg9[%mul3A_708] : memref<2064xf32, #tpu.memory_space<vmem>> -> memref<128xf32, #tpu.memory_space<vmem>>
        %dma_wait3A_721 = tpu.memref_slice %arg4[%add3A_711] : memref<16384xf32, #tpu.memory_space<hbm>> -> memref<128xf32, #tpu.memory_space<hbm>>
        %dma_wait3A_722 = tpu.memref_slice %arg4[%add3A_711] : memref<16384xf32, #tpu.memory_space<hbm>> -> memref<128xf32, #tpu.memory_space<hbm>>
        %dma_wait3A_723 = tpu.memref_slice %arg9[%mul3A_708] : memref<2064xf32, #tpu.memory_space<vmem>> -> memref<128xf32, #tpu.memory_space<vmem>>
        tpu.wait_dma2 semaphore(%run_scoped3A : memref<!tpu.dma_semaphore, #tpu.memory_space<semaphore_mem>>) src(%dma_wait3A_723 : memref<128xf32, #tpu.memory_space<vmem>>) dst(%dma_wait3A_722 : memref<128xf32, #tpu.memory_space<hbm>>)
        tpu.yield
      }) : () -> ()
      %mul3A_712 = arith.constant 128 : i32
      %mul3A_713 = arith.muli %while3A_705, %mul3A_712 : i32
      %mul3A_714 = arith.constant 128 : i32
      %mul3A_715 = arith.muli %while3A_705, %mul3A_714 : i32
      %add3A_716 = arith.addi %add3A_544, %mul3A_715 : i32
      "tpu.region"() ({
        %run_scoped3A = tpu.sem_alloc : memref<!tpu.dma_semaphore, #tpu.memory_space<semaphore_mem>>
        %dma_start3A = tpu.memref_slice %arg10[%mul3A_713] : memref<2064xi32, #tpu.memory_space<vmem>> -> memref<128xi32, #tpu.memory_space<vmem>>
        %dma_start3A_718 = tpu.memref_slice %arg5[%add3A_716] : memref<16384xi32, #tpu.memory_space<hbm>> -> memref<128xi32, #tpu.memory_space<hbm>>
        %dma_start3A_719 = tpu.memref_slice %arg5[%add3A_716] : memref<16384xi32, #tpu.memory_space<hbm>> -> memref<128xi32, #tpu.memory_space<hbm>>
        %dma_start3A_720 = tpu.memref_slice %arg10[%mul3A_713] : memref<2064xi32, #tpu.memory_space<vmem>> -> memref<128xi32, #tpu.memory_space<vmem>>
        tpu.enqueue_dma source(%dma_start3A_720 : memref<128xi32, #tpu.memory_space<vmem>>) target(%dma_start3A_719 : memref<128xi32, #tpu.memory_space<hbm>>) target_semaphore(%run_scoped3A : memref<!tpu.dma_semaphore, #tpu.memory_space<semaphore_mem>>)
        %dma_wait3A = tpu.memref_slice %arg10[%mul3A_713] : memref<2064xi32, #tpu.memory_space<vmem>> -> memref<128xi32, #tpu.memory_space<vmem>>
        %dma_wait3A_721 = tpu.memref_slice %arg5[%add3A_716] : memref<16384xi32, #tpu.memory_space<hbm>> -> memref<128xi32, #tpu.memory_space<hbm>>
        %dma_wait3A_722 = tpu.memref_slice %arg5[%add3A_716] : memref<16384xi32, #tpu.memory_space<hbm>> -> memref<128xi32, #tpu.memory_space<hbm>>
        %dma_wait3A_723 = tpu.memref_slice %arg10[%mul3A_713] : memref<2064xi32, #tpu.memory_space<vmem>> -> memref<128xi32, #tpu.memory_space<vmem>>
        tpu.wait_dma2 semaphore(%run_scoped3A : memref<!tpu.dma_semaphore, #tpu.memory_space<semaphore_mem>>) src(%dma_wait3A_723 : memref<128xi32, #tpu.memory_space<vmem>>) dst(%dma_wait3A_722 : memref<128xi32, #tpu.memory_space<hbm>>)
        tpu.yield
      }) : () -> ()
      %while3A_717 = arith.constant 0 : i32
      scf.yield %while3A_717 : i32
    }
    %barrier3A_653 = arith.constant 0 : index
    tpu.barrier barrier_id(%barrier3A_653)
    %eq3A_654 = arith.constant 5 : i32
    %eq3A_655 = arith.cmpi eq, %rem3A_18, %eq3A_654 : i32
    %jit3A_656 = arith.constant 0 : i32
    %select_n3A_657 = arith.select %eq3A_655, %select_n3A_570, %jit3A_656 : i32
    %while3A_658 = arith.constant 0 : i32
    %while3A_659 = arith.constant 0 : i32
    %while3A_660 = arith.subi %select_n3A_657, %while3A_658 : i32
    %while3A_661 = arith.addi %while3A_658, %while3A_660 : i32
    %while3A_662 = arith.constant 1 : i32
    %while3A_663 = arith.divsi %while3A_660, %while3A_662 : i32
    %while3A_664 = arith.muli %while3A_663, %while3A_662 : i32
    %while3A_665 = arith.addi %while3A_658, %while3A_664 : i32
    %while3A_666 = arith.constant 1 : i32
    %while3A_667 = scf.for %while3A_705 = %while3A_658 to %while3A_665 step %while3A_666 iter_args(%while3A_706 = %while3A_659) -> (i32)  : i32 {
      %mul3A_707 = arith.constant 128 : i32
      %mul3A_708 = arith.muli %while3A_705, %mul3A_707 : i32
      %mul3A_709 = arith.constant 128 : i32
      %mul3A_710 = arith.muli %while3A_705, %mul3A_709 : i32
      %add3A_711 = arith.addi %add3A_544, %mul3A_710 : i32
      "tpu.region"() ({
        %run_scoped3A = tpu.sem_alloc : memref<!tpu.dma_semaphore, #tpu.memory_space<semaphore_mem>>
        %dma_start3A = tpu.memref_slice %arg9[%mul3A_708] : memref<2064xf32, #tpu.memory_space<vmem>> -> memref<128xf32, #tpu.memory_space<vmem>>
        %dma_start3A_718 = tpu.memref_slice %arg4[%add3A_711] : memref<16384xf32, #tpu.memory_space<hbm>> -> memref<128xf32, #tpu.memory_space<hbm>>
        %dma_start3A_719 = tpu.memref_slice %arg4[%add3A_711] : memref<16384xf32, #tpu.memory_space<hbm>> -> memref<128xf32, #tpu.memory_space<hbm>>
        %dma_start3A_720 = tpu.memref_slice %arg9[%mul3A_708] : memref<2064xf32, #tpu.memory_space<vmem>> -> memref<128xf32, #tpu.memory_space<vmem>>
        tpu.enqueue_dma source(%dma_start3A_720 : memref<128xf32, #tpu.memory_space<vmem>>) target(%dma_start3A_719 : memref<128xf32, #tpu.memory_space<hbm>>) target_semaphore(%run_scoped3A : memref<!tpu.dma_semaphore, #tpu.memory_space<semaphore_mem>>)
        %dma_wait3A = tpu.memref_slice %arg9[%mul3A_708] : memref<2064xf32, #tpu.memory_space<vmem>> -> memref<128xf32, #tpu.memory_space<vmem>>
        %dma_wait3A_721 = tpu.memref_slice %arg4[%add3A_711] : memref<16384xf32, #tpu.memory_space<hbm>> -> memref<128xf32, #tpu.memory_space<hbm>>
        %dma_wait3A_722 = tpu.memref_slice %arg4[%add3A_711] : memref<16384xf32, #tpu.memory_space<hbm>> -> memref<128xf32, #tpu.memory_space<hbm>>
        %dma_wait3A_723 = tpu.memref_slice %arg9[%mul3A_708] : memref<2064xf32, #tpu.memory_space<vmem>> -> memref<128xf32, #tpu.memory_space<vmem>>
        tpu.wait_dma2 semaphore(%run_scoped3A : memref<!tpu.dma_semaphore, #tpu.memory_space<semaphore_mem>>) src(%dma_wait3A_723 : memref<128xf32, #tpu.memory_space<vmem>>) dst(%dma_wait3A_722 : memref<128xf32, #tpu.memory_space<hbm>>)
        tpu.yield
      }) : () -> ()
      %mul3A_712 = arith.constant 128 : i32
      %mul3A_713 = arith.muli %while3A_705, %mul3A_712 : i32
      %mul3A_714 = arith.constant 128 : i32
      %mul3A_715 = arith.muli %while3A_705, %mul3A_714 : i32
      %add3A_716 = arith.addi %add3A_544, %mul3A_715 : i32
      "tpu.region"() ({
        %run_scoped3A = tpu.sem_alloc : memref<!tpu.dma_semaphore, #tpu.memory_space<semaphore_mem>>
        %dma_start3A = tpu.memref_slice %arg10[%mul3A_713] : memref<2064xi32, #tpu.memory_space<vmem>> -> memref<128xi32, #tpu.memory_space<vmem>>
        %dma_start3A_718 = tpu.memref_slice %arg5[%add3A_716] : memref<16384xi32, #tpu.memory_space<hbm>> -> memref<128xi32, #tpu.memory_space<hbm>>
        %dma_start3A_719 = tpu.memref_slice %arg5[%add3A_716] : memref<16384xi32, #tpu.memory_space<hbm>> -> memref<128xi32, #tpu.memory_space<hbm>>
        %dma_start3A_720 = tpu.memref_slice %arg10[%mul3A_713] : memref<2064xi32, #tpu.memory_space<vmem>> -> memref<128xi32, #tpu.memory_space<vmem>>
        tpu.enqueue_dma source(%dma_start3A_720 : memref<128xi32, #tpu.memory_space<vmem>>) target(%dma_start3A_719 : memref<128xi32, #tpu.memory_space<hbm>>) target_semaphore(%run_scoped3A : memref<!tpu.dma_semaphore, #tpu.memory_space<semaphore_mem>>)
        %dma_wait3A = tpu.memref_slice %arg10[%mul3A_713] : memref<2064xi32, #tpu.memory_space<vmem>> -> memref<128xi32, #tpu.memory_space<vmem>>
        %dma_wait3A_721 = tpu.memref_slice %arg5[%add3A_716] : memref<16384xi32, #tpu.memory_space<hbm>> -> memref<128xi32, #tpu.memory_space<hbm>>
        %dma_wait3A_722 = tpu.memref_slice %arg5[%add3A_716] : memref<16384xi32, #tpu.memory_space<hbm>> -> memref<128xi32, #tpu.memory_space<hbm>>
        %dma_wait3A_723 = tpu.memref_slice %arg10[%mul3A_713] : memref<2064xi32, #tpu.memory_space<vmem>> -> memref<128xi32, #tpu.memory_space<vmem>>
        tpu.wait_dma2 semaphore(%run_scoped3A : memref<!tpu.dma_semaphore, #tpu.memory_space<semaphore_mem>>) src(%dma_wait3A_723 : memref<128xi32, #tpu.memory_space<vmem>>) dst(%dma_wait3A_722 : memref<128xi32, #tpu.memory_space<hbm>>)
        tpu.yield
      }) : () -> ()
      %while3A_717 = arith.constant 0 : i32
      scf.yield %while3A_717 : i32
    }
    %while3A_668 = arith.constant 1 : i32
    %while3A_669 = scf.for %while3A_705 = %while3A_665 to %while3A_661 step %while3A_668 iter_args(%while3A_706 = %while3A_667) -> (i32)  : i32 {
      %mul3A_707 = arith.constant 128 : i32
      %mul3A_708 = arith.muli %while3A_705, %mul3A_707 : i32
      %mul3A_709 = arith.constant 128 : i32
      %mul3A_710 = arith.muli %while3A_705, %mul3A_709 : i32
      %add3A_711 = arith.addi %add3A_544, %mul3A_710 : i32
      "tpu.region"() ({
        %run_scoped3A = tpu.sem_alloc : memref<!tpu.dma_semaphore, #tpu.memory_space<semaphore_mem>>
        %dma_start3A = tpu.memref_slice %arg9[%mul3A_708] : memref<2064xf32, #tpu.memory_space<vmem>> -> memref<128xf32, #tpu.memory_space<vmem>>
        %dma_start3A_718 = tpu.memref_slice %arg4[%add3A_711] : memref<16384xf32, #tpu.memory_space<hbm>> -> memref<128xf32, #tpu.memory_space<hbm>>
        %dma_start3A_719 = tpu.memref_slice %arg4[%add3A_711] : memref<16384xf32, #tpu.memory_space<hbm>> -> memref<128xf32, #tpu.memory_space<hbm>>
        %dma_start3A_720 = tpu.memref_slice %arg9[%mul3A_708] : memref<2064xf32, #tpu.memory_space<vmem>> -> memref<128xf32, #tpu.memory_space<vmem>>
        tpu.enqueue_dma source(%dma_start3A_720 : memref<128xf32, #tpu.memory_space<vmem>>) target(%dma_start3A_719 : memref<128xf32, #tpu.memory_space<hbm>>) target_semaphore(%run_scoped3A : memref<!tpu.dma_semaphore, #tpu.memory_space<semaphore_mem>>)
        %dma_wait3A = tpu.memref_slice %arg9[%mul3A_708] : memref<2064xf32, #tpu.memory_space<vmem>> -> memref<128xf32, #tpu.memory_space<vmem>>
        %dma_wait3A_721 = tpu.memref_slice %arg4[%add3A_711] : memref<16384xf32, #tpu.memory_space<hbm>> -> memref<128xf32, #tpu.memory_space<hbm>>
        %dma_wait3A_722 = tpu.memref_slice %arg4[%add3A_711] : memref<16384xf32, #tpu.memory_space<hbm>> -> memref<128xf32, #tpu.memory_space<hbm>>
        %dma_wait3A_723 = tpu.memref_slice %arg9[%mul3A_708] : memref<2064xf32, #tpu.memory_space<vmem>> -> memref<128xf32, #tpu.memory_space<vmem>>
        tpu.wait_dma2 semaphore(%run_scoped3A : memref<!tpu.dma_semaphore, #tpu.memory_space<semaphore_mem>>) src(%dma_wait3A_723 : memref<128xf32, #tpu.memory_space<vmem>>) dst(%dma_wait3A_722 : memref<128xf32, #tpu.memory_space<hbm>>)
        tpu.yield
      }) : () -> ()
      %mul3A_712 = arith.constant 128 : i32
      %mul3A_713 = arith.muli %while3A_705, %mul3A_712 : i32
      %mul3A_714 = arith.constant 128 : i32
      %mul3A_715 = arith.muli %while3A_705, %mul3A_714 : i32
      %add3A_716 = arith.addi %add3A_544, %mul3A_715 : i32
      "tpu.region"() ({
        %run_scoped3A = tpu.sem_alloc : memref<!tpu.dma_semaphore, #tpu.memory_space<semaphore_mem>>
        %dma_start3A = tpu.memref_slice %arg10[%mul3A_713] : memref<2064xi32, #tpu.memory_space<vmem>> -> memref<128xi32, #tpu.memory_space<vmem>>
        %dma_start3A_718 = tpu.memref_slice %arg5[%add3A_716] : memref<16384xi32, #tpu.memory_space<hbm>> -> memref<128xi32, #tpu.memory_space<hbm>>
        %dma_start3A_719 = tpu.memref_slice %arg5[%add3A_716] : memref<16384xi32, #tpu.memory_space<hbm>> -> memref<128xi32, #tpu.memory_space<hbm>>
        %dma_start3A_720 = tpu.memref_slice %arg10[%mul3A_713] : memref<2064xi32, #tpu.memory_space<vmem>> -> memref<128xi32, #tpu.memory_space<vmem>>
        tpu.enqueue_dma source(%dma_start3A_720 : memref<128xi32, #tpu.memory_space<vmem>>) target(%dma_start3A_719 : memref<128xi32, #tpu.memory_space<hbm>>) target_semaphore(%run_scoped3A : memref<!tpu.dma_semaphore, #tpu.memory_space<semaphore_mem>>)
        %dma_wait3A = tpu.memref_slice %arg10[%mul3A_713] : memref<2064xi32, #tpu.memory_space<vmem>> -> memref<128xi32, #tpu.memory_space<vmem>>
        %dma_wait3A_721 = tpu.memref_slice %arg5[%add3A_716] : memref<16384xi32, #tpu.memory_space<hbm>> -> memref<128xi32, #tpu.memory_space<hbm>>
        %dma_wait3A_722 = tpu.memref_slice %arg5[%add3A_716] : memref<16384xi32, #tpu.memory_space<hbm>> -> memref<128xi32, #tpu.memory_space<hbm>>
        %dma_wait3A_723 = tpu.memref_slice %arg10[%mul3A_713] : memref<2064xi32, #tpu.memory_space<vmem>> -> memref<128xi32, #tpu.memory_space<vmem>>
        tpu.wait_dma2 semaphore(%run_scoped3A : memref<!tpu.dma_semaphore, #tpu.memory_space<semaphore_mem>>) src(%dma_wait3A_723 : memref<128xi32, #tpu.memory_space<vmem>>) dst(%dma_wait3A_722 : memref<128xi32, #tpu.memory_space<hbm>>)
        tpu.yield
      }) : () -> ()
      %while3A_717 = arith.constant 0 : i32
      scf.yield %while3A_717 : i32
    }
    %barrier3A_670 = arith.constant 0 : index
    tpu.barrier barrier_id(%barrier3A_670)
    %eq3A_671 = arith.constant 6 : i32
    %eq3A_672 = arith.cmpi eq, %rem3A_18, %eq3A_671 : i32
    %jit3A_673 = arith.constant 0 : i32
    %select_n3A_674 = arith.select %eq3A_672, %select_n3A_570, %jit3A_673 : i32
    %while3A_675 = arith.constant 0 : i32
    %while3A_676 = arith.constant 0 : i32
    %while3A_677 = arith.subi %select_n3A_674, %while3A_675 : i32
    %while3A_678 = arith.addi %while3A_675, %while3A_677 : i32
    %while3A_679 = arith.constant 1 : i32
    %while3A_680 = arith.divsi %while3A_677, %while3A_679 : i32
    %while3A_681 = arith.muli %while3A_680, %while3A_679 : i32
    %while3A_682 = arith.addi %while3A_675, %while3A_681 : i32
    %while3A_683 = arith.constant 1 : i32
    %while3A_684 = scf.for %while3A_705 = %while3A_675 to %while3A_682 step %while3A_683 iter_args(%while3A_706 = %while3A_676) -> (i32)  : i32 {
      %mul3A_707 = arith.constant 128 : i32
      %mul3A_708 = arith.muli %while3A_705, %mul3A_707 : i32
      %mul3A_709 = arith.constant 128 : i32
      %mul3A_710 = arith.muli %while3A_705, %mul3A_709 : i32
      %add3A_711 = arith.addi %add3A_544, %mul3A_710 : i32
      "tpu.region"() ({
        %run_scoped3A = tpu.sem_alloc : memref<!tpu.dma_semaphore, #tpu.memory_space<semaphore_mem>>
        %dma_start3A = tpu.memref_slice %arg9[%mul3A_708] : memref<2064xf32, #tpu.memory_space<vmem>> -> memref<128xf32, #tpu.memory_space<vmem>>
        %dma_start3A_718 = tpu.memref_slice %arg4[%add3A_711] : memref<16384xf32, #tpu.memory_space<hbm>> -> memref<128xf32, #tpu.memory_space<hbm>>
        %dma_start3A_719 = tpu.memref_slice %arg4[%add3A_711] : memref<16384xf32, #tpu.memory_space<hbm>> -> memref<128xf32, #tpu.memory_space<hbm>>
        %dma_start3A_720 = tpu.memref_slice %arg9[%mul3A_708] : memref<2064xf32, #tpu.memory_space<vmem>> -> memref<128xf32, #tpu.memory_space<vmem>>
        tpu.enqueue_dma source(%dma_start3A_720 : memref<128xf32, #tpu.memory_space<vmem>>) target(%dma_start3A_719 : memref<128xf32, #tpu.memory_space<hbm>>) target_semaphore(%run_scoped3A : memref<!tpu.dma_semaphore, #tpu.memory_space<semaphore_mem>>)
        %dma_wait3A = tpu.memref_slice %arg9[%mul3A_708] : memref<2064xf32, #tpu.memory_space<vmem>> -> memref<128xf32, #tpu.memory_space<vmem>>
        %dma_wait3A_721 = tpu.memref_slice %arg4[%add3A_711] : memref<16384xf32, #tpu.memory_space<hbm>> -> memref<128xf32, #tpu.memory_space<hbm>>
        %dma_wait3A_722 = tpu.memref_slice %arg4[%add3A_711] : memref<16384xf32, #tpu.memory_space<hbm>> -> memref<128xf32, #tpu.memory_space<hbm>>
        %dma_wait3A_723 = tpu.memref_slice %arg9[%mul3A_708] : memref<2064xf32, #tpu.memory_space<vmem>> -> memref<128xf32, #tpu.memory_space<vmem>>
        tpu.wait_dma2 semaphore(%run_scoped3A : memref<!tpu.dma_semaphore, #tpu.memory_space<semaphore_mem>>) src(%dma_wait3A_723 : memref<128xf32, #tpu.memory_space<vmem>>) dst(%dma_wait3A_722 : memref<128xf32, #tpu.memory_space<hbm>>)
        tpu.yield
      }) : () -> ()
      %mul3A_712 = arith.constant 128 : i32
      %mul3A_713 = arith.muli %while3A_705, %mul3A_712 : i32
      %mul3A_714 = arith.constant 128 : i32
      %mul3A_715 = arith.muli %while3A_705, %mul3A_714 : i32
      %add3A_716 = arith.addi %add3A_544, %mul3A_715 : i32
      "tpu.region"() ({
        %run_scoped3A = tpu.sem_alloc : memref<!tpu.dma_semaphore, #tpu.memory_space<semaphore_mem>>
        %dma_start3A = tpu.memref_slice %arg10[%mul3A_713] : memref<2064xi32, #tpu.memory_space<vmem>> -> memref<128xi32, #tpu.memory_space<vmem>>
        %dma_start3A_718 = tpu.memref_slice %arg5[%add3A_716] : memref<16384xi32, #tpu.memory_space<hbm>> -> memref<128xi32, #tpu.memory_space<hbm>>
        %dma_start3A_719 = tpu.memref_slice %arg5[%add3A_716] : memref<16384xi32, #tpu.memory_space<hbm>> -> memref<128xi32, #tpu.memory_space<hbm>>
        %dma_start3A_720 = tpu.memref_slice %arg10[%mul3A_713] : memref<2064xi32, #tpu.memory_space<vmem>> -> memref<128xi32, #tpu.memory_space<vmem>>
        tpu.enqueue_dma source(%dma_start3A_720 : memref<128xi32, #tpu.memory_space<vmem>>) target(%dma_start3A_719 : memref<128xi32, #tpu.memory_space<hbm>>) target_semaphore(%run_scoped3A : memref<!tpu.dma_semaphore, #tpu.memory_space<semaphore_mem>>)
        %dma_wait3A = tpu.memref_slice %arg10[%mul3A_713] : memref<2064xi32, #tpu.memory_space<vmem>> -> memref<128xi32, #tpu.memory_space<vmem>>
        %dma_wait3A_721 = tpu.memref_slice %arg5[%add3A_716] : memref<16384xi32, #tpu.memory_space<hbm>> -> memref<128xi32, #tpu.memory_space<hbm>>
        %dma_wait3A_722 = tpu.memref_slice %arg5[%add3A_716] : memref<16384xi32, #tpu.memory_space<hbm>> -> memref<128xi32, #tpu.memory_space<hbm>>
        %dma_wait3A_723 = tpu.memref_slice %arg10[%mul3A_713] : memref<2064xi32, #tpu.memory_space<vmem>> -> memref<128xi32, #tpu.memory_space<vmem>>
        tpu.wait_dma2 semaphore(%run_scoped3A : memref<!tpu.dma_semaphore, #tpu.memory_space<semaphore_mem>>) src(%dma_wait3A_723 : memref<128xi32, #tpu.memory_space<vmem>>) dst(%dma_wait3A_722 : memref<128xi32, #tpu.memory_space<hbm>>)
        tpu.yield
      }) : () -> ()
      %while3A_717 = arith.constant 0 : i32
      scf.yield %while3A_717 : i32
    }
    %while3A_685 = arith.constant 1 : i32
    %while3A_686 = scf.for %while3A_705 = %while3A_682 to %while3A_678 step %while3A_685 iter_args(%while3A_706 = %while3A_684) -> (i32)  : i32 {
      %mul3A_707 = arith.constant 128 : i32
      %mul3A_708 = arith.muli %while3A_705, %mul3A_707 : i32
      %mul3A_709 = arith.constant 128 : i32
      %mul3A_710 = arith.muli %while3A_705, %mul3A_709 : i32
      %add3A_711 = arith.addi %add3A_544, %mul3A_710 : i32
      "tpu.region"() ({
        %run_scoped3A = tpu.sem_alloc : memref<!tpu.dma_semaphore, #tpu.memory_space<semaphore_mem>>
        %dma_start3A = tpu.memref_slice %arg9[%mul3A_708] : memref<2064xf32, #tpu.memory_space<vmem>> -> memref<128xf32, #tpu.memory_space<vmem>>
        %dma_start3A_718 = tpu.memref_slice %arg4[%add3A_711] : memref<16384xf32, #tpu.memory_space<hbm>> -> memref<128xf32, #tpu.memory_space<hbm>>
        %dma_start3A_719 = tpu.memref_slice %arg4[%add3A_711] : memref<16384xf32, #tpu.memory_space<hbm>> -> memref<128xf32, #tpu.memory_space<hbm>>
        %dma_start3A_720 = tpu.memref_slice %arg9[%mul3A_708] : memref<2064xf32, #tpu.memory_space<vmem>> -> memref<128xf32, #tpu.memory_space<vmem>>
        tpu.enqueue_dma source(%dma_start3A_720 : memref<128xf32, #tpu.memory_space<vmem>>) target(%dma_start3A_719 : memref<128xf32, #tpu.memory_space<hbm>>) target_semaphore(%run_scoped3A : memref<!tpu.dma_semaphore, #tpu.memory_space<semaphore_mem>>)
        %dma_wait3A = tpu.memref_slice %arg9[%mul3A_708] : memref<2064xf32, #tpu.memory_space<vmem>> -> memref<128xf32, #tpu.memory_space<vmem>>
        %dma_wait3A_721 = tpu.memref_slice %arg4[%add3A_711] : memref<16384xf32, #tpu.memory_space<hbm>> -> memref<128xf32, #tpu.memory_space<hbm>>
        %dma_wait3A_722 = tpu.memref_slice %arg4[%add3A_711] : memref<16384xf32, #tpu.memory_space<hbm>> -> memref<128xf32, #tpu.memory_space<hbm>>
        %dma_wait3A_723 = tpu.memref_slice %arg9[%mul3A_708] : memref<2064xf32, #tpu.memory_space<vmem>> -> memref<128xf32, #tpu.memory_space<vmem>>
        tpu.wait_dma2 semaphore(%run_scoped3A : memref<!tpu.dma_semaphore, #tpu.memory_space<semaphore_mem>>) src(%dma_wait3A_723 : memref<128xf32, #tpu.memory_space<vmem>>) dst(%dma_wait3A_722 : memref<128xf32, #tpu.memory_space<hbm>>)
        tpu.yield
      }) : () -> ()
      %mul3A_712 = arith.constant 128 : i32
      %mul3A_713 = arith.muli %while3A_705, %mul3A_712 : i32
      %mul3A_714 = arith.constant 128 : i32
      %mul3A_715 = arith.muli %while3A_705, %mul3A_714 : i32
      %add3A_716 = arith.addi %add3A_544, %mul3A_715 : i32
      "tpu.region"() ({
        %run_scoped3A = tpu.sem_alloc : memref<!tpu.dma_semaphore, #tpu.memory_space<semaphore_mem>>
        %dma_start3A = tpu.memref_slice %arg10[%mul3A_713] : memref<2064xi32, #tpu.memory_space<vmem>> -> memref<128xi32, #tpu.memory_space<vmem>>
        %dma_start3A_718 = tpu.memref_slice %arg5[%add3A_716] : memref<16384xi32, #tpu.memory_space<hbm>> -> memref<128xi32, #tpu.memory_space<hbm>>
        %dma_start3A_719 = tpu.memref_slice %arg5[%add3A_716] : memref<16384xi32, #tpu.memory_space<hbm>> -> memref<128xi32, #tpu.memory_space<hbm>>
        %dma_start3A_720 = tpu.memref_slice %arg10[%mul3A_713] : memref<2064xi32, #tpu.memory_space<vmem>> -> memref<128xi32, #tpu.memory_space<vmem>>
        tpu.enqueue_dma source(%dma_start3A_720 : memref<128xi32, #tpu.memory_space<vmem>>) target(%dma_start3A_719 : memref<128xi32, #tpu.memory_space<hbm>>) target_semaphore(%run_scoped3A : memref<!tpu.dma_semaphore, #tpu.memory_space<semaphore_mem>>)
        %dma_wait3A = tpu.memref_slice %arg10[%mul3A_713] : memref<2064xi32, #tpu.memory_space<vmem>> -> memref<128xi32, #tpu.memory_space<vmem>>
        %dma_wait3A_721 = tpu.memref_slice %arg5[%add3A_716] : memref<16384xi32, #tpu.memory_space<hbm>> -> memref<128xi32, #tpu.memory_space<hbm>>
        %dma_wait3A_722 = tpu.memref_slice %arg5[%add3A_716] : memref<16384xi32, #tpu.memory_space<hbm>> -> memref<128xi32, #tpu.memory_space<hbm>>
        %dma_wait3A_723 = tpu.memref_slice %arg10[%mul3A_713] : memref<2064xi32, #tpu.memory_space<vmem>> -> memref<128xi32, #tpu.memory_space<vmem>>
        tpu.wait_dma2 semaphore(%run_scoped3A : memref<!tpu.dma_semaphore, #tpu.memory_space<semaphore_mem>>) src(%dma_wait3A_723 : memref<128xi32, #tpu.memory_space<vmem>>) dst(%dma_wait3A_722 : memref<128xi32, #tpu.memory_space<hbm>>)
        tpu.yield
      }) : () -> ()
      %while3A_717 = arith.constant 0 : i32
      scf.yield %while3A_717 : i32
    }
    %barrier3A_687 = arith.constant 0 : index
    tpu.barrier barrier_id(%barrier3A_687)
    %eq3A_688 = arith.constant 7 : i32
    %eq3A_689 = arith.cmpi eq, %rem3A_18, %eq3A_688 : i32
    %jit3A_690 = arith.constant 0 : i32
    %select_n3A_691 = arith.select %eq3A_689, %select_n3A_570, %jit3A_690 : i32
    %while3A_692 = arith.constant 0 : i32
    %while3A_693 = arith.constant 0 : i32
    %while3A_694 = arith.subi %select_n3A_691, %while3A_692 : i32
    %while3A_695 = arith.addi %while3A_692, %while3A_694 : i32
    %while3A_696 = arith.constant 1 : i32
    %while3A_697 = arith.divsi %while3A_694, %while3A_696 : i32
    %while3A_698 = arith.muli %while3A_697, %while3A_696 : i32
    %while3A_699 = arith.addi %while3A_692, %while3A_698 : i32
    %while3A_700 = arith.constant 1 : i32
    %while3A_701 = scf.for %while3A_705 = %while3A_692 to %while3A_699 step %while3A_700 iter_args(%while3A_706 = %while3A_693) -> (i32)  : i32 {
      %mul3A_707 = arith.constant 128 : i32
      %mul3A_708 = arith.muli %while3A_705, %mul3A_707 : i32
      %mul3A_709 = arith.constant 128 : i32
      %mul3A_710 = arith.muli %while3A_705, %mul3A_709 : i32
      %add3A_711 = arith.addi %add3A_544, %mul3A_710 : i32
      "tpu.region"() ({
        %run_scoped3A = tpu.sem_alloc : memref<!tpu.dma_semaphore, #tpu.memory_space<semaphore_mem>>
        %dma_start3A = tpu.memref_slice %arg9[%mul3A_708] : memref<2064xf32, #tpu.memory_space<vmem>> -> memref<128xf32, #tpu.memory_space<vmem>>
        %dma_start3A_718 = tpu.memref_slice %arg4[%add3A_711] : memref<16384xf32, #tpu.memory_space<hbm>> -> memref<128xf32, #tpu.memory_space<hbm>>
        %dma_start3A_719 = tpu.memref_slice %arg4[%add3A_711] : memref<16384xf32, #tpu.memory_space<hbm>> -> memref<128xf32, #tpu.memory_space<hbm>>
        %dma_start3A_720 = tpu.memref_slice %arg9[%mul3A_708] : memref<2064xf32, #tpu.memory_space<vmem>> -> memref<128xf32, #tpu.memory_space<vmem>>
        tpu.enqueue_dma source(%dma_start3A_720 : memref<128xf32, #tpu.memory_space<vmem>>) target(%dma_start3A_719 : memref<128xf32, #tpu.memory_space<hbm>>) target_semaphore(%run_scoped3A : memref<!tpu.dma_semaphore, #tpu.memory_space<semaphore_mem>>)
        %dma_wait3A = tpu.memref_slice %arg9[%mul3A_708] : memref<2064xf32, #tpu.memory_space<vmem>> -> memref<128xf32, #tpu.memory_space<vmem>>
        %dma_wait3A_721 = tpu.memref_slice %arg4[%add3A_711] : memref<16384xf32, #tpu.memory_space<hbm>> -> memref<128xf32, #tpu.memory_space<hbm>>
        %dma_wait3A_722 = tpu.memref_slice %arg4[%add3A_711] : memref<16384xf32, #tpu.memory_space<hbm>> -> memref<128xf32, #tpu.memory_space<hbm>>
        %dma_wait3A_723 = tpu.memref_slice %arg9[%mul3A_708] : memref<2064xf32, #tpu.memory_space<vmem>> -> memref<128xf32, #tpu.memory_space<vmem>>
        tpu.wait_dma2 semaphore(%run_scoped3A : memref<!tpu.dma_semaphore, #tpu.memory_space<semaphore_mem>>) src(%dma_wait3A_723 : memref<128xf32, #tpu.memory_space<vmem>>) dst(%dma_wait3A_722 : memref<128xf32, #tpu.memory_space<hbm>>)
        tpu.yield
      }) : () -> ()
      %mul3A_712 = arith.constant 128 : i32
      %mul3A_713 = arith.muli %while3A_705, %mul3A_712 : i32
      %mul3A_714 = arith.constant 128 : i32
      %mul3A_715 = arith.muli %while3A_705, %mul3A_714 : i32
      %add3A_716 = arith.addi %add3A_544, %mul3A_715 : i32
      "tpu.region"() ({
        %run_scoped3A = tpu.sem_alloc : memref<!tpu.dma_semaphore, #tpu.memory_space<semaphore_mem>>
        %dma_start3A = tpu.memref_slice %arg10[%mul3A_713] : memref<2064xi32, #tpu.memory_space<vmem>> -> memref<128xi32, #tpu.memory_space<vmem>>
        %dma_start3A_718 = tpu.memref_slice %arg5[%add3A_716] : memref<16384xi32, #tpu.memory_space<hbm>> -> memref<128xi32, #tpu.memory_space<hbm>>
        %dma_start3A_719 = tpu.memref_slice %arg5[%add3A_716] : memref<16384xi32, #tpu.memory_space<hbm>> -> memref<128xi32, #tpu.memory_space<hbm>>
        %dma_start3A_720 = tpu.memref_slice %arg10[%mul3A_713] : memref<2064xi32, #tpu.memory_space<vmem>> -> memref<128xi32, #tpu.memory_space<vmem>>
        tpu.enqueue_dma source(%dma_start3A_720 : memref<128xi32, #tpu.memory_space<vmem>>) target(%dma_start3A_719 : memref<128xi32, #tpu.memory_space<hbm>>) target_semaphore(%run_scoped3A : memref<!tpu.dma_semaphore, #tpu.memory_space<semaphore_mem>>)
        %dma_wait3A = tpu.memref_slice %arg10[%mul3A_713] : memref<2064xi32, #tpu.memory_space<vmem>> -> memref<128xi32, #tpu.memory_space<vmem>>
        %dma_wait3A_721 = tpu.memref_slice %arg5[%add3A_716] : memref<16384xi32, #tpu.memory_space<hbm>> -> memref<128xi32, #tpu.memory_space<hbm>>
        %dma_wait3A_722 = tpu.memref_slice %arg5[%add3A_716] : memref<16384xi32, #tpu.memory_space<hbm>> -> memref<128xi32, #tpu.memory_space<hbm>>
        %dma_wait3A_723 = tpu.memref_slice %arg10[%mul3A_713] : memref<2064xi32, #tpu.memory_space<vmem>> -> memref<128xi32, #tpu.memory_space<vmem>>
        tpu.wait_dma2 semaphore(%run_scoped3A : memref<!tpu.dma_semaphore, #tpu.memory_space<semaphore_mem>>) src(%dma_wait3A_723 : memref<128xi32, #tpu.memory_space<vmem>>) dst(%dma_wait3A_722 : memref<128xi32, #tpu.memory_space<hbm>>)
        tpu.yield
      }) : () -> ()
      %while3A_717 = arith.constant 0 : i32
      scf.yield %while3A_717 : i32
    }
    %while3A_702 = arith.constant 1 : i32
    %while3A_703 = scf.for %while3A_705 = %while3A_699 to %while3A_695 step %while3A_702 iter_args(%while3A_706 = %while3A_701) -> (i32)  : i32 {
      %mul3A_707 = arith.constant 128 : i32
      %mul3A_708 = arith.muli %while3A_705, %mul3A_707 : i32
      %mul3A_709 = arith.constant 128 : i32
      %mul3A_710 = arith.muli %while3A_705, %mul3A_709 : i32
      %add3A_711 = arith.addi %add3A_544, %mul3A_710 : i32
      "tpu.region"() ({
        %run_scoped3A = tpu.sem_alloc : memref<!tpu.dma_semaphore, #tpu.memory_space<semaphore_mem>>
        %dma_start3A = tpu.memref_slice %arg9[%mul3A_708] : memref<2064xf32, #tpu.memory_space<vmem>> -> memref<128xf32, #tpu.memory_space<vmem>>
        %dma_start3A_718 = tpu.memref_slice %arg4[%add3A_711] : memref<16384xf32, #tpu.memory_space<hbm>> -> memref<128xf32, #tpu.memory_space<hbm>>
        %dma_start3A_719 = tpu.memref_slice %arg4[%add3A_711] : memref<16384xf32, #tpu.memory_space<hbm>> -> memref<128xf32, #tpu.memory_space<hbm>>
        %dma_start3A_720 = tpu.memref_slice %arg9[%mul3A_708] : memref<2064xf32, #tpu.memory_space<vmem>> -> memref<128xf32, #tpu.memory_space<vmem>>
        tpu.enqueue_dma source(%dma_start3A_720 : memref<128xf32, #tpu.memory_space<vmem>>) target(%dma_start3A_719 : memref<128xf32, #tpu.memory_space<hbm>>) target_semaphore(%run_scoped3A : memref<!tpu.dma_semaphore, #tpu.memory_space<semaphore_mem>>)
        %dma_wait3A = tpu.memref_slice %arg9[%mul3A_708] : memref<2064xf32, #tpu.memory_space<vmem>> -> memref<128xf32, #tpu.memory_space<vmem>>
        %dma_wait3A_721 = tpu.memref_slice %arg4[%add3A_711] : memref<16384xf32, #tpu.memory_space<hbm>> -> memref<128xf32, #tpu.memory_space<hbm>>
        %dma_wait3A_722 = tpu.memref_slice %arg4[%add3A_711] : memref<16384xf32, #tpu.memory_space<hbm>> -> memref<128xf32, #tpu.memory_space<hbm>>
        %dma_wait3A_723 = tpu.memref_slice %arg9[%mul3A_708] : memref<2064xf32, #tpu.memory_space<vmem>> -> memref<128xf32, #tpu.memory_space<vmem>>
        tpu.wait_dma2 semaphore(%run_scoped3A : memref<!tpu.dma_semaphore, #tpu.memory_space<semaphore_mem>>) src(%dma_wait3A_723 : memref<128xf32, #tpu.memory_space<vmem>>) dst(%dma_wait3A_722 : memref<128xf32, #tpu.memory_space<hbm>>)
        tpu.yield
      }) : () -> ()
      %mul3A_712 = arith.constant 128 : i32
      %mul3A_713 = arith.muli %while3A_705, %mul3A_712 : i32
      %mul3A_714 = arith.constant 128 : i32
      %mul3A_715 = arith.muli %while3A_705, %mul3A_714 : i32
      %add3A_716 = arith.addi %add3A_544, %mul3A_715 : i32
      "tpu.region"() ({
        %run_scoped3A = tpu.sem_alloc : memref<!tpu.dma_semaphore, #tpu.memory_space<semaphore_mem>>
        %dma_start3A = tpu.memref_slice %arg10[%mul3A_713] : memref<2064xi32, #tpu.memory_space<vmem>> -> memref<128xi32, #tpu.memory_space<vmem>>
        %dma_start3A_718 = tpu.memref_slice %arg5[%add3A_716] : memref<16384xi32, #tpu.memory_space<hbm>> -> memref<128xi32, #tpu.memory_space<hbm>>
        %dma_start3A_719 = tpu.memref_slice %arg5[%add3A_716] : memref<16384xi32, #tpu.memory_space<hbm>> -> memref<128xi32, #tpu.memory_space<hbm>>
        %dma_start3A_720 = tpu.memref_slice %arg10[%mul3A_713] : memref<2064xi32, #tpu.memory_space<vmem>> -> memref<128xi32, #tpu.memory_space<vmem>>
        tpu.enqueue_dma source(%dma_start3A_720 : memref<128xi32, #tpu.memory_space<vmem>>) target(%dma_start3A_719 : memref<128xi32, #tpu.memory_space<hbm>>) target_semaphore(%run_scoped3A : memref<!tpu.dma_semaphore, #tpu.memory_space<semaphore_mem>>)
        %dma_wait3A = tpu.memref_slice %arg10[%mul3A_713] : memref<2064xi32, #tpu.memory_space<vmem>> -> memref<128xi32, #tpu.memory_space<vmem>>
        %dma_wait3A_721 = tpu.memref_slice %arg5[%add3A_716] : memref<16384xi32, #tpu.memory_space<hbm>> -> memref<128xi32, #tpu.memory_space<hbm>>
        %dma_wait3A_722 = tpu.memref_slice %arg5[%add3A_716] : memref<16384xi32, #tpu.memory_space<hbm>> -> memref<128xi32, #tpu.memory_space<hbm>>
        %dma_wait3A_723 = tpu.memref_slice %arg10[%mul3A_713] : memref<2064xi32, #tpu.memory_space<vmem>> -> memref<128xi32, #tpu.memory_space<vmem>>
        tpu.wait_dma2 semaphore(%run_scoped3A : memref<!tpu.dma_semaphore, #tpu.memory_space<semaphore_mem>>) src(%dma_wait3A_723 : memref<128xi32, #tpu.memory_space<vmem>>) dst(%dma_wait3A_722 : memref<128xi32, #tpu.memory_space<hbm>>)
        tpu.yield
      }) : () -> ()
      %while3A_717 = arith.constant 0 : i32
      scf.yield %while3A_717 : i32
    }
    %barrier3A_704 = arith.constant 0 : index
    tpu.barrier barrier_id(%barrier3A_704)
    return
  }
}

module attributes {stable_mosaic.version = 14 : i64} {
  func.func @_decode_body(%arg0: i32, %arg1: memref<1x85x10752xf32, #tpu.memory_space<vmem>>, %arg2: memref<1x1x10752xf32, #tpu.memory_space<vmem>>, %arg3: memref<1x1x10752xf32, #tpu.memory_space<vmem>>, %arg4: memref<1x1x10752xf32, #tpu.memory_space<vmem>>, %arg5: memref<1x1x10752xf32, #tpu.memory_space<vmem>>, %arg6: memref<1x1x10752xf32, #tpu.memory_space<vmem>>, %arg7: memref<1x1x10752xf32, #tpu.memory_space<vmem>>, %arg8: memref<1x4x10752xf32, #tpu.memory_space<vmem>>, %arg9: memref<1x80x10752xf32, #tpu.memory_space<vmem>>, %arg10: memref<1x1x128xf32, #tpu.memory_space<vmem>>) attributes {dimension_semantics = [#tpu.dimension_semantics<arbitrary>], iteration_bounds = array<i64: 4>, scalar_prefetch = 0 : i64, scratch_operands = 0 : i64, tpu.core_type = #tpu.core_type<tc>, window_params = [{transform_indices = @transform_0, window_bounds = array<i64: 1, 85, 10752>}, {transform_indices = @transform_1, window_bounds = array<i64: 1, 1, 10752>}, {transform_indices = @transform_2, window_bounds = array<i64: 1, 1, 10752>}, {transform_indices = @transform_3, window_bounds = array<i64: 1, 1, 10752>}, {transform_indices = @transform_4, window_bounds = array<i64: 1, 1, 10752>}, {pipeline_mode = #tpu.pipeline_mode<synchronous>, transform_indices = @transform_5, window_bounds = array<i64: 1, 1, 10752>}, {pipeline_mode = #tpu.pipeline_mode<synchronous>, transform_indices = @transform_6, window_bounds = array<i64: 1, 1, 10752>}, {transform_indices = @transform_7, window_bounds = array<i64: 1, 4, 10752>}, {transform_indices = @transform_8, window_bounds = array<i64: 1, 80, 10752>}, {transform_indices = @transform_9, window_bounds = array<i64: 1, 1, 128>}]} {
    %get3A = arith.constant 0 : index
    %get3A_0 = arith.constant 0 : index
    %get3A_1 = arith.constant 0 : index
    %get3A_2 = vector.load %arg1[%get3A, %get3A_0, %get3A_1] : memref<1x85x10752xf32, #tpu.memory_space<vmem>>, vector<1x85x10752xf32>
    %get3A_3 = vector.shape_cast %get3A_2 : vector<1x85x10752xf32> to vector<85x10752xf32>
    %get3A_4 = arith.constant 0 : index
    %get3A_5 = arith.constant 0 : index
    %get3A_6 = arith.constant 0 : index
    %get3A_7 = vector.load %arg6[%get3A_4, %get3A_5, %get3A_6] : memref<1x1x10752xf32, #tpu.memory_space<vmem>>, vector<1x1x10752xf32>
    %get3A_8 = vector.shape_cast %get3A_7 : vector<1x1x10752xf32> to vector<1x10752xf32>
    %slice3A = vector.extract_strided_slice %get3A_3 {offsets = [0, 0], sizes = [1, 10752], strides = [1, 1]} : vector<85x10752xf32> to vector<1x10752xf32>
    %logistic3A = arith.negf %slice3A : vector<1x10752xf32>
    %logistic3A_9 = math.exp %logistic3A : vector<1x10752xf32>
    %logistic3A_10 = arith.constant 1.000000e+00 : f32
    %logistic3A_11 = vector.broadcast %logistic3A_10 : f32 to vector<1x10752xf32>
    %logistic3A_12 = arith.addf %logistic3A_11, %logistic3A_9 : vector<1x10752xf32>
    %logistic3A_13 = arith.divf %logistic3A_11, %logistic3A_12 : vector<1x10752xf32>
    %slice3A_14 = vector.extract_strided_slice %get3A_3 {offsets = [1, 0], sizes = [1, 10752], strides = [1, 1]} : vector<85x10752xf32> to vector<1x10752xf32>
    %logistic3A_15 = arith.negf %slice3A_14 : vector<1x10752xf32>
    %logistic3A_16 = math.exp %logistic3A_15 : vector<1x10752xf32>
    %logistic3A_17 = arith.constant 1.000000e+00 : f32
    %logistic3A_18 = vector.broadcast %logistic3A_17 : f32 to vector<1x10752xf32>
    %logistic3A_19 = arith.addf %logistic3A_18, %logistic3A_16 : vector<1x10752xf32>
    %logistic3A_20 = arith.divf %logistic3A_18, %logistic3A_19 : vector<1x10752xf32>
    %slice3A_21 = vector.extract_strided_slice %get3A_3 {offsets = [2, 0], sizes = [1, 10752], strides = [1, 1]} : vector<85x10752xf32> to vector<1x10752xf32>
    %slice3A_22 = vector.extract_strided_slice %get3A_3 {offsets = [3, 0], sizes = [1, 10752], strides = [1, 1]} : vector<85x10752xf32> to vector<1x10752xf32>
    %slice3A_23 = vector.extract_strided_slice %get3A_3 {offsets = [4, 0], sizes = [1, 10752], strides = [1, 1]} : vector<85x10752xf32> to vector<1x10752xf32>
    %logistic3A_24 = arith.negf %slice3A_23 : vector<1x10752xf32>
    %logistic3A_25 = math.exp %logistic3A_24 : vector<1x10752xf32>
    %logistic3A_26 = arith.constant 1.000000e+00 : f32
    %logistic3A_27 = vector.broadcast %logistic3A_26 : f32 to vector<1x10752xf32>
    %logistic3A_28 = arith.addf %logistic3A_27, %logistic3A_25 : vector<1x10752xf32>
    %logistic3A_29 = arith.divf %logistic3A_27, %logistic3A_28 : vector<1x10752xf32>
    %slice3A_30 = vector.extract_strided_slice %get3A_3 {offsets = [5, 0], sizes = [80, 10752], strides = [1, 1]} : vector<85x10752xf32> to vector<80x10752xf32>
    %logistic3A_31 = arith.negf %slice3A_30 : vector<80x10752xf32>
    %logistic3A_32 = math.exp %logistic3A_31 : vector<80x10752xf32>
    %logistic3A_33 = arith.constant 1.000000e+00 : f32
    %logistic3A_34 = vector.broadcast %logistic3A_33 : f32 to vector<80x10752xf32>
    %logistic3A_35 = arith.addf %logistic3A_34, %logistic3A_32 : vector<80x10752xf32>
    %logistic3A_36 = arith.divf %logistic3A_34, %logistic3A_35 : vector<80x10752xf32>
    %get3A_37 = arith.constant 0 : index
    %get3A_38 = arith.constant 0 : index
    %get3A_39 = arith.constant 0 : index
    %get3A_40 = vector.load %arg4[%get3A_37, %get3A_38, %get3A_39] : memref<1x1x10752xf32, #tpu.memory_space<vmem>>, vector<1x1x10752xf32>
    %get3A_41 = vector.shape_cast %get3A_40 : vector<1x1x10752xf32> to vector<1x10752xf32>
    %add3A = arith.addf %logistic3A_13, %get3A_41 : vector<1x10752xf32>
    %mul3A = arith.mulf %add3A, %get3A_8 : vector<1x10752xf32>
    %get3A_42 = arith.constant 0 : index
    %get3A_43 = arith.constant 0 : index
    %get3A_44 = arith.constant 0 : index
    %get3A_45 = vector.load %arg5[%get3A_42, %get3A_43, %get3A_44] : memref<1x1x10752xf32, #tpu.memory_space<vmem>>, vector<1x1x10752xf32>
    %get3A_46 = vector.shape_cast %get3A_45 : vector<1x1x10752xf32> to vector<1x10752xf32>
    %add3A_47 = arith.addf %logistic3A_20, %get3A_46 : vector<1x10752xf32>
    %mul3A_48 = arith.mulf %add3A_47, %get3A_8 : vector<1x10752xf32>
    %exp3A = math.exp %slice3A_21 : vector<1x10752xf32>
    %get3A_49 = arith.constant 0 : index
    %get3A_50 = arith.constant 0 : index
    %get3A_51 = arith.constant 0 : index
    %get3A_52 = vector.load %arg2[%get3A_49, %get3A_50, %get3A_51] : memref<1x1x10752xf32, #tpu.memory_space<vmem>>, vector<1x1x10752xf32>
    %get3A_53 = vector.shape_cast %get3A_52 : vector<1x1x10752xf32> to vector<1x10752xf32>
    %mul3A_54 = arith.mulf %exp3A, %get3A_53 : vector<1x10752xf32>
    %mul3A_55 = arith.mulf %mul3A_54, %get3A_8 : vector<1x10752xf32>
    %exp3A_56 = math.exp %slice3A_22 : vector<1x10752xf32>
    %get3A_57 = arith.constant 0 : index
    %get3A_58 = arith.constant 0 : index
    %get3A_59 = arith.constant 0 : index
    %get3A_60 = vector.load %arg3[%get3A_57, %get3A_58, %get3A_59] : memref<1x1x10752xf32, #tpu.memory_space<vmem>>, vector<1x1x10752xf32>
    %get3A_61 = vector.shape_cast %get3A_60 : vector<1x1x10752xf32> to vector<1x10752xf32>
    %mul3A_62 = arith.mulf %exp3A_56, %get3A_61 : vector<1x10752xf32>
    %mul3A_63 = arith.mulf %mul3A_62, %get3A_8 : vector<1x10752xf32>
    %mul3A_64 = arith.constant 5.000000e-01 : f32
    %mul3A_65 = vector.broadcast %mul3A_64 : f32 to vector<1x10752xf32>
    %mul3A_66 = arith.mulf %mul3A_55, %mul3A_65 : vector<1x10752xf32>
    %sub3A = arith.subf %mul3A, %mul3A_66 : vector<1x10752xf32>
    %mul3A_67 = arith.constant 5.000000e-01 : f32
    %mul3A_68 = vector.broadcast %mul3A_67 : f32 to vector<1x10752xf32>
    %mul3A_69 = arith.mulf %mul3A_63, %mul3A_68 : vector<1x10752xf32>
    %sub3A_70 = arith.subf %mul3A_48, %mul3A_69 : vector<1x10752xf32>
    %mul3A_71 = arith.constant 5.000000e-01 : f32
    %mul3A_72 = vector.broadcast %mul3A_71 : f32 to vector<1x10752xf32>
    %mul3A_73 = arith.mulf %mul3A_55, %mul3A_72 : vector<1x10752xf32>
    %add3A_74 = arith.addf %mul3A, %mul3A_73 : vector<1x10752xf32>
    %mul3A_75 = arith.constant 5.000000e-01 : f32
    %mul3A_76 = vector.broadcast %mul3A_75 : f32 to vector<1x10752xf32>
    %mul3A_77 = arith.mulf %mul3A_63, %mul3A_76 : vector<1x10752xf32>
    %add3A_78 = arith.addf %mul3A_48, %mul3A_77 : vector<1x10752xf32>
    %concatenate3A = tpu.concatenate %sub3A, %sub3A_70, %add3A_74, %add3A_78 in 0 : vector<1x10752xf32>, vector<1x10752xf32>, vector<1x10752xf32>, vector<1x10752xf32> -> vector<4x10752xf32>
    %swap3A = arith.constant 0 : index
    %swap3A_79 = arith.constant 0 : index
    %swap3A_80 = arith.constant 0 : index
    %swap3A_81 = vector.load %arg8[%swap3A, %swap3A_79, %swap3A_80] : memref<1x4x10752xf32, #tpu.memory_space<vmem>>, vector<1x4x10752xf32>
    %swap3A_82 = vector.shape_cast %swap3A_81 : vector<1x4x10752xf32> to vector<4x10752xf32>
    %swap3A_83 = vector.shape_cast %concatenate3A : vector<4x10752xf32> to vector<1x4x10752xf32>
    tpu.vector_store %arg8[%swap3A, %swap3A_79, %swap3A_80], %swap3A_83 {strides = array<i32>} : memref<1x4x10752xf32, #tpu.memory_space<vmem>>, vector<1x4x10752xf32>,
    %mul3A_84 = vector.broadcast %logistic3A_29 : vector<1x10752xf32> to vector<80x10752xf32>
    %mul3A_85 = arith.mulf %mul3A_84, %logistic3A_36 : vector<80x10752xf32>
    %gt3A = arith.constant 0.00999999977 : f32
    %gt3A_86 = vector.broadcast %gt3A : f32 to vector<80x10752xf32>
    %gt3A_87 = arith.cmpf ogt, %mul3A_85, %gt3A_86 : vector<80x10752xf32>
    %jit3A = arith.constant 0.000000e+00 : f32
    %broadcast_in_dim3A = vector.broadcast %jit3A : f32 to vector<80x10752xf32>
    %select_n3A = arith.select %gt3A_87, %mul3A_85, %broadcast_in_dim3A : vector<80x10752xi1>, vector<80x10752xf32>
    %get3A_88 = arith.constant 0 : index
    %get3A_89 = arith.constant 0 : index
    %get3A_90 = arith.constant 0 : index
    %get3A_91 = vector.load %arg7[%get3A_88, %get3A_89, %get3A_90] : memref<1x1x10752xf32, #tpu.memory_space<vmem>>, vector<1x1x10752xf32>
    %get3A_92 = vector.shape_cast %get3A_91 : vector<1x1x10752xf32> to vector<1x10752xf32>
    %mul3A_93 = vector.broadcast %get3A_92 : vector<1x10752xf32> to vector<80x10752xf32>
    %mul3A_94 = arith.mulf %select_n3A, %mul3A_93 : vector<80x10752xf32>
    %swap3A_95 = arith.constant 0 : index
    %swap3A_96 = arith.constant 0 : index
    %swap3A_97 = arith.constant 0 : index
    %swap3A_98 = vector.load %arg9[%swap3A_95, %swap3A_96, %swap3A_97] : memref<1x80x10752xf32, #tpu.memory_space<vmem>>, vector<1x80x10752xf32>
    %swap3A_99 = vector.shape_cast %swap3A_98 : vector<1x80x10752xf32> to vector<80x10752xf32>
    %swap3A_100 = vector.shape_cast %mul3A_94 : vector<80x10752xf32> to vector<1x80x10752xf32>
    tpu.vector_store %arg9[%swap3A_95, %swap3A_96, %swap3A_97], %swap3A_100 {strides = array<i32>} : memref<1x80x10752xf32, #tpu.memory_space<vmem>>, vector<1x80x10752xf32>,
    %scan3A = arith.constant 0.00999999977 : f32
    %scan3A_101 = arith.constant 1.000000e+00 : f32
    %scan3A_102 = arith.constant 0 : i32
    %scan3A_103 = arith.constant 14 : i32
    %scan3A_104 = arith.addi %scan3A_102, %scan3A_103 : i32
    %scan3A_105 = arith.constant 1 : i32
    %scan3A_106:2 = scf.for %scan3A_114 = %scan3A_102 to %scan3A_104 step %scan3A_105 iter_args(%scan3A_115 = %scan3A, %scan3A_116 = %scan3A_101) -> (f32, f32)  : i32 {
      %add3A_117 = arith.addf %scan3A_115, %scan3A_116 : f32
      %mul3A_118 = arith.constant 5.000000e-01 : f32
      %mul3A_119 = arith.mulf %add3A_117, %mul3A_118 : f32
      %gt3A_120 = vector.broadcast %mul3A_119 : f32 to vector<80x10752xf32>
      %gt3A_121 = arith.cmpf ogt, %mul3A_94, %gt3A_120 : vector<80x10752xf32>
      %jit3A_122 = arith.constant 1.000000e+00 : f32
      %jit3A_123 = arith.constant 0.000000e+00 : f32
      %broadcast_in_dim3A_124 = vector.broadcast %jit3A_122 : f32 to vector<80x10752xf32>
      %broadcast_in_dim3A_125 = vector.broadcast %jit3A_123 : f32 to vector<80x10752xf32>
      %select_n3A_126 = arith.select %gt3A_121, %broadcast_in_dim3A_124, %broadcast_in_dim3A_125 : vector<80x10752xi1>, vector<80x10752xf32>
      %reduce_sum3A = vector.shape_cast %select_n3A_126 : vector<80x10752xf32> to vector<1x80x10752xf32>
      %reduce_sum3A_127 = arith.constant dense<0.000000e+00> : vector<1xf32>
      %reduce_sum3A_128 = vector.multi_reduction <add>, %reduce_sum3A, %reduce_sum3A_127 [1, 2] : vector<1x80x10752xf32> to vector<1xf32>
      %reduce_sum3A_129 = vector.shape_cast %reduce_sum3A_128 : vector<1xf32> to vector<1x1x1xf32>
      %reduce_sum3A_130 = vector.extract %reduce_sum3A_129[0, 0, 0] : f32 from vector<1x1x1xf32>
      %ge3A = arith.constant 1.000000e+03 : f32
      %ge3A_131 = arith.cmpf oge, %reduce_sum3A_130, %ge3A : f32
      %select_n3A_132 = arith.select %ge3A_131, %mul3A_119, %scan3A_115 : f32
      %select_n3A_133 = arith.select %ge3A_131, %scan3A_116, %mul3A_119 : f32
      scf.yield %select_n3A_132, %select_n3A_133 : f32, f32
    }
    %broadcast_in_dim3A_107 = vector.broadcast %scan3A_106#0 : f32 to vector<1x128xf32>
    %swap3A_108 = arith.constant 0 : index
    %swap3A_109 = arith.constant 0 : index
    %swap3A_110 = arith.constant 0 : index
    %swap3A_111 = vector.load %arg10[%swap3A_108, %swap3A_109, %swap3A_110] : memref<1x1x128xf32, #tpu.memory_space<vmem>>, vector<1x1x128xf32>
    %swap3A_112 = vector.shape_cast %swap3A_111 : vector<1x1x128xf32> to vector<1x128xf32>
    %swap3A_113 = vector.shape_cast %broadcast_in_dim3A_107 : vector<1x128xf32> to vector<1x1x128xf32>
    tpu.vector_store %arg10[%swap3A_108, %swap3A_109, %swap3A_110], %swap3A_113 {strides = array<i32>} : memref<1x1x128xf32, #tpu.memory_space<vmem>>, vector<1x1x128xf32>,
    return
  }
  func.func @transform_0(%arg0: i32) -> (i32, i32, i32) {
    %c0_i32 = arith.constant 0 : i32
    %c0_i32_0 = arith.constant 0 : i32
    %c0_i32_1 = arith.constant 0 : i32
    return %arg0, %c0_i32, %c0_i32_0 : i32, i32, i32
  }
  func.func @transform_1(%arg0: i32) -> (i32, i32, i32) {
    %c0_i32 = arith.constant 0 : i32
    %c0_i32_0 = arith.constant 0 : i32
    %c0_i32_1 = arith.constant 0 : i32
    return %arg0, %c0_i32, %c0_i32_0 : i32, i32, i32
  }
  func.func @transform_2(%arg0: i32) -> (i32, i32, i32) {
    %c0_i32 = arith.constant 0 : i32
    %c0_i32_0 = arith.constant 0 : i32
    %c0_i32_1 = arith.constant 0 : i32
    return %arg0, %c0_i32, %c0_i32_0 : i32, i32, i32
  }
  func.func @transform_3(%arg0: i32) -> (i32, i32, i32) {
    %c0_i32 = arith.constant 0 : i32
    %c0_i32_0 = arith.constant 0 : i32
    %c0_i32_1 = arith.constant 0 : i32
    return %arg0, %c0_i32, %c0_i32_0 : i32, i32, i32
  }
  func.func @transform_4(%arg0: i32) -> (i32, i32, i32) {
    %c0_i32 = arith.constant 0 : i32
    %c0_i32_0 = arith.constant 0 : i32
    %c0_i32_1 = arith.constant 0 : i32
    return %arg0, %c0_i32, %c0_i32_0 : i32, i32, i32
  }
  func.func @transform_5(%arg0: i32) -> (i32, i32, i32) {
    %c0_i32 = arith.constant 0 : i32
    %c0_i32_0 = arith.constant 0 : i32
    %c0_i32_1 = arith.constant 0 : i32
    %c0_i32_2 = arith.constant 0 : i32
    return %c0_i32, %c0_i32_0, %c0_i32_1 : i32, i32, i32
  }
  func.func @transform_6(%arg0: i32) -> (i32, i32, i32) {
    %c0_i32 = arith.constant 0 : i32
    %c0_i32_0 = arith.constant 0 : i32
    %c0_i32_1 = arith.constant 0 : i32
    %c0_i32_2 = arith.constant 0 : i32
    return %c0_i32, %c0_i32_0, %c0_i32_1 : i32, i32, i32
  }
  func.func @transform_7(%arg0: i32) -> (i32, i32, i32) {
    %c0_i32 = arith.constant 0 : i32
    %c0_i32_0 = arith.constant 0 : i32
    %c0_i32_1 = arith.constant 0 : i32
    return %arg0, %c0_i32, %c0_i32_0 : i32, i32, i32
  }
  func.func @transform_8(%arg0: i32) -> (i32, i32, i32) {
    %c0_i32 = arith.constant 0 : i32
    %c0_i32_0 = arith.constant 0 : i32
    %c0_i32_1 = arith.constant 0 : i32
    return %arg0, %c0_i32, %c0_i32_0 : i32, i32, i32
  }
  func.func @transform_9(%arg0: i32) -> (i32, i32, i32) {
    %c0_i32 = arith.constant 0 : i32
    %c0_i32_0 = arith.constant 0 : i32
    %c0_i32_1 = arith.constant 0 : i32
    return %arg0, %c0_i32, %c0_i32_0 : i32, i32, i32
  }
}

module attributes {stable_mosaic.version = 14 : i64} {
  func.func @_rank_body(%arg0: i32, %arg1: memref<1x1x2048xf32, #tpu.memory_space<vmem>>, %arg2: memref<1x2048x1xf32, #tpu.memory_space<vmem>>, %arg3: memref<1x1x2048xf32, #tpu.memory_space<vmem>>, %arg4: memref<1x2048x1xf32, #tpu.memory_space<vmem>>, %arg5: memref<1x1x8xi32, #tpu.memory_space<vmem>>, %arg6: memref<1x2x1024xf32, #tpu.memory_space<vmem>>) attributes {dimension_semantics = [#tpu.dimension_semantics<arbitrary>], iteration_bounds = array<i64: 4>, scalar_prefetch = 0 : i64, scratch_operands = 0 : i64, tpu.core_type = #tpu.core_type<tc>, window_params = [{transform_indices = @transform_0, window_bounds = array<i64: 1, 1, 2048>}, {transform_indices = @transform_1, window_bounds = array<i64: 1, 2048, 1>}, {transform_indices = @transform_2, window_bounds = array<i64: 1, 1, 2048>}, {transform_indices = @transform_3, window_bounds = array<i64: 1, 2048, 1>}, {transform_indices = @transform_4, window_bounds = array<i64: 1, 1, 8>}, {transform_indices = @transform_5, window_bounds = array<i64: 1, 2, 1024>}]} {
    %get3A = arith.constant 0 : index
    %get3A_0 = arith.constant 0 : index
    %get3A_1 = arith.constant 0 : index
    %get3A_2 = vector.load %arg5[%get3A, %get3A_0, %get3A_1] : memref<1x1x8xi32, #tpu.memory_space<vmem>>, vector<1x1x8xi32>
    %get3A_3 = vector.shape_cast %get3A_2 : vector<1x1x8xi32> to vector<1x8xi32>
    %reduce_sum3A = vector.shape_cast %get3A_3 : vector<1x8xi32> to vector<1x1x8xi32>
    %reduce_sum3A_4 = arith.constant dense<0> : vector<1xi32>
    %reduce_sum3A_5 = vector.multi_reduction <add>, %reduce_sum3A, %reduce_sum3A_4 [1, 2] : vector<1x1x8xi32> to vector<1xi32>
    %reduce_sum3A_6 = vector.shape_cast %reduce_sum3A_5 : vector<1xi32> to vector<1x1x1xi32>
    %reduce_sum3A_7 = vector.extract %reduce_sum3A_6[0, 0, 0] : i32 from vector<1x1x1xi32>
    %iota3A = tpu.iota {dimensions = array<i32: 1>} : vector<1x2048xi32>
    %iota3A_8 = tpu.iota {dimensions = array<i32: 0>} : vector<2048x1xi32>
    %lt3A = vector.broadcast %reduce_sum3A_7 : i32 to vector<1x2048xi32>
    %lt3A_9 = arith.cmpi slt, %iota3A, %lt3A : vector<1x2048xi32>
    %lt3A_10 = vector.broadcast %reduce_sum3A_7 : i32 to vector<2048x1xi32>
    %lt3A_11 = arith.cmpi slt, %iota3A_8, %lt3A_10 : vector<2048x1xi32>
    %get3A_12 = arith.constant 0 : index
    %get3A_13 = arith.constant 0 : index
    %get3A_14 = arith.constant 0 : index
    %get3A_15 = vector.load %arg1[%get3A_12, %get3A_13, %get3A_14] : memref<1x1x2048xf32, #tpu.memory_space<vmem>>, vector<1x1x2048xf32>
    %get3A_16 = vector.shape_cast %get3A_15 : vector<1x1x2048xf32> to vector<1x2048xf32>
    %jit3A = arith.constant 0.000000e+00 : f32
    %broadcast_in_dim3A = vector.broadcast %jit3A : f32 to vector<1x2048xf32>
    %select_n3A = arith.select %lt3A_9, %get3A_16, %broadcast_in_dim3A : vector<1x2048xi1>, vector<1x2048xf32>
    %get3A_17 = arith.constant 0 : index
    %get3A_18 = arith.constant 0 : index
    %get3A_19 = arith.constant 0 : index
    %get3A_20 = vector.load %arg2[%get3A_17, %get3A_18, %get3A_19] : memref<1x2048x1xf32, #tpu.memory_space<vmem>>, vector<1x2048x1xf32>
    %get3A_21 = vector.shape_cast %get3A_20 : vector<1x2048x1xf32> to vector<2048x1xf32>
    %jit3A_22 = arith.constant 0.000000e+00 : f32
    %broadcast_in_dim3A_23 = vector.broadcast %jit3A_22 : f32 to vector<2048x1xf32>
    %select_n3A_24 = arith.select %lt3A_11, %get3A_21, %broadcast_in_dim3A_23 : vector<2048x1xi1>, vector<2048x1xf32>
    %get3A_25 = arith.constant 0 : index
    %get3A_26 = arith.constant 0 : index
    %get3A_27 = arith.constant 0 : index
    %get3A_28 = vector.load %arg3[%get3A_25, %get3A_26, %get3A_27] : memref<1x1x2048xf32, #tpu.memory_space<vmem>>, vector<1x1x2048xf32>
    %get3A_29 = vector.shape_cast %get3A_28 : vector<1x1x2048xf32> to vector<1x2048xf32>
    %convert_element_type3A = arith.sitofp %iota3A : vector<1x2048xi32> to vector<1x2048xf32>
    %select_n3A_30 = arith.select %lt3A_9, %get3A_29, %convert_element_type3A : vector<1x2048xi1>, vector<1x2048xf32>
    %get3A_31 = arith.constant 0 : index
    %get3A_32 = arith.constant 0 : index
    %get3A_33 = arith.constant 0 : index
    %get3A_34 = vector.load %arg4[%get3A_31, %get3A_32, %get3A_33] : memref<1x2048x1xf32, #tpu.memory_space<vmem>>, vector<1x2048x1xf32>
    %get3A_35 = vector.shape_cast %get3A_34 : vector<1x2048x1xf32> to vector<2048x1xf32>
    %convert_element_type3A_36 = arith.sitofp %iota3A_8 : vector<2048x1xi32> to vector<2048x1xf32>
    %select_n3A_37 = arith.select %lt3A_11, %get3A_35, %convert_element_type3A_36 : vector<2048x1xi1>, vector<2048x1xf32>
    %gt3A = vector.broadcast %select_n3A : vector<1x2048xf32> to vector<2048x2048xf32>
    %gt3A_38 = vector.broadcast %select_n3A_24 : vector<2048x1xf32> to vector<2048x2048xf32>
    %gt3A_39 = arith.cmpf ogt, %gt3A, %gt3A_38 : vector<2048x2048xf32>
    %eq3A = vector.broadcast %select_n3A : vector<1x2048xf32> to vector<2048x2048xf32>
    %eq3A_40 = vector.broadcast %select_n3A_24 : vector<2048x1xf32> to vector<2048x2048xf32>
    %eq3A_41 = arith.cmpf oeq, %eq3A, %eq3A_40 : vector<2048x2048xf32>
    %lt3A_42 = vector.broadcast %select_n3A_30 : vector<1x2048xf32> to vector<2048x2048xf32>
    %lt3A_43 = vector.broadcast %select_n3A_37 : vector<2048x1xf32> to vector<2048x2048xf32>
    %lt3A_44 = arith.cmpf olt, %lt3A_42, %lt3A_43 : vector<2048x2048xf32>
    %and3A = arith.andi %eq3A_41, %lt3A_44 : vector<2048x2048xi1>
    %or3A = arith.ori %gt3A_39, %and3A : vector<2048x2048xi1>
    %jit3A_45 = arith.constant 1.000000e+00 : f32
    %jit3A_46 = arith.constant 0.000000e+00 : f32
    %broadcast_in_dim3A_47 = vector.broadcast %jit3A_45 : f32 to vector<2048x2048xf32>
    %broadcast_in_dim3A_48 = vector.broadcast %jit3A_46 : f32 to vector<2048x2048xf32>
    %select_n3A_49 = arith.select %or3A, %broadcast_in_dim3A_47, %broadcast_in_dim3A_48 : vector<2048x2048xi1>, vector<2048x2048xf32>
    %reduce_sum3A_50 = arith.constant dense<0.000000e+00> : vector<2048xf32>
    %reduce_sum3A_51 = vector.multi_reduction <add>, %select_n3A_49, %reduce_sum3A_50 [1] : vector<2048x2048xf32> to vector<2048xf32>
    %broadcast_in_dim3A_52 = vector.shape_cast %reduce_sum3A_51 : vector<2048xf32> to vector<2048x1xf32>
    %iota3A_53 = tpu.iota {dimensions = array<i32: 1>} : vector<2048x1024xi32>
    %convert_element_type3A_54 = arith.sitofp %iota3A_53 : vector<2048x1024xi32> to vector<2048x1024xf32>
    %eq3A_55 = vector.broadcast %broadcast_in_dim3A_52 : vector<2048x1xf32> to vector<2048x1024xf32>
    %eq3A_56 = arith.cmpf oeq, %eq3A_55, %convert_element_type3A_54 : vector<2048x1024xf32>
    %jit3A_57 = arith.constant 1.000000e+00 : f32
    %jit3A_58 = arith.constant 0.000000e+00 : f32
    %broadcast_in_dim3A_59 = vector.broadcast %jit3A_57 : f32 to vector<2048x1024xf32>
    %broadcast_in_dim3A_60 = vector.broadcast %jit3A_58 : f32 to vector<2048x1024xf32>
    %select_n3A_61 = arith.select %eq3A_56, %broadcast_in_dim3A_59, %broadcast_in_dim3A_60 : vector<2048x1024xi1>, vector<2048x1024xf32>
    %dot_general3A = arith.constant dense<0.000000e+00> : vector<1x1024xf32>
    %dot_general3A_62 = tpu.matmul %select_n3A, %select_n3A_61, %dot_general3A {dimension_numbers = #tpu.dot_dimension_numbers<[1], [0], [0], [1], [0, 0, 1, 1], [], []>, transpose_lhs_hint = false} : vector<1x2048xf32>, vector<2048x1024xf32>, vector<1x1024xf32> -> vector<1x1024xf32>
    %dot_general3A_63 = arith.constant dense<0.000000e+00> : vector<1x1024xf32>
    %dot_general3A_64 = tpu.matmul %select_n3A_30, %select_n3A_61, %dot_general3A_63 {dimension_numbers = #tpu.dot_dimension_numbers<[1], [0], [0], [1], [0, 0, 1, 1], [], []>, transpose_lhs_hint = false} : vector<1x2048xf32>, vector<2048x1024xf32>, vector<1x1024xf32> -> vector<1x1024xf32>
    %concatenate3A = tpu.concatenate %dot_general3A_62, %dot_general3A_64 in 0 : vector<1x1024xf32>, vector<1x1024xf32> -> vector<2x1024xf32>
    %swap3A = arith.constant 0 : index
    %swap3A_65 = arith.constant 0 : index
    %swap3A_66 = arith.constant 0 : index
    %swap3A_67 = vector.load %arg6[%swap3A, %swap3A_65, %swap3A_66] : memref<1x2x1024xf32, #tpu.memory_space<vmem>>, vector<1x2x1024xf32>
    %swap3A_68 = vector.shape_cast %swap3A_67 : vector<1x2x1024xf32> to vector<2x1024xf32>
    %swap3A_69 = vector.shape_cast %concatenate3A : vector<2x1024xf32> to vector<1x2x1024xf32>
    tpu.vector_store %arg6[%swap3A, %swap3A_65, %swap3A_66], %swap3A_69 {strides = array<i32>} : memref<1x2x1024xf32, #tpu.memory_space<vmem>>, vector<1x2x1024xf32>,
    return
  }
  func.func @transform_0(%arg0: i32) -> (i32, i32, i32) {
    %c0_i32 = arith.constant 0 : i32
    %c0_i32_0 = arith.constant 0 : i32
    %c0_i32_1 = arith.constant 0 : i32
    return %arg0, %c0_i32, %c0_i32_0 : i32, i32, i32
  }
  func.func @transform_1(%arg0: i32) -> (i32, i32, i32) {
    %c0_i32 = arith.constant 0 : i32
    %c0_i32_0 = arith.constant 0 : i32
    %c0_i32_1 = arith.constant 0 : i32
    return %arg0, %c0_i32, %c0_i32_0 : i32, i32, i32
  }
  func.func @transform_2(%arg0: i32) -> (i32, i32, i32) {
    %c0_i32 = arith.constant 0 : i32
    %c0_i32_0 = arith.constant 0 : i32
    %c0_i32_1 = arith.constant 0 : i32
    return %arg0, %c0_i32, %c0_i32_0 : i32, i32, i32
  }
  func.func @transform_3(%arg0: i32) -> (i32, i32, i32) {
    %c0_i32 = arith.constant 0 : i32
    %c0_i32_0 = arith.constant 0 : i32
    %c0_i32_1 = arith.constant 0 : i32
    return %arg0, %c0_i32, %c0_i32_0 : i32, i32, i32
  }
  func.func @transform_4(%arg0: i32) -> (i32, i32, i32) {
    %c0_i32 = arith.constant 0 : i32
    %c0_i32_0 = arith.constant 0 : i32
    %c0_i32_1 = arith.constant 0 : i32
    return %arg0, %c0_i32, %c0_i32_0 : i32, i32, i32
  }
  func.func @transform_5(%arg0: i32) -> (i32, i32, i32) {
    %c0_i32 = arith.constant 0 : i32
    %c0_i32_0 = arith.constant 0 : i32
    %c0_i32_1 = arith.constant 0 : i32
    return %arg0, %c0_i32, %c0_i32_0 : i32, i32, i32
  }
}

module attributes {stable_mosaic.version = 14 : i64} {
  func.func @_nms_body(%arg0: i32, %arg1: memref<1x1024x4xf32, #tpu.memory_space<vmem>>, %arg2: memref<1x4x1024xf32, #tpu.memory_space<vmem>>, %arg3: memref<1x1x1024xf32, #tpu.memory_space<vmem>>, %arg4: memref<1x1024x1xf32, #tpu.memory_space<vmem>>, %arg5: memref<1x1x1024xf32, #tpu.memory_space<vmem>>, %arg6: memref<1x1024x1xf32, #tpu.memory_space<vmem>>, %arg7: memref<1x8x256xf32, #tpu.memory_space<vmem>>) attributes {dimension_semantics = [#tpu.dimension_semantics<arbitrary>], iteration_bounds = array<i64: 4>, scalar_prefetch = 0 : i64, scratch_operands = 0 : i64, tpu.core_type = #tpu.core_type<tc>, window_params = [{transform_indices = @transform_0, window_bounds = array<i64: 1, 1024, 4>}, {transform_indices = @transform_1, window_bounds = array<i64: 1, 4, 1024>}, {transform_indices = @transform_2, window_bounds = array<i64: 1, 1, 1024>}, {transform_indices = @transform_3, window_bounds = array<i64: 1, 1024, 1>}, {transform_indices = @transform_4, window_bounds = array<i64: 1, 1, 1024>}, {transform_indices = @transform_5, window_bounds = array<i64: 1, 1024, 1>}, {transform_indices = @transform_6, window_bounds = array<i64: 1, 8, 256>}]} {
    %get3A = arith.constant 0 : index
    %get3A_0 = arith.constant 0 : index
    %get3A_1 = arith.constant 0 : index
    %get3A_2 = vector.load %arg1[%get3A, %get3A_0, %get3A_1] : memref<1x1024x4xf32, #tpu.memory_space<vmem>>, vector<1x1024x4xf32>
    %get3A_3 = vector.shape_cast %get3A_2 : vector<1x1024x4xf32> to vector<1024x4xf32>
    %get3A_4 = arith.constant 0 : index
    %get3A_5 = arith.constant 0 : index
    %get3A_6 = arith.constant 0 : index
    %get3A_7 = vector.load %arg2[%get3A_4, %get3A_5, %get3A_6] : memref<1x4x1024xf32, #tpu.memory_space<vmem>>, vector<1x4x1024xf32>
    %get3A_8 = vector.shape_cast %get3A_7 : vector<1x4x1024xf32> to vector<4x1024xf32>
    %get3A_9 = arith.constant 0 : index
    %get3A_10 = arith.constant 0 : index
    %get3A_11 = arith.constant 0 : index
    %get3A_12 = vector.load %arg3[%get3A_9, %get3A_10, %get3A_11] : memref<1x1x1024xf32, #tpu.memory_space<vmem>>, vector<1x1x1024xf32>
    %get3A_13 = vector.shape_cast %get3A_12 : vector<1x1x1024xf32> to vector<1x1024xf32>
    %get3A_14 = arith.constant 0 : index
    %get3A_15 = arith.constant 0 : index
    %get3A_16 = arith.constant 0 : index
    %get3A_17 = vector.load %arg4[%get3A_14, %get3A_15, %get3A_16] : memref<1x1024x1xf32, #tpu.memory_space<vmem>>, vector<1x1024x1xf32>
    %get3A_18 = vector.shape_cast %get3A_17 : vector<1x1024x1xf32> to vector<1024x1xf32>
    %get3A_19 = arith.constant 0 : index
    %get3A_20 = arith.constant 0 : index
    %get3A_21 = arith.constant 0 : index
    %get3A_22 = vector.load %arg5[%get3A_19, %get3A_20, %get3A_21] : memref<1x1x1024xf32, #tpu.memory_space<vmem>>, vector<1x1x1024xf32>
    %get3A_23 = vector.shape_cast %get3A_22 : vector<1x1x1024xf32> to vector<1x1024xf32>
    %get3A_24 = arith.constant 0 : index
    %get3A_25 = arith.constant 0 : index
    %get3A_26 = arith.constant 0 : index
    %get3A_27 = vector.load %arg6[%get3A_24, %get3A_25, %get3A_26] : memref<1x1024x1xf32, #tpu.memory_space<vmem>>, vector<1x1024x1xf32>
    %get3A_28 = vector.shape_cast %get3A_27 : vector<1x1024x1xf32> to vector<1024x1xf32>
    %mul3A = arith.constant 4.096000e+03 : f32
    %mul3A_29 = vector.broadcast %mul3A : f32 to vector<1024x1xf32>
    %mul3A_30 = arith.mulf %get3A_28, %mul3A_29 : vector<1024x1xf32>
    %mul3A_31 = arith.constant 4.096000e+03 : f32
    %mul3A_32 = vector.broadcast %mul3A_31 : f32 to vector<1x1024xf32>
    %mul3A_33 = arith.mulf %get3A_23, %mul3A_32 : vector<1x1024xf32>
    %slice3A = vector.extract_strided_slice %get3A_3 {offsets = [0, 0], sizes = [1024, 1], strides = [1, 1]} : vector<1024x4xf32> to vector<1024x1xf32>
    %add3A = arith.addf %slice3A, %mul3A_30 : vector<1024x1xf32>
    %slice3A_34 = vector.extract_strided_slice %get3A_3 {offsets = [0, 1], sizes = [1024, 1], strides = [1, 1]} : vector<1024x4xf32> to vector<1024x1xf32>
    %add3A_35 = arith.addf %slice3A_34, %mul3A_30 : vector<1024x1xf32>
    %slice3A_36 = vector.extract_strided_slice %get3A_3 {offsets = [0, 2], sizes = [1024, 1], strides = [1, 1]} : vector<1024x4xf32> to vector<1024x1xf32>
    %add3A_37 = arith.addf %slice3A_36, %mul3A_30 : vector<1024x1xf32>
    %slice3A_38 = vector.extract_strided_slice %get3A_3 {offsets = [0, 3], sizes = [1024, 1], strides = [1, 1]} : vector<1024x4xf32> to vector<1024x1xf32>
    %add3A_39 = arith.addf %slice3A_38, %mul3A_30 : vector<1024x1xf32>
    %slice3A_40 = vector.extract_strided_slice %get3A_8 {offsets = [0, 0], sizes = [1, 1024], strides = [1, 1]} : vector<4x1024xf32> to vector<1x1024xf32>
    %add3A_41 = arith.addf %slice3A_40, %mul3A_33 : vector<1x1024xf32>
    %slice3A_42 = vector.extract_strided_slice %get3A_8 {offsets = [1, 0], sizes = [1, 1024], strides = [1, 1]} : vector<4x1024xf32> to vector<1x1024xf32>
    %add3A_43 = arith.addf %slice3A_42, %mul3A_33 : vector<1x1024xf32>
    %slice3A_44 = vector.extract_strided_slice %get3A_8 {offsets = [2, 0], sizes = [1, 1024], strides = [1, 1]} : vector<4x1024xf32> to vector<1x1024xf32>
    %add3A_45 = arith.addf %slice3A_44, %mul3A_33 : vector<1x1024xf32>
    %slice3A_46 = vector.extract_strided_slice %get3A_8 {offsets = [3, 0], sizes = [1, 1024], strides = [1, 1]} : vector<4x1024xf32> to vector<1x1024xf32>
    %add3A_47 = arith.addf %slice3A_46, %mul3A_33 : vector<1x1024xf32>
    %sub3A = arith.subf %add3A_37, %add3A : vector<1024x1xf32>
    %max3A = arith.constant 0.000000e+00 : f32
    %max3A_48 = vector.broadcast %max3A : f32 to vector<1024x1xf32>
    %max3A_49 = arith.maximumf %sub3A, %max3A_48 : vector<1024x1xf32>
    %sub3A_50 = arith.subf %add3A_39, %add3A_35 : vector<1024x1xf32>
    %max3A_51 = arith.constant 0.000000e+00 : f32
    %max3A_52 = vector.broadcast %max3A_51 : f32 to vector<1024x1xf32>
    %max3A_53 = arith.maximumf %sub3A_50, %max3A_52 : vector<1024x1xf32>
    %mul3A_54 = arith.mulf %max3A_49, %max3A_53 : vector<1024x1xf32>
    %sub3A_55 = arith.subf %add3A_45, %add3A_41 : vector<1x1024xf32>
    %max3A_56 = arith.constant 0.000000e+00 : f32
    %max3A_57 = vector.broadcast %max3A_56 : f32 to vector<1x1024xf32>
    %max3A_58 = arith.maximumf %sub3A_55, %max3A_57 : vector<1x1024xf32>
    %sub3A_59 = arith.subf %add3A_47, %add3A_43 : vector<1x1024xf32>
    %max3A_60 = arith.constant 0.000000e+00 : f32
    %max3A_61 = vector.broadcast %max3A_60 : f32 to vector<1x1024xf32>
    %max3A_62 = arith.maximumf %sub3A_59, %max3A_61 : vector<1x1024xf32>
    %mul3A_63 = arith.mulf %max3A_58, %max3A_62 : vector<1x1024xf32>
    %max3A_64 = vector.broadcast %add3A : vector<1024x1xf32> to vector<1024x1024xf32>
    %max3A_65 = vector.broadcast %add3A_41 : vector<1x1024xf32> to vector<1024x1024xf32>
    %max3A_66 = arith.maximumf %max3A_64, %max3A_65 : vector<1024x1024xf32>
    %max3A_67 = vector.broadcast %add3A_35 : vector<1024x1xf32> to vector<1024x1024xf32>
    %max3A_68 = vector.broadcast %add3A_43 : vector<1x1024xf32> to vector<1024x1024xf32>
    %max3A_69 = arith.maximumf %max3A_67, %max3A_68 : vector<1024x1024xf32>
    %min3A = vector.broadcast %add3A_37 : vector<1024x1xf32> to vector<1024x1024xf32>
    %min3A_70 = vector.broadcast %add3A_45 : vector<1x1024xf32> to vector<1024x1024xf32>
    %min3A_71 = arith.minimumf %min3A, %min3A_70 : vector<1024x1024xf32>
    %min3A_72 = vector.broadcast %add3A_39 : vector<1024x1xf32> to vector<1024x1024xf32>
    %min3A_73 = vector.broadcast %add3A_47 : vector<1x1024xf32> to vector<1024x1024xf32>
    %min3A_74 = arith.minimumf %min3A_72, %min3A_73 : vector<1024x1024xf32>
    %sub3A_75 = arith.subf %min3A_71, %max3A_66 : vector<1024x1024xf32>
    %max3A_76 = arith.constant 0.000000e+00 : f32
    %max3A_77 = vector.broadcast %max3A_76 : f32 to vector<1024x1024xf32>
    %max3A_78 = arith.maximumf %sub3A_75, %max3A_77 : vector<1024x1024xf32>
    %sub3A_79 = arith.subf %min3A_74, %max3A_69 : vector<1024x1024xf32>
    %max3A_80 = arith.constant 0.000000e+00 : f32
    %max3A_81 = vector.broadcast %max3A_80 : f32 to vector<1024x1024xf32>
    %max3A_82 = arith.maximumf %sub3A_79, %max3A_81 : vector<1024x1024xf32>
    %mul3A_83 = arith.mulf %max3A_78, %max3A_82 : vector<1024x1024xf32>
    %add3A_84 = vector.broadcast %mul3A_54 : vector<1024x1xf32> to vector<1024x1024xf32>
    %add3A_85 = vector.broadcast %mul3A_63 : vector<1x1024xf32> to vector<1024x1024xf32>
    %add3A_86 = arith.addf %add3A_84, %add3A_85 : vector<1024x1024xf32>
    %sub3A_87 = arith.subf %add3A_86, %mul3A_83 : vector<1024x1024xf32>
    %add3A_88 = arith.constant 9.99999971E-10 : f32
    %add3A_89 = vector.broadcast %add3A_88 : f32 to vector<1024x1024xf32>
    %add3A_90 = arith.addf %sub3A_87, %add3A_89 : vector<1024x1024xf32>
    %div3A = arith.divf %mul3A_83, %add3A_90 : vector<1024x1024xf32>
    %gt3A = arith.constant 4.500000e-01 : f32
    %gt3A_91 = vector.broadcast %gt3A : f32 to vector<1024x1024xf32>
    %gt3A_92 = arith.cmpf ogt, %div3A, %gt3A_91 : vector<1024x1024xf32>
    %iota3A = tpu.iota {dimensions = array<i32: 0>} : vector<1024x1024xi32>
    %iota3A_93 = tpu.iota {dimensions = array<i32: 1>} : vector<1024x1024xi32>
    %lt3A = arith.cmpi slt, %iota3A_93, %iota3A : vector<1024x1024xi32>
    %and3A = arith.andi %gt3A_92, %lt3A : vector<1024x1024xi1>
    %jit3A = arith.constant 1.000000e+00 : f32
    %jit3A_94 = arith.constant 0.000000e+00 : f32
    %broadcast_in_dim3A = vector.broadcast %jit3A : f32 to vector<1024x1024xf32>
    %broadcast_in_dim3A_95 = vector.broadcast %jit3A_94 : f32 to vector<1024x1024xf32>
    %select_n3A = arith.select %and3A, %broadcast_in_dim3A, %broadcast_in_dim3A_95 : vector<1024x1024xi1>, vector<1024x1024xf32>
    %lt3A_96 = arith.cmpi slt, %iota3A, %iota3A_93 : vector<1024x1024xi32>
    %and3A_97 = arith.andi %gt3A_92, %lt3A_96 : vector<1024x1024xi1>
    %jit3A_98 = arith.constant 1.000000e+00 : f32
    %jit3A_99 = arith.constant 0.000000e+00 : f32
    %broadcast_in_dim3A_100 = vector.broadcast %jit3A_98 : f32 to vector<1024x1024xf32>
    %broadcast_in_dim3A_101 = vector.broadcast %jit3A_99 : f32 to vector<1024x1024xf32>
    %select_n3A_102 = arith.select %and3A_97, %broadcast_in_dim3A_100, %broadcast_in_dim3A_101 : vector<1024x1024xi1>, vector<1024x1024xf32>
    %gt3A_103 = arith.constant 0.00999999977 : f32
    %gt3A_104 = vector.broadcast %gt3A_103 : f32 to vector<1024x1xf32>
    %gt3A_105 = arith.cmpf ogt, %get3A_18, %gt3A_104 : vector<1024x1xf32>
    %jit3A_106 = arith.constant 1.000000e+00 : f32
    %jit3A_107 = arith.constant 0.000000e+00 : f32
    %broadcast_in_dim3A_108 = vector.broadcast %jit3A_106 : f32 to vector<1024x1xf32>
    %broadcast_in_dim3A_109 = vector.broadcast %jit3A_107 : f32 to vector<1024x1xf32>
    %select_n3A_110 = arith.select %gt3A_105, %broadcast_in_dim3A_108, %broadcast_in_dim3A_109 : vector<1024x1xi1>, vector<1024x1xf32>
    %gt3A_111 = arith.constant 0.00999999977 : f32
    %gt3A_112 = vector.broadcast %gt3A_111 : f32 to vector<1x1024xf32>
    %gt3A_113 = arith.cmpf ogt, %get3A_13, %gt3A_112 : vector<1x1024xf32>
    %jit3A_114 = arith.constant 1.000000e+00 : f32
    %jit3A_115 = arith.constant 0.000000e+00 : f32
    %broadcast_in_dim3A_116 = vector.broadcast %jit3A_114 : f32 to vector<1x1024xf32>
    %broadcast_in_dim3A_117 = vector.broadcast %jit3A_115 : f32 to vector<1x1024xf32>
    %select_n3A_118 = arith.select %gt3A_113, %broadcast_in_dim3A_116, %broadcast_in_dim3A_117 : vector<1x1024xi1>, vector<1x1024xf32>
    %while3A = arith.constant 0 : i32
    %while3A_119 = arith.constant true
    %while3A_120:4 = scf.while (%while3A_157 = %select_n3A_110, %while3A_158 = %select_n3A_118, %while3A_159 = %while3A, %while3A_160 = %while3A_119) : (vector<1024x1xf32>, vector<1x1024xf32>, i32, i1) -> (vector<1024x1xf32>, vector<1x1024xf32>, i32, i1) {
      %lt3A_161 = arith.constant 1024 : i32
      %lt3A_162 = arith.cmpi slt, %while3A_159, %lt3A_161 : i32
      %and3A_163 = arith.andi %while3A_160, %lt3A_162 : i1
      scf.condition(%and3A_163) %while3A_157, %while3A_158, %while3A_159, %while3A_160 : vector<1024x1xf32>, vector<1x1024xf32>, i32, i1
    } do {
    ^bb0(%while3A_157: vector<1024x1xf32>, %while3A_158: vector<1x1024xf32>, %while3A_159: i32, %while3A_160: i1):
      %dot_general3A_161 = arith.constant dense<0.000000e+00> : vector<1024x1xf32>
      %dot_general3A_162 = tpu.matmul %select_n3A, %while3A_157, %dot_general3A_161 {dimension_numbers = #tpu.dot_dimension_numbers<[1], [0], [0], [1], [0, 0, 1, 1], [], []>, transpose_lhs_hint = false} : vector<1024x1024xf32>, vector<1024x1xf32>, vector<1024x1xf32> -> vector<1024x1xf32>
      %dot_general3A_163 = arith.constant dense<0.000000e+00> : vector<1x1024xf32>
      %dot_general3A_164 = tpu.matmul %while3A_158, %select_n3A_102, %dot_general3A_163 {dimension_numbers = #tpu.dot_dimension_numbers<[1], [0], [0], [1], [0, 0, 1, 1], [], []>, transpose_lhs_hint = false} : vector<1x1024xf32>, vector<1024x1024xf32>, vector<1x1024xf32> -> vector<1x1024xf32>
      %gt3A_165 = arith.constant 5.000000e-01 : f32
      %gt3A_166 = vector.broadcast %gt3A_165 : f32 to vector<1024x1xf32>
      %gt3A_167 = arith.cmpf ogt, %dot_general3A_162, %gt3A_166 : vector<1024x1xf32>
      %jit3A_168 = arith.constant 0.000000e+00 : f32
      %broadcast_in_dim3A_169 = vector.broadcast %jit3A_168 : f32 to vector<1024x1xf32>
      %select_n3A_170 = arith.select %gt3A_167, %broadcast_in_dim3A_169, %select_n3A_110 : vector<1024x1xi1>, vector<1024x1xf32>
      %gt3A_171 = arith.constant 5.000000e-01 : f32
      %gt3A_172 = vector.broadcast %gt3A_171 : f32 to vector<1x1024xf32>
      %gt3A_173 = arith.cmpf ogt, %dot_general3A_164, %gt3A_172 : vector<1x1024xf32>
      %jit3A_174 = arith.constant 0.000000e+00 : f32
      %broadcast_in_dim3A_175 = vector.broadcast %jit3A_174 : f32 to vector<1x1024xf32>
      %select_n3A_176 = arith.select %gt3A_173, %broadcast_in_dim3A_175, %select_n3A_118 : vector<1x1024xi1>, vector<1x1024xf32>
      %ne3A = arith.cmpf one, %select_n3A_170, %while3A_157 : vector<1024x1xf32>
      %reduce_or3A = arith.constant 1.000000e+00 : f32
      %reduce_or3A_177 = arith.constant 0.000000e+00 : f32
      %reduce_or3A_178 = vector.broadcast %reduce_or3A : f32 to vector<1024x1xf32>
      %reduce_or3A_179 = vector.broadcast %reduce_or3A_177 : f32 to vector<1024x1xf32>
      %reduce_or3A_180 = arith.select %ne3A, %reduce_or3A_178, %reduce_or3A_179 : vector<1024x1xi1>, vector<1024x1xf32>
      %reduce_or3A_181 = vector.shape_cast %reduce_or3A_180 : vector<1024x1xf32> to vector<1x1024x1xf32>
      %reduce_or3A_182 = arith.constant dense<0xFF800000> : vector<1xf32>
      %reduce_or3A_183 = vector.multi_reduction <maximumf>, %reduce_or3A_181, %reduce_or3A_182 [1, 2] : vector<1x1024x1xf32> to vector<1xf32>
      %reduce_or3A_184 = vector.shape_cast %reduce_or3A_183 : vector<1xf32> to vector<1x1x1xf32>
      %reduce_or3A_185 = vector.extract %reduce_or3A_184[0, 0, 0] : f32 from vector<1x1x1xf32>
      %reduce_or3A_186 = arith.constant 0.000000e+00 : f32
      %reduce_or3A_187 = arith.cmpf ogt, %reduce_or3A_185, %reduce_or3A_186 : f32
      %add3A_188 = arith.constant 1 : i32
      %add3A_189 = arith.addi %while3A_159, %add3A_188 : i32
      scf.yield %select_n3A_170, %select_n3A_176, %add3A_189, %reduce_or3A_187 : vector<1024x1xf32>, vector<1x1024xf32>, i32, i1
    }
    %mul3A_121 = arith.mulf %while3A_120#0, %get3A_18 : vector<1024x1xf32>
    %mul3A_122 = arith.mulf %while3A_120#1, %get3A_13 : vector<1x1024xf32>
    %gt3A_123 = vector.broadcast %mul3A_122 : vector<1x1024xf32> to vector<1024x1024xf32>
    %gt3A_124 = vector.broadcast %mul3A_121 : vector<1024x1xf32> to vector<1024x1024xf32>
    %gt3A_125 = arith.cmpf ogt, %gt3A_123, %gt3A_124 : vector<1024x1024xf32>
    %eq3A = vector.broadcast %mul3A_122 : vector<1x1024xf32> to vector<1024x1024xf32>
    %eq3A_126 = vector.broadcast %mul3A_121 : vector<1024x1xf32> to vector<1024x1024xf32>
    %eq3A_127 = arith.cmpf oeq, %eq3A, %eq3A_126 : vector<1024x1024xf32>
    %lt3A_128 = arith.cmpi slt, %iota3A_93, %iota3A : vector<1024x1024xi32>
    %and3A_129 = arith.andi %eq3A_127, %lt3A_128 : vector<1024x1024xi1>
    %or3A = arith.ori %gt3A_125, %and3A_129 : vector<1024x1024xi1>
    %jit3A_130 = arith.constant 1.000000e+00 : f32
    %jit3A_131 = arith.constant 0.000000e+00 : f32
    %broadcast_in_dim3A_132 = vector.broadcast %jit3A_130 : f32 to vector<1024x1024xf32>
    %broadcast_in_dim3A_133 = vector.broadcast %jit3A_131 : f32 to vector<1024x1024xf32>
    %select_n3A_134 = arith.select %or3A, %broadcast_in_dim3A_132, %broadcast_in_dim3A_133 : vector<1024x1024xi1>, vector<1024x1024xf32>
    %reduce_sum3A = arith.constant dense<0.000000e+00> : vector<1024xf32>
    %reduce_sum3A_135 = vector.multi_reduction <add>, %select_n3A_134, %reduce_sum3A [1] : vector<1024x1024xf32> to vector<1024xf32>
    %broadcast_in_dim3A_136 = vector.shape_cast %reduce_sum3A_135 : vector<1024xf32> to vector<1024x1xf32>
    %iota3A_137 = tpu.iota {dimensions = array<i32: 1>} : vector<1024x256xi32>
    %convert_element_type3A = arith.sitofp %iota3A_137 : vector<1024x256xi32> to vector<1024x256xf32>
    %eq3A_138 = vector.broadcast %broadcast_in_dim3A_136 : vector<1024x1xf32> to vector<1024x256xf32>
    %eq3A_139 = arith.cmpf oeq, %eq3A_138, %convert_element_type3A : vector<1024x256xf32>
    %jit3A_140 = arith.constant 1.000000e+00 : f32
    %jit3A_141 = arith.constant 0.000000e+00 : f32
    %broadcast_in_dim3A_142 = vector.broadcast %jit3A_140 : f32 to vector<1024x256xf32>
    %broadcast_in_dim3A_143 = vector.broadcast %jit3A_141 : f32 to vector<1024x256xf32>
    %select_n3A_144 = arith.select %eq3A_139, %broadcast_in_dim3A_142, %broadcast_in_dim3A_143 : vector<1024x256xi1>, vector<1024x256xf32>
    %broadcast_in_dim3A_145 = arith.constant 0.000000e+00 : f32
    %broadcast_in_dim3A_146 = vector.broadcast %broadcast_in_dim3A_145 : f32 to vector<1x1024xf32>
    %slice3A_147 = vector.extract_strided_slice %get3A_8 {offsets = [0, 0], sizes = [1, 1024], strides = [1, 1]} : vector<4x1024xf32> to vector<1x1024xf32>
    %slice3A_148 = vector.extract_strided_slice %get3A_8 {offsets = [1, 0], sizes = [1, 1024], strides = [1, 1]} : vector<4x1024xf32> to vector<1x1024xf32>
    %slice3A_149 = vector.extract_strided_slice %get3A_8 {offsets = [2, 0], sizes = [1, 1024], strides = [1, 1]} : vector<4x1024xf32> to vector<1x1024xf32>
    %slice3A_150 = vector.extract_strided_slice %get3A_8 {offsets = [3, 0], sizes = [1, 1024], strides = [1, 1]} : vector<4x1024xf32> to vector<1x1024xf32>
    %concatenate3A = tpu.concatenate %slice3A_147, %slice3A_148, %slice3A_149, %slice3A_150, %get3A_23, %mul3A_122, %broadcast_in_dim3A_146, %broadcast_in_dim3A_146 in 0 : vector<1x1024xf32>, vector<1x1024xf32>, vector<1x1024xf32>, vector<1x1024xf32>, vector<1x1024xf32>, vector<1x1024xf32>, vector<1x1024xf32>, vector<1x1024xf32> -> vector<8x1024xf32>
    %dot_general3A = arith.constant dense<0.000000e+00> : vector<8x256xf32>
    %dot_general3A_151 = tpu.matmul %concatenate3A, %select_n3A_144, %dot_general3A {dimension_numbers = #tpu.dot_dimension_numbers<[1], [0], [0], [1], [0, 0, 1, 1], [], []>, transpose_lhs_hint = false} : vector<8x1024xf32>, vector<1024x256xf32>, vector<8x256xf32> -> vector<8x256xf32>
    %swap3A = arith.constant 0 : index
    %swap3A_152 = arith.constant 0 : index
    %swap3A_153 = arith.constant 0 : index
    %swap3A_154 = vector.load %arg7[%swap3A, %swap3A_152, %swap3A_153] : memref<1x8x256xf32, #tpu.memory_space<vmem>>, vector<1x8x256xf32>
    %swap3A_155 = vector.shape_cast %swap3A_154 : vector<1x8x256xf32> to vector<8x256xf32>
    %swap3A_156 = vector.shape_cast %dot_general3A_151 : vector<8x256xf32> to vector<1x8x256xf32>
    tpu.vector_store %arg7[%swap3A, %swap3A_152, %swap3A_153], %swap3A_156 {strides = array<i32>} : memref<1x8x256xf32, #tpu.memory_space<vmem>>, vector<1x8x256xf32>,
    return
  }
  func.func @transform_0(%arg0: i32) -> (i32, i32, i32) {
    %c0_i32 = arith.constant 0 : i32
    %c0_i32_0 = arith.constant 0 : i32
    %c0_i32_1 = arith.constant 0 : i32
    return %arg0, %c0_i32, %c0_i32_0 : i32, i32, i32
  }
  func.func @transform_1(%arg0: i32) -> (i32, i32, i32) {
    %c0_i32 = arith.constant 0 : i32
    %c0_i32_0 = arith.constant 0 : i32
    %c0_i32_1 = arith.constant 0 : i32
    return %arg0, %c0_i32, %c0_i32_0 : i32, i32, i32
  }
  func.func @transform_2(%arg0: i32) -> (i32, i32, i32) {
    %c0_i32 = arith.constant 0 : i32
    %c0_i32_0 = arith.constant 0 : i32
    %c0_i32_1 = arith.constant 0 : i32
    return %arg0, %c0_i32, %c0_i32_0 : i32, i32, i32
  }
  func.func @transform_3(%arg0: i32) -> (i32, i32, i32) {
    %c0_i32 = arith.constant 0 : i32
    %c0_i32_0 = arith.constant 0 : i32
    %c0_i32_1 = arith.constant 0 : i32
    return %arg0, %c0_i32, %c0_i32_0 : i32, i32, i32
  }
  func.func @transform_4(%arg0: i32) -> (i32, i32, i32) {
    %c0_i32 = arith.constant 0 : i32
    %c0_i32_0 = arith.constant 0 : i32
    %c0_i32_1 = arith.constant 0 : i32
    return %arg0, %c0_i32, %c0_i32_0 : i32, i32, i32
  }
  func.func @transform_5(%arg0: i32) -> (i32, i32, i32) {
    %c0_i32 = arith.constant 0 : i32
    %c0_i32_0 = arith.constant 0 : i32
    %c0_i32_1 = arith.constant 0 : i32
    return %arg0, %c0_i32, %c0_i32_0 : i32, i32, i32
  }
  func.func @transform_6(%arg0: i32) -> (i32, i32, i32) {
    %c0_i32 = arith.constant 0 : i32
    %c0_i32_0 = arith.constant 0 : i32
    %c0_i32_1 = arith.constant 0 : i32
    return %arg0, %c0_i32, %c0_i32_0 : i32, i32, i32
  }
}

</mosaic_0001>

<sc_bundles>
// kernel: gather_offload_async_start
scs
__scs_entry_jumppad:
0x0: {  	(pc) =	sbr.rel $0x88, $3  }
0x1: {  	(tag) =	ssettag $0x0;
	lr =	simm.s32 $0x1  }
0x2: {  	[smem:$0x3F92] =	sst lr;
	_ =	strace $0xD0000000  }
0x3: {  	_ = 	snop  }
0x4: {  	_ = 	snop  }
0x5: {  	_ = 	snop  }
0x6: {  	_ = 	snop  }
0x7: {  	_ = 	snop  }
__scs_overlays_trampoline_lowered:
0x8: {  	[smem:$0x3FA1] =	sst s0  }
0x9: {  	[smem:$0x3FA2] =	sst s1  }
0xa: {  	[smem:$0x3FA3] =	sst s2  }
0xb: {  	[smem:$0x3FA4] =	sst s3  }
0xc: {  	[smem:$0x3FA5] =	sst s4  }
0xd: {  	[smem:$0x3FA6] =	sst s5  }
0xe: {  	[smem:$0x3FA7] =	sst s6  }
0xf: {  	[smem:$0x3FA8] =	sst s7  }
0x10: {  	[smem:$0x3FA9] =	sst s8  }
0x11: {  	[smem:$0x3FAA] =	sst s9;
	s0 =	simm.s32 @!p0 $0x0  }
0x12: {  	s1 =	sld [smem:$0x3F90];
	s0 =	simm.s32 @p0 $0x1  }
0x13: {  	[smem:$0x3FAB] =	sst s0;
	s0 =	simm.s32 @!p1 $0x0  }
0x14: {  	s2 =	sld [smem:$0x3F8F];
	s0 =	simm.s32 @p1 $0x1  }
0x15: {  	[smem:$0x3FAC] =	sst s0;
	s0 =	simm.s32 @!p2 $0x0  }
0x16: {  	s3 =	sld [smem:$0x3FDB];
	s0 =	simm.s32 @p2 $0x1  }
0x17: {  	s4 =	simm.s32 $0x1BF5;
	[smem:$0x3FAE] =	sst s0  }
0x18: {  	s0 =	sld [smem:$0x3F91];
	_ =	swait.ge [sflag:s4], $0x0  }
0x19: {  	s7 =	sld [smem:$0x3F92]  }
0x1a: {  	s8 =	sadd.s32 $0xFFFFE003, lr  }
0x1b: {  	s9 =	sadd.s32 $0xFFFFFEF7, lr;
	s5 =	simm.s32 $0xFFFFFFFF;
	p2 =	slt.u32 s8, $0xFFFFF086  }
0x1c: {  	p1 =	slt.u32 s9, $0xF7A;
	s5 =	simm.s32 @!p2 $0x0  }
0x1d: {  	s5 =	simm.s32 @p1 $0x1;
	p0 =	seq.s32 s7, s2  }
0x1e: {  	s7 =	smul.u32 @!p0 $0xF7A, s2;
	p2 =	seq.s32 @!p0 s5, $0x0  }
0x1f: {  	s9 =	smul.u32 $0xF7A, s1;
	s8 =	simm.s32 @!p0 $0x1BF5;
	p2 =	por !p2, p0  }
0x20: {  	[sflag:s8] =	ssyncset.s32 @!p0 $0xFFFFF086;
	s6 =	sadd.s32 @!p0 s3, s7;
	s7 =	simm.s32 @!p0 $0x108  }
0x21: {  	s3 =	sadd.s32 s3, s9;
	s6 =	sadd.s32 @!p0 $0x88, s6;
	s7 =	simm.s32 @p2 $0x1082  }
0x22: {  	[simem:s7], [sflag:s8] =	dma.local @!p0 [hbm:s6], $0xF7A  }
0x23: {  	s9 =	sor.u32 $0xD0000000, s2;
	s6 =	simm.s32 $0x108;
	_ =	swait.ge @!p0 [sflag:s8], $0x0  }
0x24: {  	s3 =	sadd.s32 $0x88, s3;
	s6 =	simm.s32 @!p1 $0x1082;
	[sflag:s4] =	ssyncset.s32 $0xFFFFF086  }
0x25: {  	[simem:s6], [sflag:s4] =	dma.local [hbm:s3], $0xF7A  }
0x26: {  	[smem:$0x3F92] =	sst s1;
	(tag) =	ssettag s2;
	_ =	strace s9  }
0x27: {  	s1 =	sld [smem:$0x3FA2]  }
0x28: {  	s2 =	sld [smem:$0x3FA3]  }
0x29: {  	s4 =	sld [smem:$0x3FA5]  }
0x2a: {  	p0 =	seq.s32 s5, $0x0;
	s5 =	sld [smem:$0x3FA6]  }
0x2b: {  	s6 =	sld [smem:$0x3FA7]  }
0x2c: {  	s7 =	sld [smem:$0x3FA8]  }
0x2d: {  	s3 =	simm.s32 $0x108;
	s8 =	sld [smem:$0x3FA9]  }
0x2e: {  	s3 =	simm.s32 @!p0 $0x1082;
	s9 =	sld [smem:$0x3FAA]  }
0x2f: {  	lr =	sadd.s32 s0, s3;
	s0 =	sld [smem:$0x3FA1]  }
0x30: {  	s3 =	sld [smem:$0x3FA4]  }
0x31: {  	[smem:$0x3FAD] =	sst s10  }
0x32: {  	s10 =	sld [smem:$0x3FAB];
	_ =	sdelay $0x3  }
0x33: {  	p0 =	seq.s32 s10, $0x1;
	s10 =	sld [smem:$0x3FAD];
	_ =	sdelay $0x3  }
0x34: {  	[smem:$0x3FAD] =	sst s10  }
0x35: {  	s10 =	sld [smem:$0x3FAC];
	_ =	sdelay $0x3  }
0x36: {  	p1 =	seq.s32 s10, $0x1;
	s10 =	sld [smem:$0x3FAD];
	_ =	sdelay $0x3  }
0x37: {  	[smem:$0x3FAD] =	sst s10  }
0x38: {  	s10 =	sld [smem:$0x3FAE]  }
0x39: {  	_ = 	snop;
	(pc) =	sbr.ind lr, $3  }
0x3a: {  	_ = 	snop  }
0x3b: {  	_ = 	snop  }
0x3c: {  	p2 =	seq.s32 s10, $0x1;
	s10 =	sld [smem:$0x3FAD]  }
0x3d: {  	_ =	shalt  }
0x3e: {  	_ =	shalt  }
0x3f: {  	_ =	shalt  }
0x40: {  	_ =	shalt  }
0x41: {  	_ =	shalt  }
0x42: {  	_ =	shalt  }
0x43: {  	_ =	shalt  }
0x44: {  	_ =	shalt  }
0x45: {  	_ =	shalt  }
0x46: {  	_ =	shalt  }
0x47: {  	_ =	shalt  }
0x48: {  	_ =	shalt  }
0x49: {  	_ =	shalt  }
0x4a: {  	_ =	shalt  }
0x4b: {  	_ =	shalt  }
0x4c: {  	_ =	shalt  }
0x4d: {  	_ =	shalt  }
0x4e: {  	_ =	shalt  }
0x4f: {  	_ =	shalt  }
0x50: {  	_ =	shalt  }
0x51: {  	_ =	shalt  }
0x52: {  	_ =	shalt  }
0x53: {  	_ =	shalt  }
0x54: {  	_ =	shalt  }
0x55: {  	_ =	shalt  }
0x56: {  	_ =	shalt  }
0x57: {  	_ =	shalt  }
0x58: {  	_ =	shalt  }
0x59: {  	_ =	shalt  }
0x5a: {  	_ =	shalt  }
0x5b: {  	_ =	shalt  }
0x5c: {  	_ =	shalt  }
0x5d: {  	_ =	shalt  }
0x5e: {  	_ =	shalt  }
0x5f: {  	_ =	shalt  }
0x60: {  	_ =	shalt  }
0x61: {  	_ =	shalt  }
0x62: {  	_ =	shalt  }
0x63: {  	_ =	shalt  }
0x64: {  	_ =	shalt  }
0x65: {  	_ =	shalt  }
0x66: {  	_ =	shalt  }
0x67: {  	_ =	shalt  }
0x68: {  	_ =	shalt  }
0x69: {  	_ =	shalt  }
0x6a: {  	_ =	shalt  }
0x6b: {  	_ =	shalt  }
0x6c: {  	_ =	shalt  }
0x6d: {  	_ =	shalt  }
0x6e: {  	_ =	shalt  }
0x6f: {  	_ =	shalt  }
0x70: {  	_ =	shalt  }
0x71: {  	_ =	shalt  }
0x72: {  	_ =	shalt  }
0x73: {  	_ =	shalt  }
0x74: {  	_ =	shalt  }
0x75: {  	_ =	shalt  }
0x76: {  	_ =	shalt  }
0x77: {  	_ =	shalt  }
0x78: {  	_ =	shalt  }
0x79: {  	_ =	shalt  }
0x7a: {  	_ =	shalt  }
0x7b: {  	_ =	shalt  }
0x7c: {  	_ =	shalt  }
0x7d: {  	_ =	shalt  }
0x7e: {  	_ =	shalt  }
0x7f: {  	_ =	shalt  }
0x80: {  	_ =	shalt  }
0x81: {  	_ =	shalt  }
0x82: {  	_ =	shalt  }
0x83: {  	_ =	shalt  }
0x84: {  	_ =	shalt  }
0x85: {  	_ =	shalt  }
0x86: {  	_ =	shalt  }
0x87: {  	_ =	shalt  }
.Lfunc_end0:
.L_simem_size_0:
called_computation_lowered:
.L_overlay_start_0:
0x88: {  	s2 =	sld [smem:$0x3FD9]  }
0x89: {  	s3 =	sld [smem:$0x3FFE];
	_ =	sdelay $0x1  }
0x8a: {  	s1 =	srdreg.scid  }
0x8b: {  	s0 =	sand.u32 $0x1, s1  }
0x8c: {  	s17 =	sshll.u32 s0, $0xA;
	s2 =	sadd.s32 s3, s2  }
0x8d: {  	s2 =	sadd.s32 s2, s17  }
0x8e: {  	[smem:$0x3FB9] =	sst s2  }
0x8f: {  	_ = 	snop  }
0x90: {  	s2 =	sld [smem:$0x3FD0];
	(tm) =	ssettm $0x1  }
0x91: {  	s18 =	sld [smem:$0x3FFB];
	_ =	sdelay $0x3  }
0x92: {  	_ =	strace s18  }
0x93: {  	s3 =	sld [smem:$0x3FFC];
	_ =	sdelay $0x3  }
0x94: {  	_ =	strace s3  }
0x95: {  	s3 =	sld [smem:$0x3FFD];
	_ =	sdelay $0x3  }
0x96: {  	_ =	strace s3  }
0x97: {  	_ =	strace $0x8FFFFFFF  }
0x98: {  	s19 =	sld [smem:$0x3FDB];
	_ =	sdelay $0x1  }
0x99: {  	s4 =	simm.s32 $_scs_section_size  }
0x9a: {  	s5 =	simm.s32 $_size__tile_overlayer_lowered;
	s6 =	simm.s32 $_tile_overlayer_lowered  }
0x9b: {  	s22 =	simm.s32 $0x1BFF;
	s21 =	sshll.u32 s6, $0x1;
	s3 =	sadd.s32 s4, s19  }
0x9c: {  	s7 =	simm.s32 $0x0;
	s20 =	sshll.u32 s5, $0x1;
	s5 =	sadd.s32 s21, s3  }
0x9d: {  	[timem:s7], [sflag:s22] =	dma.local [hbm:s5], s20  }
0x9e: {  	_ =	swait.ge [sflag:s22], s20  }
0x9f: {  	s4 =	ssub.s32 $0x0, s20;
	[sflag:s22] =	ssyncset.done $0x0  }
0xa0: {  	[sflag:s22] =	ssyncadd.s32 s4;
	_ =	sdelay $0x1  }
0xa1: {  	s23 =	simm.s32 $0x1B8B  }
0xa2: {  	_ =	swait.ge [sflag:s23], $0x1  }
0xa3: {  	[sflag:s23] =	ssyncset.done $0x0  }
0xa4: {  	s25 =	simm.s32 $0x1B8E;
	s24 =	sld [smem:$0x3FFE];
	[sflag:s23] =	ssyncadd.s32 $0xFFFFFFFF  }
0xa5: {  	s26 =	simm.s32 $execute0_lowered;
	[smem:$0x3FD2] =	sst s25  }
0xa6: {  	s5 =	sshll.u32 s26, $0x1;
	_ =	strace $0x80000049;
	[dreg:$0x1] =	wrdreg $0xFFFFFFFF  }
0xa7: {  	s28 =	simm.s32 $_size_execute0_lowered;
	s3 =	sadd.s32 s3, s5;
	[dreg:$0x0] =	wrdreg $0x0  }
0xa8: {  	s5 =	sshll.u32 s28, $0x1;
	[dreg:$0x2] =	wrdreg s3  }
0xa9: {  	[dreg:$0x3] =	wrdreg s5  }
0xaa: {  	[dreg:$0x4] =	wrdreg $0xC0  }
0xab: {  	_ =	task [dreg:s7], $0x5FFFF  }
0xac: {  	[dreg:$0x1] =	wrdreg $0xFFFFFFFF  }
0xad: {  	[dreg:$0x0] =	wrdreg $0x60  }
0xae: {  	[dreg:$0x2] =	wrdreg s24  }
0xaf: {  	[dreg:$0x3] =	wrdreg s2  }
0xb0: {  	[dreg:$0x4] =	wrdreg $0x9  }
0xb1: {  	_ =	task.clear_ibuf [dreg:s7], $0x5FFFF;
	_ =	strace $0x90000049  }
0xb2: {  	s29 =	simm.s32 $0x9;
	_ =	strace $0x8000004B  }
0xb3: {  	_ =	swait.ge [sflag:s29], $0x1  }
0xb4: {  	[sflag:s29] =	ssyncadd.s32 $0xFFFFFFFF  }
0xb5: {  	_ =	strace $0x9000004B  }
0xb6: {  	_ =	sfence  }
0xb7: {  	s30 =	sld [smem:$0x0];
	_ =	sdelay $0x2  }
0xb8: {  	s31 =	sshll.u32 s1, $0xD;
	s1 =	sshrl.u32 s1, $0x2  }
0xb9: {  	s3 =	sand.u32 $0x4000, s31;
	s1 =	sadd.s32 s1, s30  }
0xba: {  	s0 =	sor.u32 s3, s0;
	s1 =	sshll.u32 s1, $0x11  }
0xbb: {  	s0 =	sor.u32 s1, s0  }
0xbc: {  	s0 =	sadd.s32 $0x8F2B, s0  }
0xbd: {  	[sflag:s0] =	ssyncadd.remote.s32 $0x1  }
0xbe: {  	_ =	sfence.sel $0xFFFF  }
0xbf: {  	[dreg:$0x0] =	wrdreg $0xFFFFFFFF;
	(pc) =	sbr.abs _section_cstart, $3  }
0xc0: {  	[dreg:$0x1] =	wrdreg $0xFFFFFFFF  }
0xc1: {  	_ =	task.clear_ibuf [dreg:s7], $0x2FFFF;
	_ =	strace $0x9FFFFFFF  }
0xc2: {  	(tm) =	ssettm $0x7FFFFFFF  }
0xc3: {  	_ =	shalt  }
tec
execute0_lowered:
.L_overlay_start_1:
0x0: {  	(tag) =	ssettag $0x1  }
0x1: {  	s0 =	srdreg.scid  }
0x2: {  	s1 =	sshll.u32 s0, $0x4  }
0x3: {  	s0 =	stileid.u32;
	s1 =	sand.u32 $0x10, s1  }
0x4: {  	s2 =	sor.u32 s0, s1  }
0x5: {  	s1 =	smin.u32 s2, $0x12  }
0x6: {  	s1 =	sadd.s32 s2, s1  }
0x7: {  	p0 =	slt.u32 s2, $0x12;
	s2 =	simm.s32 $0xA0;
	s1 =	smul.u32 $0x50, s1  }
0x8: {  	s2 =	simm.s32 @!p0 $0x50  }
0x9: {  	s2 =	sadd.s32 s2, s1  }
0xa: {  	s3 =	smin.u32 s2, $0xFA0  }
0xb: {  	s7 =	ssub.s32 s3, s1  }
0xc: {  	p0 =	sgt.s32 s7, $0x0  }
0xd: {  	s7 =	simm.s32 @!p0 $0x0  }
0xe: {  	s9 =	rddreg [dreg:$0x0];
	s31 =	smul.u32 $0xCCCD, s7  }
0xf: {  	s4 =	rddreg [dreg:$0x1];
	s6 =	simm.s32 $0x1  }
0x10: {  	s11 =	simm.s32 $0x3;
	s13 =	simm.s32 $0x0;
	s8 =	sshrl.u32 s31, $0x16  }
0x11: {  	s12 =	simm.s32 $0x0;
	s5 =	sadd.s32 $0x6DA00, s9;
	s10 =	smul.u32 $0x50, s8  }
.Ltmp0:
0x12: {  	s9 =	sadd.s32 $0x3800, s9;
	s2 =	rddreg [dreg:$0x2];
	(pc) =	sbr.rel .LBB2_1-.Ltmp0, $4  }
0x13: {  	_ =	strace $0x8000004A;
	p0 =	sne.s32 s7, s10;
	s10 =	simm.s32 $0x1  }
0x14: {  	[sflag:s6] =	ssyncpa.u1 $0x0;
	s7 =	simm.s32 $0x2;
	s10 =	simm.s32 @!p0 $0x0  }
0x15: {  	[sflag:s7] =	ssyncpa.u1 $0x0;
	p0 =	por $0x0, $0x0;
	s8 =	sadd.s32 s8, s10  }
0x16: {  	vm0 =	vmmov $0xff;
	vm1 =	vcmask $0x3F20;
	[sflag:s11] =	ssyncpa.u1 $0x0;
	s11 =	smov.u32 s1;
	s10 =	sadd.s32 $0x1, s8  }
.LBB2_6:
0x17: {  	[hbm:s17] =	stream.linear.scatter [tilespmem:s14], [sflag:$0x3], $0x400, $0x38;
	[tilespmem:$0x50A0] =	vst v63  }
.LBB2_7:
0x18: {  	s13 =	sadd.s32 $0x50, s11  }
0x19: {  	s15 =	smov.u32 s1;
	p2 =	slt.s32 s13, s3  }
0x1a: {  	s15 =	smov.u32 @p2 s13;
	p2 =	sne.s32 s12, s10  }
.Ltmp1:
0x1b: {  	p1 =	slt.u32 s12, $0x2;
	(pc) =	sbr.rel @!p2 .LBB2_8-.Ltmp1, $4  }
0x1c: {  	s14 =	simm.s32 @!p1 $0x3  }
0x1d: {  	s16 =	sadd.s32 $0x1, s12;
	_ =	swait.ge @!p1 [sflag:s14], $0x2800  }
0x1e: {  	p0 =	por !p0, !p0;
	s13 =	smov.u32 s11;
	[sflag:s14] =	ssyncset.done @!p1 $0x0  }
0x1f: {  	s12 =	smov.u32 s16;
	s11 =	smov.u32 s15;
	[sflag:s14] =	ssyncadd.s32 @!p1 $0xFFFFD800  }
.LBB2_1:
0x20: {  	p1 =	sge.u32 s12, s8  }
0x21: {  	s14 =	sxor.u32 @!p1 $0xFFFFFFFF, s12  }
0x22: {  	s14 =	sand.u32 @!p1 $0x1, s14  }
0x23: {  	s14 =	smul.u32 @!p1 $0x140, s14  }
0x24: {  	s31 =	sadd.s32 $0xFFFFFFFF, s12;
	s15 =	sshrl.u32 @!p1 s11, $0x3  }
0x25: {  	s16 =	sand.u32 @!p1 $0x7, s11;
	s15 =	sadd.s32 @!p1 s4, s15;
	s14 =	sshrl.u32 @!p1 s14, $0x2  }
0x26: {  	[tilespmem:s14], [sflag:$0x2] =	stream.linear.gather @!p1 [hbm4b:s15+s16], $0x50, $0x38;
	[tilespmem:$0x50A0] =	vst v63  }
0x27: {  	p1 =	sge.u32 s31, s8  }
.Ltmp2:
0x28: {  	_ = 	snop;
	(pc) =	sbr.rel @p1 .LBB2_7-.Ltmp2, $1  }
0x29: {  	_ =	sdelay $0x3  }
0x2a: {  	s14 =	simm.s32 $0x1  }
0x2b: {  	s14 =	simm.s32 @!p0 $0x0  }
0x2c: {  	s15 =	smul.u32 $0x140, s14  }
0x2d: {  	_ =	swait.ge [sflag:s7], $0x50  }
0x2e: {  	[sflag:s7] =	ssyncset.done $0x0;
	s16 =	sshrl.u32 s15, $0x2  }
0x2f: {  	[sflag:s7] =	ssyncadd.s32 $0xFFFFFFB0;
	s15 =	sadd.s32 $0x0, s16  }
0x30: {  	v0 =	vld.msk [tilespmem:s15+$0x0 ss:$0x1], $0xffff;
	_ =	sdelay $0x4  }
0x31: {  	v1 =	vand.u32 $0x3, v0;
	v2 =	vshll.u32 v0, $0x5  }
0x32: {  	vm2 =	veq.s32 v0, $0x80000000;
	v0 =	vmul.u32 $0x150000, v1;
	v1 =	vand.u32 $0x1FFF80, v2  }
0x33: {  	v1 =	vsel vm2, $0xFFFFFF80, v1  }
0x34: {  	v0 =	vsel vm2, $0xFFEB0000, v0;
	v2 =	vand.u32 $0xFFFFFC00, v1  }
0x35: {  	v1 =	vand.u32 $0x380, v1;
	v0 =	vadd.s32 v0, v2  }
0x36: {  	v0 =	vor.u32 v1, v0  }
0x37: {  	v0 =	vshrl.u32 v0, $0x3  }
0x38: {  	s14 =	smul.u32 $0xA000, s14;
	_ =	sdelay $0x1  }
0x39: {  	s14 =	sshrl.u32 s14, $0x2  }
0x3a: {  	s14 =	sor.u32 $0xA0, s14  }
0x3b: {  	[tilespmem:s14], [sflag:$0x1] =	stream.indirect_vreg.gather [hbm:s5], $0x80, v0, vm0, $0x38;
	[tilespmem:$0x50A0] =	vst v63  }
0x3c: {  	s17 =	sadd.s32 $0x10, s16;
	s15 =	sadd.s32 $0x400, s14  }
0x3d: {  	[tilespmem:s15], [sflag:$0x1] =	stream.indirect_vreg.gather [hbm:s5], $0x80, v0, vm1, $0x38;
	[tilespmem:$0x50A0] =	vst v63  }
0x3e: {  	s18 =	simm.s32 $0x80;
	v0 =	vld.msk [tilespmem:s17+$0x0 ss:$0x1], $0xffff;
	s17 =	smov.u32 s14  }
.LBB2_3:
0x3f: {  	p1 =	sne.s32 s18, $0x100;
	_ =	sdelay $0x4  }
0x40: {  	v1 =	vand.u32 $0x3, v0;
	v2 =	vshll.u32 v0, $0x5  }
0x41: {  	vm2 =	veq.s32 v0, $0x80000000;
	v0 =	vmul.u32 $0x150000, v1;
	v1 =	vand.u32 $0x1FFF80, v2  }
0x42: {  	v1 =	vsel vm2, $0xFFFFFF80, v1  }
0x43: {  	v0 =	vsel vm2, $0xFFEB0000, v0;
	v2 =	vand.u32 $0xFFFFFC00, v1  }
0x44: {  	v1 =	vand.u32 $0x380, v1;
	v0 =	vadd.s32 v0, v2  }
0x45: {  	v0 =	vor.u32 v1, v0  }
0x46: {  	v0 =	vshrl.u32 v0, $0x3;
	_ =	sdelay $0x3  }
.Ltmp3:
0x47: {  	s19 =	sshra.s32 s18, $0x2;
	s17 =	sadd.s32 $0x800, s17;
	(pc) =	sbr.rel @p1 .LBB2_3-.Ltmp3, $4  }
0x48: {  	[tilespmem:s17], [sflag:$0x1] =	stream.indirect_vreg.gather [hbm:s5], $0x80, v0, vm0, $0x38;
	[tilespmem:$0x50A0] =	vst v63  }
0x49: {  	s19 =	sadd.s32 s19, s16;
	s20 =	sadd.s32 $0x400, s17  }
0x4a: {  	[tilespmem:s20], [sflag:$0x1] =	stream.indirect_vreg.gather [hbm:s5], $0x80, v0, vm1, $0x38;
	[tilespmem:$0x50A0] =	vst v63  }
0x4b: {  	s18 =	sadd.s32 $0x40, s18;
	v0 =	vld.msk [tilespmem:s19+$0x0 ss:$0x1], $0xffff  }
0x4c: {  	_ =	sdelay $0x3  }
0x4d: {  	v1 =	vand.u32 $0x3, v0;
	v2 =	vshll.u32 v0, $0x5  }
0x4e: {  	vm2 =	veq.s32 v0, $0x80000000;
	v61 =	vmul.u32 $0x150000, v1;
	v62 =	vand.u32 $0x1FFF80, v2  }
0x4f: {  	v1 =	vsel vm2, $0xFFFFFF80, v62  }
0x50: {  	v0 =	vsel vm2, $0xFFEB0000, v61;
	v63 =	vand.u32 $0xFFFFFC00, v1  }
0x51: {  	v1 =	vand.u32 $0x380, v1;
	v0 =	vadd.s32 v0, v63  }
0x52: {  	v0 =	vor.u32 v1, v0  }
0x53: {  	v0 =	vshrl.u32 v0, $0x3;
	_ =	sdelay $0x3  }
0x54: {  	s16 =	sadd.s32 $0x800, s17  }
0x55: {  	[tilespmem:s16], [sflag:$0x1] =	stream.indirect_vreg.gather [hbm:s5], $0x80, v0, vm0, $0x38;
	[tilespmem:$0x50A0] =	vst v63  }
0x56: {  	s16 =	sadd.s32 $0x400, s16  }
0x57: {  	[tilespmem:s16], [sflag:$0x1] =	stream.indirect_vreg.gather [hbm:s5], $0x80, v0, vm1, $0x38;
	[tilespmem:$0x50A0] =	vst v63  }
0x58: {  	s13 =	sshll.u32 s13, $0x4;
	_ =	swait.ge [sflag:s6], $0x2800  }
0x59: {  	s13 =	sadd.s32 s13, s9;
	[sflag:s6] =	ssyncset.done $0x0  }
0x5a: {  	s17 =	sadd.s32 $0x0, s13;
	s16 =	simm.s32 $0x80;
	[sflag:s6] =	ssyncadd.s32 $0xFFFFD800  }
.LBB2_5:
0x5b: {  	[hbm:s17] =	stream.linear.scatter [tilespmem:s14], [sflag:$0x3], $0x400, $0x38;
	[tilespmem:$0x50A0] =	vst v63  }
0x5c: {  	s17 =	smov.u32 s16;
	s14 =	smov.u32 s15;
	p1 =	sne.s32 s16, $0x480  }
.Ltmp4:
0x5d: {  	s16 =	sadd.s32 $0x80, s16;
	(pc) =	sbr.rel @p1 .LBB2_5-.Ltmp4, $2  }
0x5e: {  	_ =	sdelay $0x2  }
0x5f: {  	s15 =	sadd.s32 $0x400, s15;
	s17 =	sadd.s32 s17, s13  }
.Ltmp5:
0x60: {  	_ = 	snop;
	(pc) =	sbr.rel .LBB2_6-.Ltmp5, $1  }
0x61: {  	_ =	sdelay $0x3  }
.LBB2_8:
0x62: {  	_ =	sfence.sel $0x180000  }
0x63: {  	s1 =	simm.s32 $0x2;
	[bflag:$0x0] =	sbarrier.arrive $0xFFFF  }
0x64: {  	s30 =	simm.s32 $0x3;
	[sflag:s1] =	ssyncpa.u1 $0x1  }
0x65: {  	s31 =	simm.s32 $0x1;
	[sflag:s30] =	ssyncpa.u1 $0x1  }
0x66: {  	[sflag:s31] =	ssyncpa.u1 $0x1  }
0x67: {  	p0 =	sne.s32 s0, $0x0;
	_ =	strace $0x9000004A  }
0x68: {  	s0 =	sadd.s32 @!p0 $0x100000, s2;
	[bflag:$0x2] =	sbarrier.arrive $0xFFFF  }
0x69: {  	[sflag:s0] =	ssyncadd.tile.s32 @!p0 $0x1;
	_ =	shalt  }
.Lfunc_end2:
_tile_overlayer_lowered:
.L_overlay_start_2:
0x6a: {  	(tag) =	ssettag $0x2  }
0x6b: {  	s0 =	rddreg [dreg:$0x0];
	s2 =	stileid.u32  }
0x6c: {  	s1 =	rddreg [dreg:$0x1];
	p0 =	sne.s32 s2, $0x0  }
0x6d: {  	s3 =	rddreg [dreg:$0x2];
	[bflag:$0x3] =	sbarrier.arrive $0xFFFF;
	s2 =	simm.s32 @!p0 $0x1C01  }
0x6e: {  	[timem:s3], [sflag:s2] =	dma.local @!p0 [hbm:s0], s1  }
0x6f: {  	s0 =	simm.s32 @!p0 $0x1  }
0x70: {  	_ =	swait.ge @!p0 [sflag:s0], s1  }
0x71: {  	s1 =	ssub.s32 @!p0 $0x0, s1;
	[sflag:s0] =	ssyncset.done @!p0 $0x0  }
0x72: {  	[sflag:s0] =	ssyncadd.s32 @!p0 s1  }
0x73: {  	[bflag:$0x3] =	sbarrier.arrive $0xFFFF  }
0x74: {  	_ =	shalt  }

// kernel: kernel.6.cloned.1.call-start
scs
__scs_entry_jumppad:
0x0: {  	(pc) =	sbr.rel $0x88, $3  }
0x1: {  	(tag) =	ssettag $0x0;
	lr =	simm.s32 $0x1  }
0x2: {  	[smem:$0x3F92] =	sst lr;
	_ =	strace $0xD0000000  }
0x3: {  	_ = 	snop  }
0x4: {  	_ = 	snop  }
0x5: {  	_ = 	snop  }
0x6: {  	_ = 	snop  }
0x7: {  	_ = 	snop  }
__scs_overlays_trampoline_lowered:
0x8: {  	[smem:$0x3FA1] =	sst s0  }
0x9: {  	[smem:$0x3FA2] =	sst s1  }
0xa: {  	[smem:$0x3FA3] =	sst s2  }
0xb: {  	[smem:$0x3FA4] =	sst s3  }
0xc: {  	[smem:$0x3FA5] =	sst s4  }
0xd: {  	[smem:$0x3FA6] =	sst s5  }
0xe: {  	[smem:$0x3FA7] =	sst s6  }
0xf: {  	[smem:$0x3FA8] =	sst s7  }
0x10: {  	[smem:$0x3FA9] =	sst s8  }
0x11: {  	[smem:$0x3FAA] =	sst s9;
	s0 =	simm.s32 @!p0 $0x0  }
0x12: {  	s1 =	sld [smem:$0x3F90];
	s0 =	simm.s32 @p0 $0x1  }
0x13: {  	[smem:$0x3FAB] =	sst s0;
	s0 =	simm.s32 @!p1 $0x0  }
0x14: {  	s2 =	sld [smem:$0x3F8F];
	s0 =	simm.s32 @p1 $0x1  }
0x15: {  	[smem:$0x3FAC] =	sst s0;
	s0 =	simm.s32 @!p2 $0x0  }
0x16: {  	s3 =	sld [smem:$0x3FDB];
	s0 =	simm.s32 @p2 $0x1  }
0x17: {  	s4 =	simm.s32 $0x1BF5;
	[smem:$0x3FAE] =	sst s0  }
0x18: {  	s0 =	sld [smem:$0x3F91];
	_ =	swait.ge [sflag:s4], $0x0  }
0x19: {  	s7 =	sld [smem:$0x3F92]  }
0x1a: {  	s8 =	sadd.s32 $0xFFFFE003, lr  }
0x1b: {  	s9 =	sadd.s32 $0xFFFFFEF7, lr;
	s5 =	simm.s32 $0xFFFFFFFF;
	p2 =	slt.u32 s8, $0xFFFFF086  }
0x1c: {  	p1 =	slt.u32 s9, $0xF7A;
	s5 =	simm.s32 @!p2 $0x0  }
0x1d: {  	s5 =	simm.s32 @p1 $0x1;
	p0 =	seq.s32 s7, s2  }
0x1e: {  	s7 =	smul.u32 @!p0 $0xF7A, s2;
	p2 =	seq.s32 @!p0 s5, $0x0  }
0x1f: {  	s9 =	smul.u32 $0xF7A, s1;
	s8 =	simm.s32 @!p0 $0x1BF5;
	p2 =	por !p2, p0  }
0x20: {  	[sflag:s8] =	ssyncset.s32 @!p0 $0xFFFFF086;
	s6 =	sadd.s32 @!p0 s3, s7;
	s7 =	simm.s32 @!p0 $0x108  }
0x21: {  	s3 =	sadd.s32 s3, s9;
	s6 =	sadd.s32 @!p0 $0x88, s6;
	s7 =	simm.s32 @p2 $0x1082  }
0x22: {  	[simem:s7], [sflag:s8] =	dma.local @!p0 [hbm:s6], $0xF7A  }
0x23: {  	s9 =	sor.u32 $0xD0000000, s2;
	s6 =	simm.s32 $0x108;
	_ =	swait.ge @!p0 [sflag:s8], $0x0  }
0x24: {  	s3 =	sadd.s32 $0x88, s3;
	s6 =	simm.s32 @!p1 $0x1082;
	[sflag:s4] =	ssyncset.s32 $0xFFFFF086  }
0x25: {  	[simem:s6], [sflag:s4] =	dma.local [hbm:s3], $0xF7A  }
0x26: {  	[smem:$0x3F92] =	sst s1;
	(tag) =	ssettag s2;
	_ =	strace s9  }
0x27: {  	s1 =	sld [smem:$0x3FA2]  }
0x28: {  	s2 =	sld [smem:$0x3FA3]  }
0x29: {  	s4 =	sld [smem:$0x3FA5]  }
0x2a: {  	p0 =	seq.s32 s5, $0x0;
	s5 =	sld [smem:$0x3FA6]  }
0x2b: {  	s6 =	sld [smem:$0x3FA7]  }
0x2c: {  	s7 =	sld [smem:$0x3FA8]  }
0x2d: {  	s3 =	simm.s32 $0x108;
	s8 =	sld [smem:$0x3FA9]  }
0x2e: {  	s3 =	simm.s32 @!p0 $0x1082;
	s9 =	sld [smem:$0x3FAA]  }
0x2f: {  	lr =	sadd.s32 s0, s3;
	s0 =	sld [smem:$0x3FA1]  }
0x30: {  	s3 =	sld [smem:$0x3FA4]  }
0x31: {  	[smem:$0x3FAD] =	sst s10  }
0x32: {  	s10 =	sld [smem:$0x3FAB];
	_ =	sdelay $0x3  }
0x33: {  	p0 =	seq.s32 s10, $0x1;
	s10 =	sld [smem:$0x3FAD];
	_ =	sdelay $0x3  }
0x34: {  	[smem:$0x3FAD] =	sst s10  }
0x35: {  	s10 =	sld [smem:$0x3FAC];
	_ =	sdelay $0x3  }
0x36: {  	p1 =	seq.s32 s10, $0x1;
	s10 =	sld [smem:$0x3FAD];
	_ =	sdelay $0x3  }
0x37: {  	[smem:$0x3FAD] =	sst s10  }
0x38: {  	s10 =	sld [smem:$0x3FAE]  }
0x39: {  	_ = 	snop;
	(pc) =	sbr.ind lr, $3  }
0x3a: {  	_ = 	snop  }
0x3b: {  	_ = 	snop  }
0x3c: {  	p2 =	seq.s32 s10, $0x1;
	s10 =	sld [smem:$0x3FAD]  }
0x3d: {  	_ =	shalt  }
0x3e: {  	_ =	shalt  }
0x3f: {  	_ =	shalt  }
0x40: {  	_ =	shalt  }
0x41: {  	_ =	shalt  }
0x42: {  	_ =	shalt  }
0x43: {  	_ =	shalt  }
0x44: {  	_ =	shalt  }
0x45: {  	_ =	shalt  }
0x46: {  	_ =	shalt  }
0x47: {  	_ =	shalt  }
0x48: {  	_ =	shalt  }
0x49: {  	_ =	shalt  }
0x4a: {  	_ =	shalt  }
0x4b: {  	_ =	shalt  }
0x4c: {  	_ =	shalt  }
0x4d: {  	_ =	shalt  }
0x4e: {  	_ =	shalt  }
0x4f: {  	_ =	shalt  }
0x50: {  	_ =	shalt  }
0x51: {  	_ =	shalt  }
0x52: {  	_ =	shalt  }
0x53: {  	_ =	shalt  }
0x54: {  	_ =	shalt  }
0x55: {  	_ =	shalt  }
0x56: {  	_ =	shalt  }
0x57: {  	_ =	shalt  }
0x58: {  	_ =	shalt  }
0x59: {  	_ =	shalt  }
0x5a: {  	_ =	shalt  }
0x5b: {  	_ =	shalt  }
0x5c: {  	_ =	shalt  }
0x5d: {  	_ =	shalt  }
0x5e: {  	_ =	shalt  }
0x5f: {  	_ =	shalt  }
0x60: {  	_ =	shalt  }
0x61: {  	_ =	shalt  }
0x62: {  	_ =	shalt  }
0x63: {  	_ =	shalt  }
0x64: {  	_ =	shalt  }
0x65: {  	_ =	shalt  }
0x66: {  	_ =	shalt  }
0x67: {  	_ =	shalt  }
0x68: {  	_ =	shalt  }
0x69: {  	_ =	shalt  }
0x6a: {  	_ =	shalt  }
0x6b: {  	_ =	shalt  }
0x6c: {  	_ =	shalt  }
0x6d: {  	_ =	shalt  }
0x6e: {  	_ =	shalt  }
0x6f: {  	_ =	shalt  }
0x70: {  	_ =	shalt  }
0x71: {  	_ =	shalt  }
0x72: {  	_ =	shalt  }
0x73: {  	_ =	shalt  }
0x74: {  	_ =	shalt  }
0x75: {  	_ =	shalt  }
0x76: {  	_ =	shalt  }
0x77: {  	_ =	shalt  }
0x78: {  	_ =	shalt  }
0x79: {  	_ =	shalt  }
0x7a: {  	_ =	shalt  }
0x7b: {  	_ =	shalt  }
0x7c: {  	_ =	shalt  }
0x7d: {  	_ =	shalt  }
0x7e: {  	_ =	shalt  }
0x7f: {  	_ =	shalt  }
0x80: {  	_ =	shalt  }
0x81: {  	_ =	shalt  }
0x82: {  	_ =	shalt  }
0x83: {  	_ =	shalt  }
0x84: {  	_ =	shalt  }
0x85: {  	_ =	shalt  }
0x86: {  	_ =	shalt  }
0x87: {  	_ =	shalt  }
.Lfunc_end0:
.L_simem_size_0:
called_computation.1_lowered:
.L_overlay_start_0:
0x88: {  	s2 =	sld [smem:$0x3FD9]  }
0x89: {  	s3 =	sld [smem:$0x3FFE];
	_ =	sdelay $0x1  }
0x8a: {  	s1 =	srdreg.scid  }
0x8b: {  	s0 =	sand.u32 $0x1, s1  }
0x8c: {  	s17 =	sshll.u32 s0, $0xA;
	s2 =	sadd.s32 s3, s2  }
0x8d: {  	s2 =	sadd.s32 s2, s17  }
0x8e: {  	[smem:$0x3FB9] =	sst s2  }
0x8f: {  	_ = 	snop  }
0x90: {  	s2 =	sld [smem:$0x3FD0];
	(tm) =	ssettm $0x1  }
0x91: {  	s18 =	sld [smem:$0x3FFB];
	_ =	sdelay $0x3  }
0x92: {  	_ =	strace s18  }
0x93: {  	s3 =	sld [smem:$0x3FFC];
	_ =	sdelay $0x3  }
0x94: {  	_ =	strace s3  }
0x95: {  	s3 =	sld [smem:$0x3FFD];
	_ =	sdelay $0x3  }
0x96: {  	_ =	strace s3  }
0x97: {  	_ =	strace $0x8FFFFFFF  }
0x98: {  	s19 =	sld [smem:$0x3FDB];
	_ =	sdelay $0x1  }
0x99: {  	s4 =	simm.s32 $_scs_section_size  }
0x9a: {  	s5 =	simm.s32 $_size__tile_overlayer_lowered;
	s6 =	simm.s32 $_tile_overlayer_lowered  }
0x9b: {  	s22 =	simm.s32 $0x1BFF;
	s21 =	sshll.u32 s6, $0x1;
	s3 =	sadd.s32 s4, s19  }
0x9c: {  	s7 =	simm.s32 $0x0;
	s20 =	sshll.u32 s5, $0x1;
	s5 =	sadd.s32 s21, s3  }
0x9d: {  	[timem:s7], [sflag:s22] =	dma.local [hbm:s5], s20  }
0x9e: {  	_ =	swait.ge [sflag:s22], s20  }
0x9f: {  	s4 =	ssub.s32 $0x0, s20;
	[sflag:s22] =	ssyncset.done $0x0  }
0xa0: {  	[sflag:s22] =	ssyncadd.s32 s4;
	_ =	sdelay $0x1  }
0xa1: {  	s23 =	simm.s32 $0x1B8B  }
0xa2: {  	_ =	swait.ge [sflag:s23], $0x1  }
0xa3: {  	[sflag:s23] =	ssyncset.done $0x0  }
0xa4: {  	s25 =	simm.s32 $0x1B8E;
	s24 =	sld [smem:$0x3FFE];
	[sflag:s23] =	ssyncadd.s32 $0xFFFFFFFF  }
0xa5: {  	s26 =	simm.s32 $execute0_lowered;
	[smem:$0x3FD2] =	sst s25  }
0xa6: {  	s5 =	sshll.u32 s26, $0x1;
	_ =	strace $0x80000046;
	[dreg:$0x1] =	wrdreg $0xFFFFFFFF  }
0xa7: {  	s28 =	simm.s32 $_size_execute0_lowered;
	s3 =	sadd.s32 s3, s5;
	[dreg:$0x0] =	wrdreg $0x0  }
0xa8: {  	s5 =	sshll.u32 s28, $0x1;
	[dreg:$0x2] =	wrdreg s3  }
0xa9: {  	[dreg:$0x3] =	wrdreg s5  }
0xaa: {  	[dreg:$0x4] =	wrdreg $0xC0  }
0xab: {  	_ =	task [dreg:s7], $0x5FFFF  }
0xac: {  	[dreg:$0x1] =	wrdreg $0xFFFFFFFF  }
0xad: {  	[dreg:$0x0] =	wrdreg $0x60  }
0xae: {  	[dreg:$0x2] =	wrdreg s24  }
0xaf: {  	[dreg:$0x3] =	wrdreg s2  }
0xb0: {  	[dreg:$0x4] =	wrdreg $0x3C000  }
0xb1: {  	[dreg:$0x5] =	wrdreg $0x9  }
0xb2: {  	_ =	task.clear_ibuf [dreg:s7], $0x6FFFF;
	_ =	strace $0x90000046  }
0xb3: {  	s29 =	simm.s32 $0x9;
	_ =	strace $0x80000048  }
0xb4: {  	_ =	swait.ge [sflag:s29], $0x1  }
0xb5: {  	[sflag:s29] =	ssyncadd.s32 $0xFFFFFFFF  }
0xb6: {  	_ =	strace $0x90000048  }
0xb7: {  	_ =	sfence  }
0xb8: {  	s30 =	sld [smem:$0x0];
	_ =	sdelay $0x2  }
0xb9: {  	s31 =	sshll.u32 s1, $0xD;
	s1 =	sshrl.u32 s1, $0x2  }
0xba: {  	s3 =	sand.u32 $0x4000, s31;
	s1 =	sadd.s32 s1, s30  }
0xbb: {  	s0 =	sor.u32 s3, s0;
	s1 =	sshll.u32 s1, $0x11  }
0xbc: {  	s0 =	sor.u32 s1, s0  }
0xbd: {  	s0 =	sadd.s32 $0x8F2B, s0  }
0xbe: {  	[sflag:s0] =	ssyncadd.remote.s32 $0x1  }
0xbf: {  	_ =	sfence.sel $0xFFFF  }
0xc0: {  	[dreg:$0x0] =	wrdreg $0xFFFFFFFF;
	(pc) =	sbr.abs _section_cstart, $3  }
0xc1: {  	[dreg:$0x1] =	wrdreg $0xFFFFFFFF  }
0xc2: {  	_ =	task.clear_ibuf [dreg:s7], $0x2FFFF;
	_ =	strace $0x9FFFFFFF  }
0xc3: {  	(tm) =	ssettm $0x7FFFFFFF  }
tec
execute0_lowered:
.L_overlay_start_1:
0x0: {  	(tag) =	ssettag $0x1  }
0x1: {  	s1 =	srdreg.scid  }
0x2: {  	s0 =	stileid.u32;
	s13 =	sand.u32 $0x1, s1  }
0x3: {  	s21 =	sand.u32 $0x8, s0;
	s2 =	sshll.u32 s13, $0x4  }
0x4: {  	s22 =	sor.u32 s0, s2;
	s4 =	sor.u32 s21, s2  }
0x5: {  	s8 =	rddreg [dreg:$0x0];
	p0 =	seq.s32 s4, $0x0;
	p1 =	sne.s32 s22, $0x0  }
0x6: {  	s9 =	rddreg [dreg:$0x1];
	s3 =	simm.s32 $0x0;
	p1 =	por !p0, !p1  }
0x7: {  	[smem:$0x7FF] =	sst s3;
	p6 =	sgt.u32 s22, $0x1;
	s1 =	simm.s32 @!p1 $0x0  }
0x8: {  	s5 =	sadd.s32 $0x6C800, s8;
	s1 =	simm.s32 @p1 $0x1;
	p1 =	por !p0, !p6  }
0x9: {  	p2 =	sgt.u32 s22, $0x2;
	[smem:$0x7D3] =	sst s1;
	s1 =	simm.s32 @!p1 $0x0  }
0xa: {  	s6 =	sadd.s32 $0x6D000, s8;
	s1 =	simm.s32 @p1 $0x1;
	p1 =	por !p0, !p2  }
0xb: {  	p2 =	sgt.u32 s22, $0x3;
	[smem:$0x7D5] =	sst s1;
	s1 =	simm.s32 @!p1 $0x0  }
0xc: {  	s14 =	sshrl.u32 s0, $0x3;
	s1 =	simm.s32 @p1 $0x1;
	p1 =	por !p0, !p2  }
0xd: {  	p3 =	sgt.u32 s22, $0x4;
	[smem:$0x7D7] =	sst s1;
	s1 =	simm.s32 @!p1 $0x0  }
0xe: {  	s7 =	sand.u32 $0x7, s0;
	s1 =	simm.s32 @p1 $0x1;
	p1 =	por !p0, !p3  }
0xf: {  	p4 =	sgt.u32 s22, $0x5;
	[smem:$0x7D9] =	sst s1;
	s1 =	simm.s32 @!p1 $0x0  }
0x10: {  	s10 =	sshll.u32 s13, $0x1;
	s1 =	simm.s32 @p1 $0x1;
	p1 =	por !p0, !p4  }
0x11: {  	p5 =	sgt.u32 s22, $0x6;
	[smem:$0x7DB] =	sst s1;
	s1 =	simm.s32 @!p1 $0x0  }
0x12: {  	s11 =	ssub.s32 $0x2, s13;
	s1 =	simm.s32 @p1 $0x1;
	p1 =	por !p0, !p5  }
0x13: {  	p6 =	sgt.u32 s22, $0x7;
	[smem:$0x7DD] =	sst s1;
	s1 =	simm.s32 @!p1 $0x0  }
0x14: {  	p3 =	slt.u32 s4, $0x9;
	p0 =	por !p0, !p6;
	s1 =	simm.s32 @p1 $0x1  }
0x15: {  	p4 =	sgt.u32 s22, $0x8;
	[smem:$0x7DF] =	sst s1;
	s1 =	simm.s32 @!p0 $0x0  }
0x16: {  	p2 =	sgt.u32 s22, $0x9;
	s1 =	simm.s32 @p0 $0x1;
	p0 =	por !p3, !p4  }
0x17: {  	p1 =	slt.u32 s4, $0xA;
	[smem:$0x7E1] =	sst s1;
	s1 =	simm.s32 @!p0 $0x0  }
0x18: {  	p3 =	slt.u32 s4, $0xB;
	s1 =	simm.s32 @p0 $0x1;
	p0 =	por !p1, !p2  }
0x19: {  	p4 =	sgt.u32 s22, $0xA;
	[smem:$0x7E3] =	sst s1;
	s1 =	simm.s32 @!p0 $0x0  }
0x1a: {  	p6 =	slt.u32 s4, $0xC;
	s1 =	simm.s32 @p0 $0x1;
	p0 =	por !p3, !p4  }
0x1b: {  	p5 =	sgt.u32 s22, $0xB;
	[smem:$0x7E5] =	sst s1;
	s1 =	simm.s32 @!p0 $0x0  }
0x1c: {  	p1 =	slt.u32 s4, $0xD;
	s1 =	simm.s32 @p0 $0x1;
	p0 =	por !p6, !p5  }
0x1d: {  	p2 =	sgt.u32 s22, $0xC;
	[smem:$0x7E7] =	sst s1;
	s1 =	simm.s32 @!p0 $0x0  }
0x1e: {  	p3 =	slt.u32 s4, $0xE;
	s1 =	simm.s32 @p0 $0x1;
	p0 =	por !p1, !p2  }
0x1f: {  	p4 =	sgt.u32 s22, $0xD;
	[smem:$0x7E9] =	sst s1;
	s1 =	simm.s32 @!p0 $0x0  }
0x20: {  	p5 =	slt.u32 s4, $0xF;
	s1 =	simm.s32 @p0 $0x1;
	p0 =	por !p3, !p4  }
0x21: {  	p6 =	sgt.u32 s22, $0xE;
	[smem:$0x7EB] =	sst s1;
	s1 =	simm.s32 @!p0 $0x0  }
0x22: {  	p1 =	slt.u32 s4, $0x11;
	s1 =	simm.s32 @p0 $0x1;
	p0 =	por !p5, !p6  }
0x23: {  	p2 =	sgt.u32 s22, $0x10;
	[smem:$0x7ED] =	sst s1;
	s1 =	simm.s32 @!p0 $0x0  }
0x24: {  	p3 =	slt.u32 s4, $0x12;
	s1 =	simm.s32 @p0 $0x1;
	p0 =	por !p1, !p2  }
0x25: {  	p4 =	sgt.u32 s22, $0x11;
	[smem:$0x7EF] =	sst s1;
	s1 =	simm.s32 @!p0 $0x0  }
0x26: {  	p5 =	slt.u32 s4, $0x13;
	s1 =	simm.s32 @p0 $0x1;
	p0 =	por !p3, !p4  }
0x27: {  	p6 =	sgt.u32 s22, $0x12;
	[smem:$0x7F1] =	sst s1;
	s1 =	simm.s32 @!p0 $0x0  }
0x28: {  	s2 =	rddreg [dreg:$0x2];
	s1 =	simm.s32 @p0 $0x1;
	p0 =	por !p5, !p6  }
0x29: {  	s12 =	sshll.u32 s7, $0x1;
	[smem:$0x7F3] =	sst s1;
	s1 =	simm.s32 @!p0 $0x0  }
0x2a: {  	s10 =	sor.u32 s14, s10;
	s15 =	sshrl.u32 s11, $0x1;
	s1 =	simm.s32 @p0 $0x1  }
0x2b: {  	s12 =	sadd.s32 s12, s8;
	s14 =	sshll.u32 s14, $0xC;
	[smem:$0x7F5] =	sst s1  }
0x2c: {  	s16 =	sshll.u32 s10, $0x4;
	s1 =	rddreg [dreg:$0x3];
	_ =	strace $0x80000047  }
0x2d: {  	s15 =	ssub.s32 s11, s15;
	s24 =	sshll.u32 s22, $0x7;
	s25 =	sld [smem:$0x7D3]  }
0x2e: {  	s10 =	smul.u32 $0x50, s10;
	s23 =	sadd.s32 s16, s12;
	s26 =	sld [smem:$0x7D5]  }
0x2f: {  	s12 =	sadd.s32 s24, s2;
	s11 =	sadd.s32 $0x6D800, s23;
	s28 =	sld [smem:$0x7D7]  }
0x30: {  	p1 =	slt.u32 s4, $0x14;
	p2 =	sgt.u32 s22, $0x13;
	s29 =	sld [smem:$0x7D9]  }
0x31: {  	p3 =	slt.u32 s4, $0x15;
	p4 =	sgt.u32 s22, $0x14;
	s30 =	sld [smem:$0x7DB]  }
0x32: {  	p4 =	por !p3, !p4;
	p3 =	slt.u32 s4, $0x17;
	s31 =	sld [smem:$0x7DD]  }
0x33: {  	p6 =	por !p1, !p2;
	p5 =	sgt.u32 s22, $0x15;
	s17 =	sld [smem:$0x7DF]  }
0x34: {  	p1 =	sgt.u32 s22, $0x16;
	p2 =	sne.s32 s4, $0x18;
	s18 =	sld [smem:$0x7E1]  }
0x35: {  	p1 =	por !p3, !p1;
	p0 =	slt.u32 s4, $0x16;
	s19 =	sld [smem:$0x7E3]  }
0x36: {  	s4 =	sadd.s32 $0x3800, s8;
	s8 =	sadd.s32 s9, s16;
	s20 =	sld [smem:$0x7E5]  }
0x37: {  	s9 =	smul.u32 $0xA, s7;
	p5 =	por !p0, !p5;
	s21 =	sld [smem:$0x7E7]  }
0x38: {  	p0 =	sgt.u32 s22, $0x17;
	s23 =	sld [smem:$0x7E9];
	p3 =	seq.s32 s25, $0x1  }
0x39: {  	p0 =	por !p2, !p0;
	s24 =	sld [smem:$0x7EB];
	p2 =	por !p3, !p3  }
0x3a: {  	s25 =	sld [smem:$0x7ED];
	p3 =	seq.s32 s26, $0x1;
	s16 =	simm.s32 @!p2 $0x0  }
0x3b: {  	s26 =	sld [smem:$0x7EF];
	s16 =	simm.s32 @p2 $0x1;
	p2 =	por !p3, !p3  }
0x3c: {  	p3 =	seq.s32 s28, $0x1;
	[smem:$0x7D4] =	sst s16;
	s16 =	simm.s32 @!p2 $0x0  }
0x3d: {  	s28 =	sld [smem:$0x7F1];
	s16 =	simm.s32 @p2 $0x1;
	p2 =	por !p3, !p3  }
0x3e: {  	p1 =	por !p1, !p1;
	[smem:$0x7D6] =	sst s16;
	s16 =	simm.s32 @!p2 $0x0  }
0x3f: {  	p3 =	seq.s32 s29, $0x1;
	s29 =	sld [smem:$0x7F3];
	s16 =	simm.s32 @p2 $0x1  }
0x40: {  	p2 =	por !p3, !p3;
	p3 =	seq.s32 s30, $0x1;
	s30 =	sld [smem:$0x7F5]  }
0x41: {  	p0 =	por !p0, !p0;
	[smem:$0x7D8] =	sst s16;
	s16 =	simm.s32 @!p2 $0x0  }
0x42: {  	s16 =	simm.s32 @p2 $0x1;
	p2 =	por !p3, !p3;
	p3 =	seq.s32 s31, $0x1  }
0x43: {  	s31 =	sshll.u32 s13, $0xD;
	[smem:$0x7DA] =	sst s16;
	s16 =	simm.s32 @!p2 $0x0  }
0x44: {  	s13 =	simm.s32 @!p0 $0x0;
	s16 =	simm.s32 @p2 $0x1;
	p2 =	por !p3, !p3  }
0x45: {  	p3 =	seq.s32 s17, $0x1;
	[smem:$0x7DC] =	sst s16;
	s16 =	simm.s32 @!p2 $0x0  }
0x46: {  	s13 =	simm.s32 @p0 $0x1;
	s16 =	simm.s32 @p2 $0x1;
	p2 =	por !p3, !p3  }
0x47: {  	p3 =	seq.s32 s18, $0x1;
	[smem:$0x7DE] =	sst s16;
	s16 =	simm.s32 @!p2 $0x0  }
0x48: {  	s14 =	sor.u32 s14, s31;
	s16 =	simm.s32 @p2 $0x1;
	p2 =	por !p3, !p3  }
0x49: {  	p3 =	seq.s32 s19, $0x1;
	[smem:$0x7E0] =	sst s16;
	s16 =	simm.s32 @!p2 $0x0  }
0x4a: {  	p0 =	sgt.u32 s22, $0x18;
	s16 =	simm.s32 @p2 $0x1;
	p2 =	por !p3, !p3  }
0x4b: {  	p3 =	seq.s32 s20, $0x1;
	[smem:$0x7E2] =	sst s16;
	s16 =	simm.s32 @!p2 $0x0  }
0x4c: {  	[smem:$0x7FB] =	sst s13;
	s16 =	simm.s32 @p2 $0x1;
	p2 =	por !p3, !p3  }
0x4d: {  	p3 =	seq.s32 s21, $0x1;
	[smem:$0x7E4] =	sst s16;
	s16 =	simm.s32 @!p2 $0x0  }
0x4e: {  	s13 =	smax.u32 s15, $0x1;
	s16 =	simm.s32 @p2 $0x1;
	p2 =	por !p3, !p3  }
0x4f: {  	p3 =	seq.s32 s23, $0x1;
	[smem:$0x7E6] =	sst s16;
	s16 =	simm.s32 @!p2 $0x0  }
0x50: {  	s14 =	sor.u32 $0x80000000, s14;
	s16 =	simm.s32 @p2 $0x1;
	p2 =	por !p3, !p3  }
0x51: {  	p3 =	seq.s32 s24, $0x1;
	[smem:$0x7E8] =	sst s16;
	s16 =	simm.s32 @!p2 $0x0  }
0x52: {  	s15 =	simm.s32 $0x2A00;
	s16 =	simm.s32 @p2 $0x1;
	p2 =	por !p3, !p3  }
0x53: {  	p3 =	seq.s32 s25, $0x1;
	[smem:$0x7EA] =	sst s16;
	s16 =	simm.s32 @!p2 $0x0  }
0x54: {  	s17 =	simm.s32 $0x2A80;
	s16 =	simm.s32 @p2 $0x1;
	p2 =	por !p3, !p3  }
0x55: {  	p3 =	seq.s32 s26, $0x1;
	[smem:$0x7EC] =	sst s16;
	s16 =	simm.s32 @!p2 $0x0  }
0x56: {  	s18 =	simm.s32 $0x3300;
	s16 =	simm.s32 @p2 $0x1;
	p2 =	por !p3, !p3  }
0x57: {  	p3 =	seq.s32 s28, $0x1;
	[smem:$0x7EE] =	sst s16;
	s16 =	simm.s32 @!p2 $0x0  }
0x58: {  	s19 =	simm.s32 $0x3B80;
	s16 =	simm.s32 @p2 $0x1;
	p2 =	por !p3, !p3  }
0x59: {  	p3 =	seq.s32 s29, $0x1;
	[smem:$0x7F0] =	sst s16;
	s16 =	simm.s32 @!p2 $0x0  }
0x5a: {  	s20 =	simm.s32 $0x3C20;
	s16 =	simm.s32 @p2 $0x1;
	p2 =	por !p3, !p3  }
0x5b: {  	p3 =	seq.s32 s30, $0x1;
	[smem:$0x7F2] =	sst s16;
	s16 =	simm.s32 @!p2 $0x0  }
0x5c: {  	s21 =	simm.s32 $0x0;
	s16 =	simm.s32 @p2 $0x1;
	p2 =	por !p3, !p3  }
0x5d: {  	s23 =	simm.s32 @!p0 $0x0;
	[smem:$0x7F4] =	sst s16;
	s16 =	simm.s32 @!p2 $0x0  }
0x5e: {  	s23 =	simm.s32 @p0 $0x1;
	s16 =	simm.s32 @p2 $0x1;
	p2 =	por !p6, !p6  }
0x5f: {  	p0 =	sgt.u32 s22, $0x19;
	[smem:$0x7F6] =	sst s16;
	s16 =	simm.s32 @!p2 $0x0  }
0x60: {  	[smem:$0x7FC] =	sst s23;
	s16 =	simm.s32 @p2 $0x1;
	p2 =	por !p4, !p4  }
0x61: {  	s23 =	simm.s32 @!p0 $0x0;
	[smem:$0x7F7] =	sst s16;
	s16 =	simm.s32 @!p2 $0x0  }
0x62: {  	s23 =	simm.s32 @p0 $0x1;
	s16 =	simm.s32 @p2 $0x1;
	p2 =	por !p5, !p5  }
.Ltmp0:
0x63: {  	[smem:$0x7F8] =	sst s16;
	s16 =	simm.s32 @!p2 $0x0;
	(pc) =	sbr.rel .LBB2_1-.Ltmp0, $4  }
0x64: {  	p0 =	sgt.u32 s22, $0x1D;
	[smem:$0x7FD] =	sst s23;
	s16 =	simm.s32 @p2 $0x1  }
0x65: {  	p6 =	sgt.u32 s22, $0x1C;
	[smem:$0x7F9] =	sst s16;
	s16 =	simm.s32 @!p1 $0x0  }
0x66: {  	v0 =	vlaneseq.u32;
	v4 =	vimm.f32 $0.0e+00;
	v5 =	vimm.s32 $0x400000;
	p4 =	sgt.u32 s22, $0x1A;
	p5 =	sgt.u32 s22, $0x1B;
	s16 =	simm.s32 @p1 $0x1  }
0x67: {  	v1 =	vor.u32 $0x80000010, v0;
	v2 =	vor.u32 $0x80000000, v0;
	v3 =	vmul.u32 $0x50, v0;
	p1 =	seq.s32 s22, $0x1F;
	[smem:$0x7FA] =	sst s16;
	s16 =	simm.s32 $0x1  }
.LBB2_9:
0x68: {  	s22 =	sadd.s32 s5, s25;
	[sflag:s16] =	ssyncadd.s32 @p2 $0xFFFFFF80  }
0x69: {  	[hbm4b:s22+s3] =	stream.linear.scatter [tilespmem:s24], [sflag:$0x1], $0x80, $0x38;
	[tilespmem:$0x4C20] =	vst v63  }
0x6a: {  	_ =	swait.ge [sflag:s16], $0x80  }
0x6b: {  	[sflag:s16] =	ssyncset.done $0x0  }
0x6c: {  	s31 =	sadd.s32 s6, s25;
	[sflag:s16] =	ssyncadd.s32 $0xFFFFFF80  }
0x6d: {  	[hbm4b:s31+s3] =	stream.linear.scatter [tilespmem:s23], [sflag:$0x1], $0x80, $0x38;
	[tilespmem:$0x4C20] =	vst v63  }
0x6e: {  	_ =	swait.ge [sflag:s16], $0x80  }
0x6f: {  	[sflag:s16] =	ssyncset.done $0x0  }
0x70: {  	[sflag:s16] =	ssyncadd.s32 $0xFFFFFF80  }
0x71: {  	[bflag:$0x0] =	sbarrier.arrive $0xFFFF  }
0x72: {  	[bflag:$0x0] =	sbarrier.arrive $0xFFFF  }
0x73: {  	[bflag:$0x0] =	sbarrier.arrive $0xFFFF  }
0x74: {  	[bflag:$0x0] =	sbarrier.arrive $0xFFFF  }
0x75: {  	[bflag:$0x0] =	sbarrier.arrive $0xFFFF  }
0x76: {  	[bflag:$0x0] =	sbarrier.arrive $0xFFFF  }
0x77: {  	[bflag:$0x0] =	sbarrier.arrive $0xFFFF  }
.LBB2_45:
0x78: {  	s21 =	sadd.s32 $0x1, s21  }
0x79: {  	p2 =	sne.s32 s21, s13  }
.Ltmp1:
0x7a: {  	_ = 	snop;
	(pc) =	sbr.rel @!p2 .LBB2_46-.Ltmp1, $2  }
0x7b: {  	_ =	sdelay $0x1  }
0x7c: {  	[bflag:$0x0] =	sbarrier.arrive $0xFFFF;
	_ =	sdelay $0x1  }
.LBB2_1:
0x7d: {  	[tilespmem:s15], [sflag:$0x1] =	stream.linear.gather [hbm4b:s8+s3], $0x80, $0x38;
	[tilespmem:$0x4C20] =	vst v63  }
0x7e: {  	_ =	swait.ge [sflag:s16], $0x80  }
0x7f: {  	[sflag:s16] =	ssyncset.done $0x0  }
0x80: {  	[sflag:s16] =	ssyncadd.s32 $0xFFFFFF80  }
0x81: {  	s24 =	simm.s32 $0x0;
	s22 =	simm.s32 $0x0;
	v6 =	vld [tilespmem:$0x2A00]  }
.LBB2_2:
0x82: {  	s23 =	sadd.s32 s9, s22  }
0x83: {  	s25 =	sadd.s32 s10, s23  }
0x84: {  	s25 =	smul.u32 $0x540, s25;
	_ =	sdelay $0x1  }
0x85: {  	s26 =	simm.s32 $0x0;
	s25 =	sadd.s32 s4, s25  }
0x86: {  	[tilespmem:s26], [sflag:$0x1] =	stream.linear.gather [hbm4b:s25+s26], $0x2A00, $0x38;
	[tilespmem:$0x4C20] =	vst v63  }
0x87: {  	_ =	swait.ge [sflag:s16], $0x2A00  }
0x88: {  	[sflag:s16] =	ssyncset.done $0x0  }
0x89: {  	[sflag:s16] =	ssyncadd.s32 $0xFFFFD600  }
0x8a: {  	v8 =	vld [tilespmem:s26+$0x0]  }
0x8b: {  	v7 =	vmov s26  }
0x8c: {  	v9 =	vmul.u32 $0x50, v7  }
0x8d: {  	v7 =	vmov s23  }
0x8e: {  	v9 =	vadd.s32 v7, v9  }
0x8f: {  	v9 =	vbroadcast v9, $0x0;
	vm0 =	vgt.f32 v8, v6  }
0x90: {  	v10 =	vsel vm0, v2, v1;
	v11 =	vmpcnt.ones.xlane vm0  }
0x91: {  	v9 =	vadd.s32 v3, v9;
	(xrf1) =	vsort.ascd.msk.u32 $0xffff, v10, v8  }
0x92: {  	v8 =	vxor.u32 $0x80000000, v11;
	(xrf1) =	vsort.ascd.msk.u32 $0xffff, v10, v9  }
0x93: {  	(xrf0) =	vmax.scan.msk.u32 $0xffff, v8;
	_ =	sdelay $0x5  }
0x94: {  	p2 =	slt.s32 s24, $0x800;
	s23 =	smov.u32 s24;
	v8, _, _ =	vpop (xrf0)  }
0x95: {  	s23 =	simm.s32 @!p2 $0x800;
	vm0 =	vgt.s32 v11, v0;
	(v2sf) =	vpush v8, $0xF  }
0x96: {  	v8 =	vadd.s32 s23, v0;
	_ =	sdelay $0x3  }
0x97: {  	_, v9, _ =	vpop (xrf1)  }
0x98: {  	[tilespmem:v8+s17+$0x0] =	vst.idx.msk vm0, v9;
	_, v9, _ =	vpop (xrf1)  }
0x99: {  	s23 =	simm.s32 $0x10;
	[tilespmem:v8+s18+$0x0] =	vst.idx.msk vm0, v9  }
0x9a: {  	v9 =	vld [tilespmem:s23+$0x0]  }
0x9b: {  	v8 =	vmov s23  }
0x9c: {  	v8 =	vmul.u32 $0x50, v8;
	_ =	sdelay $0x1  }
0x9d: {  	v8 =	vadd.s32 v7, v8  }
0x9e: {  	v10 =	vbroadcast v8, $0x0;
	vm15 =	vgt.f32 v9, v6  }
0x9f: {  	v11 =	vsel vm15, v2, v1;
	v8 =	vmpcnt.ones.xlane vm15  }
0xa0: {  	v10 =	vadd.s32 v3, v10;
	(xrf1) =	vsort.ascd.msk.u32 $0xffff, v11, v9;
	s31 =	spop (v2sf)  }
0xa1: {  	s25 =	simm.s32 $0x20;
	v9 =	vxor.u32 $0x80000000, v8;
	(xrf1) =	vsort.ascd.msk.u32 $0xffff, v11, v10;
	s24 =	sadd.s32 s31, s24  }
.LBB2_3:
0xa2: {  	p2 =	sne.s32 s25, $0x29F0  }
0xa3: {  	(xrf0) =	vmax.scan.msk.u32 $0xffff, v9;
	s24 =	sadd.s32 $0x80000000, s24;
	s26 =	smov.u32 s25;
	s25 =	sadd.s32 $0x10, s25  }
0xa4: {  	p3 =	slt.s32 s24, $0x800;
	s28 =	smov.u32 s24  }
0xa5: {  	s28 =	simm.s32 @!p3 $0x800;
	_ =	sdelay $0x3  }
0xa6: {  	v9, _, _ =	vpop (xrf0)  }
0xa7: {  	vm0 =	vgt.s32 v8, v0;
	(v2sf) =	vpush v9, $0xF  }
0xa8: {  	v8 =	vadd.s32 s28, v0;
	_ =	sdelay $0x3  }
0xa9: {  	_, v9, _ =	vpop (xrf1)  }
0xaa: {  	[tilespmem:v8+s17+$0x0] =	vst.idx.msk vm0, v9;
	_, v9, _ =	vpop (xrf1)  }
0xab: {  	s23 =	sadd.s32 $0x10, s23;
	[tilespmem:v8+s18+$0x0] =	vst.idx.msk vm0, v9  }
0xac: {  	v9 =	vld [tilespmem:s23+$0x0]  }
0xad: {  	v8 =	vmov s26  }
0xae: {  	v8 =	vmul.u32 $0x50, v8;
	_ =	sdelay $0x1  }
.Ltmp2:
0xaf: {  	v8 =	vadd.s32 v7, v8;
	(pc) =	sbr.rel @p2 .LBB2_3-.Ltmp2, $4  }
0xb0: {  	v10 =	vbroadcast v8, $0x0;
	vm0 =	vgt.f32 v9, v6  }
0xb1: {  	v11 =	vsel vm0, v2, v1;
	v8 =	vmpcnt.ones.xlane vm0  }
0xb2: {  	v10 =	vadd.s32 v3, v10;
	(xrf1) =	vsort.ascd.msk.u32 $0xffff, v11, v9;
	s26 =	spop (v2sf)  }
0xb3: {  	v9 =	vxor.u32 $0x80000000, v8;
	(xrf1) =	vsort.ascd.msk.u32 $0xffff, v11, v10;
	s24 =	sadd.s32 s26, s24  }
0xb4: {  	(xrf0) =	vmax.scan.msk.u32 $0xffff, v9;
	_ =	sdelay $0x5  }
0xb5: {  	v7, _, _ =	vpop (xrf0)  }
0xb6: {  	(v2sf) =	vpush v7, $0xF;
	_ =	sdelay $0x7  }
0xb7: {  	s23 =	sadd.s32 $0x80000000, s24  }
0xb8: {  	p2 =	slt.s32 s23, $0x800;
	s24 =	smov.u32 s23  }
0xb9: {  	vm0 =	vgt.s32 v8, v0;
	s24 =	simm.s32 @!p2 $0x800  }
0xba: {  	s22 =	sadd.s32 $0x1, s22;
	v7 =	vadd.s32 s24, v0  }
0xbb: {  	p2 =	sne.s32 s22, $0xA  }
.Ltmp3:
0xbc: {  	_ = 	snop;
	(pc) =	sbr.rel @p2 .LBB2_2-.Ltmp3, $4  }
0xbd: {  	_ = 	snop  }
0xbe: {  	_, v8, _ =	vpop (xrf1);
	s31 =	spop (v2sf)  }
0xbf: {  	[tilespmem:v7+s17+$0x0] =	vst.idx.msk vm0, v8;
	_, v8, _ =	vpop (xrf1);
	s23 =	sadd.s32 s31, s23  }
0xc0: {  	[tilespmem:v7+s18+$0x0] =	vst.idx.msk vm0, v8;
	s24 =	sadd.s32 $0x80000000, s23  }
0xc1: {  	p2 =	slt.s32 s24, $0x800  }
0xc2: {  	s24 =	simm.s32 @!p2 $0x800  }
0xc3: {  	s22 =	sadd.s32 $0x7, s24  }
0xc4: {  	s22 =	sand.u32 $0xFFFFFFF8, s22  }
0xc5: {  	s23 =	ssub.s32 s22, s24  }
0xc6: {  	v6 =	vmov s23  }
0xc7: {  	vm0 =	vgt.s32 v6, v0  }
0xc8: {  	v6 =	vadd.s32 s24, v0;
	_ =	sdelay $0x4  }
0xc9: {  	[tilespmem:v6+s17+$0x0] =	vst.idx.msk vm0, v4  }
0xca: {  	[tilespmem:v6+s18+$0x0] =	vst.idx.msk vm0, v5;
	v6 =	vmov s22  }
0xcb: {  	[tilespmem:$0x3B80] =	vst v6  }
0xcc: {  	[hbm4b:s11+s3] =	stream.linear.scatter [tilespmem:s19], [sflag:$0x1], $0x10, $0x38;
	[tilespmem:$0x4C20] =	vst v63  }
0xcd: {  	_ =	swait.ge [sflag:s16], $0x10  }
0xce: {  	[sflag:s16] =	ssyncset.done $0x0  }
0xcf: {  	[sflag:s16] =	ssyncadd.s32 $0xFFFFFFF0  }
0xd0: {  	[spmem:s12] =	stream.linear.scatter [tilespmem:s19], [sflag:$0x1], $0x80, $0x38;
	[tilespmem:$0x4C20] =	vst v63  }
0xd1: {  	_ =	swait.ge [sflag:s16], $0x80  }
0xd2: {  	[sflag:s16] =	ssyncset.done $0x0  }
0xd3: {  	[sflag:s16] =	ssyncadd.s32 $0xFFFFFF80  }
0xd4: {  	[bflag:$0x0] =	sbarrier.arrive $0xFFFF  }
0xd5: {  	[tilespmem:s20], [sflag:$0x1] =	stream.linear.gather [spmem:s2], $0x1000, $0x38;
	[tilespmem:$0x4C20] =	vst v63  }
0xd6: {  	_ =	swait.ge [sflag:s16], $0x1000  }
0xd7: {  	[sflag:s16] =	ssyncset.done $0x0  }
0xd8: {  	[sflag:s16] =	ssyncadd.s32 $0xFFFFF000  }
0xd9: {  	v6 =	vld [tilespmem:$0x3C20]  }
0xda: {  	s25 =	sld [smem:$0x7D4];
	v7 =	vld [tilespmem:$0x3CA0]  }
0xdb: {  	s26 =	sld [smem:$0x7D6];
	v8 =	vld [tilespmem:$0x3D20]  }
0xdc: {  	s28 =	sld [smem:$0x7D8];
	v9 =	vld [tilespmem:$0x3DA0]  }
0xdd: {  	s29 =	sld [smem:$0x7DA];
	v10 =	vld [tilespmem:$0x3E20];
	p3 =	seq.s32 s25, $0x1  }
0xde: {  	s30 =	sld [smem:$0x7DC];
	v11 =	vld [tilespmem:$0x3EA0];
	v6 =	vpsel !p3, $0x0, v6;
	p3 =	seq.s32 s26, $0x1  }
0xdf: {  	s31 =	sld [smem:$0x7DE];
	v12 =	vld [tilespmem:$0x3F20];
	v7 =	vpsel !p3, $0x0, v7;
	p3 =	seq.s32 s28, $0x1  }
0xe0: {  	s24 =	sld [smem:$0x7E0];
	v41 =	vld [tilespmem:$0x3FA0];
	v6 =	vadd.s32 v6, v7;
	v7 =	vpsel !p3, $0x0, v8;
	p3 =	seq.s32 s29, $0x1  }
0xe1: {  	v42 =	vld [tilespmem:$0x4020];
	s25 =	sld [smem:$0x7E2];
	v6 =	vadd.s32 v7, v6;
	v7 =	vpsel !p3, $0x0, v9;
	p3 =	seq.s32 s30, $0x1  }
0xe2: {  	v43 =	vld [tilespmem:$0x40A0];
	s26 =	sld [smem:$0x7E4];
	v6 =	vadd.s32 v7, v6;
	v7 =	vpsel !p3, $0x0, v10;
	p3 =	seq.s32 s31, $0x1  }
0xe3: {  	v44 =	vld [tilespmem:$0x4120];
	s28 =	sld [smem:$0x7E6];
	v6 =	vadd.s32 v7, v6;
	v7 =	vpsel !p3, $0x0, v11;
	p3 =	seq.s32 s24, $0x1  }
0xe4: {  	v45 =	vld [tilespmem:$0x41A0];
	s29 =	sld [smem:$0x7E8];
	v6 =	vadd.s32 v7, v6;
	v7 =	vpsel !p3, $0x0, v12;
	p3 =	seq.s32 s25, $0x1  }
0xe5: {  	v46 =	vld [tilespmem:$0x4220];
	s30 =	sld [smem:$0x7EA];
	v6 =	vadd.s32 v7, v6;
	v7 =	vpsel !p3, $0x0, v41;
	p3 =	seq.s32 s26, $0x1  }
0xe6: {  	v47 =	vld [tilespmem:$0x42A0];
	s31 =	sld [smem:$0x7EC];
	v6 =	vadd.s32 v7, v6;
	v7 =	vpsel !p3, $0x0, v42;
	p3 =	seq.s32 s28, $0x1  }
0xe7: {  	v48 =	vld [tilespmem:$0x4320];
	s24 =	sld [smem:$0x7EE];
	v6 =	vadd.s32 v7, v6;
	v7 =	vpsel !p3, $0x0, v43;
	p3 =	seq.s32 s29, $0x1  }
0xe8: {  	v49 =	vld [tilespmem:$0x4420];
	s25 =	sld [smem:$0x7F0];
	v6 =	vadd.s32 v7, v6;
	v7 =	vpsel !p3, $0x0, v44;
	p3 =	seq.s32 s30, $0x1  }
0xe9: {  	v50 =	vld [tilespmem:$0x44A0];
	s26 =	sld [smem:$0x7F2];
	v6 =	vadd.s32 v7, v6;
	v7 =	vpsel !p3, $0x0, v45;
	p3 =	seq.s32 s31, $0x1  }
0xea: {  	v51 =	vld [tilespmem:$0x4520];
	s28 =	sld [smem:$0x7F4];
	v6 =	vadd.s32 v7, v6;
	v7 =	vpsel !p3, $0x0, v46;
	p3 =	seq.s32 s24, $0x1  }
0xeb: {  	v52 =	vld [tilespmem:$0x45A0];
	s29 =	sld [smem:$0x7F6];
	v6 =	vadd.s32 v7, v6;
	v7 =	vpsel !p3, $0x0, v47;
	p3 =	seq.s32 s25, $0x1  }
0xec: {  	v53 =	vld [tilespmem:$0x4620];
	s30 =	sld [smem:$0x7F7];
	v6 =	vadd.s32 v7, v6;
	v7 =	vpsel !p3, $0x0, v48;
	p3 =	seq.s32 s26, $0x1  }
0xed: {  	v54 =	vld [tilespmem:$0x46A0];
	s31 =	sld [smem:$0x7F8];
	v6 =	vadd.s32 v7, v6;
	v7 =	vpsel !p3, $0x0, v49;
	p3 =	seq.s32 s28, $0x1  }
0xee: {  	v55 =	vld [tilespmem:$0x4720];
	s24 =	sld [smem:$0x7F9];
	v6 =	vadd.s32 v7, v6;
	v7 =	vpsel !p3, $0x0, v50;
	p3 =	seq.s32 s29, $0x1  }
0xef: {  	v56 =	vld [tilespmem:$0x47A0];
	s25 =	sld [smem:$0x7FA];
	v6 =	vadd.s32 v7, v6;
	v7 =	vpsel !p3, $0x0, v51;
	p3 =	seq.s32 s30, $0x1  }
0xf0: {  	v57 =	vld [tilespmem:$0x4820];
	s26 =	sld [smem:$0x7FB];
	v6 =	vadd.s32 v7, v6;
	v7 =	vpsel !p3, $0x0, v52;
	p3 =	seq.s32 s31, $0x1  }
0xf1: {  	v58 =	vld [tilespmem:$0x48A0];
	s28 =	sld [smem:$0x7FC];
	v6 =	vadd.s32 v7, v6;
	v7 =	vpsel !p3, $0x0, v53;
	p3 =	seq.s32 s24, $0x1  }
0xf2: {  	v59 =	vld [tilespmem:$0x4920];
	s29 =	sld [smem:$0x7FD];
	v6 =	vadd.s32 v7, v6;
	v7 =	vpsel !p3, $0x0, v54;
	p3 =	seq.s32 s25, $0x1  }
0xf3: {  	v60 =	vld [tilespmem:$0x49A0];
	v6 =	vadd.s32 v7, v6;
	v7 =	vpsel !p3, $0x0, v55;
	p3 =	seq.s32 s26, $0x1  }
0xf4: {  	v61 =	vld [tilespmem:$0x4A20];
	v6 =	vadd.s32 v7, v6;
	v7 =	vpsel !p3, $0x0, v56;
	p3 =	seq.s32 s28, $0x1  }
0xf5: {  	v62 =	vld [tilespmem:$0x4AA0];
	v6 =	vadd.s32 v7, v6;
	v7 =	vpsel !p3, $0x0, v57;
	p3 =	seq.s32 s29, $0x1  }
0xf6: {  	v63 =	vld [tilespmem:$0x4B20];
	v6 =	vadd.s32 v7, v6;
	v7 =	vpsel !p3, $0x0, v58  }
0xf7: {  	v6 =	vadd.s32 v7, v6;
	v7 =	vpsel !p4, $0x0, v59  }
0xf8: {  	v6 =	vadd.s32 v7, v6;
	v7 =	vpsel !p5, $0x0, v60  }
0xf9: {  	v6 =	vadd.s32 v7, v6;
	v7 =	vpsel !p6, $0x0, v61  }
0xfa: {  	v6 =	vadd.s32 v7, v6;
	v7 =	vpsel !p0, $0x0, v62  }
0xfb: {  	v6 =	vadd.s32 v7, v6;
	v7 =	vpsel !p1, $0x0, v63  }
0xfc: {  	v6 =	vadd.s32 v7, v6  }
0xfd: {  	v6 =	vxor.u32 $0x80000000, v6  }
0xfe: {  	(xrf0) =	vmax.scan.msk.u32 $0xffff, v6;
	_ =	sdelay $0x5  }
0xff: {  	v6, _, _ =	vpop (xrf0)  }
0x100: {  	(v2sf) =	vpush v6, $0xF;
	_ =	sdelay $0x2  }
0x101: {  	s22 =	sadd.s32 $0x7F, s22  }
0x102: {  	s30 =	sshra.s32 s22, $0x1F  }
0x103: {  	s31 =	sshrl.u32 s30, $0x19  }
0x104: {  	s22 =	sadd.s32 s31, s22  }
0x105: {  	s22 =	sshra.s32 s22, $0x7  }
0x106: {  	p2 =	sne.s32 s7, $0x0;
	s22 =	sadd.s32 s30, s22  }
0x107: {  	p3 =	slt.s32 @!p2 s22, $0x1  }
0x108: {  	p2 =	por p2, p3  }
.Ltmp4:
0x109: {  	_ = 	snop;
	(pc) =	sbr.rel @p2 .LBB2_10-.Ltmp4, $2  }
0x10a: {  	_ =	sdelay $0x2  }
0x10b: {  	s23 =	spop (v2sf)  }
0x10c: {  	p3 =	sgt.s32 s22, $0x1  }
.Ltmp5:
0x10d: {  	_ = 	snop;
	(pc) =	sbr.rel @!p3 .LBB2_9-.Ltmp5, $3  }
0x10e: {  	_ =	sdelay $0x1  }
0x10f: {  	s28 =	sadd.s32 s23, s14;
	s23 =	simm.s32 $0x3300  }
0x110: {  	s24 =	simm.s32 $0x2A80;
	p2 =	por $0x0, $0x0;
	s25 =	sshrl.u32 s28, $0x3  }
0x111: {  	s26 =	sadd.s32 s5, s25  }
0x112: {  	[hbm4b:s26+s3] =	stream.linear.scatter [tilespmem:s24], [sflag:$0x1], $0x80, $0x38;
	[tilespmem:$0x4C20] =	vst v63  }
0x113: {  	p3 =	sgt.s32 s22, $0x2;
	_ =	swait.ge [sflag:s16], $0x80  }
.Ltmp6:
0x114: {  	s31 =	sadd.s32 s6, s25;
	[sflag:s16] =	ssyncset.done $0x0;
	(pc) =	sbr.rel @!p3 .LBB2_9-.Ltmp6, $4  }
0x115: {  	s28 =	sadd.s32 $0x80, s28;
	p2 =	por $0x1, $0x1;
	[sflag:s16] =	ssyncadd.s32 $0xFFFFFF80  }
0x116: {  	[hbm4b:s31+s3] =	stream.linear.scatter [tilespmem:s23], [sflag:$0x1], $0x80, $0x38;
	[tilespmem:$0x4C20] =	vst v63  }
0x117: {  	s26 =	simm.s32 $0x2;
	s24 =	simm.s32 $0x2B00;
	_ =	swait.ge [sflag:s16], $0x80  }
0x118: {  	s25 =	sshrl.u32 s28, $0x3;
	s23 =	simm.s32 $0x3380;
	[sflag:s16] =	ssyncset.done $0x0  }
.LBB2_8:
0x119: {  	s26 =	sadd.s32 $0x1, s26;
	s29 =	sadd.s32 s5, s25;
	[sflag:s16] =	ssyncadd.s32 $0xFFFFFF80  }
0x11a: {  	[hbm4b:s29+s3] =	stream.linear.scatter [tilespmem:s24], [sflag:$0x1], $0x80, $0x38;
	[tilespmem:$0x4C20] =	vst v63  }
0x11b: {  	p3 =	sgt.s32 s22, s26;
	_ =	swait.ge [sflag:s16], $0x80  }
.Ltmp7:
0x11c: {  	[sflag:s16] =	ssyncset.done $0x0;
	(pc) =	sbr.rel @p3 .LBB2_8-.Ltmp7, $4  }
0x11d: {  	s25 =	sadd.s32 s6, s25;
	[sflag:s16] =	ssyncadd.s32 $0xFFFFFF80  }
0x11e: {  	[hbm4b:s25+s3] =	stream.linear.scatter [tilespmem:s23], [sflag:$0x1], $0x80, $0x38;
	[tilespmem:$0x4C20] =	vst v63  }
0x11f: {  	s28 =	sadd.s32 $0x80, s28;
	s24 =	sadd.s32 $0x80, s24;
	_ =	swait.ge [sflag:s16], $0x80  }
0x120: {  	s25 =	sshrl.u32 s28, $0x3;
	s23 =	sadd.s32 $0x80, s23;
	[sflag:s16] =	ssyncset.done $0x0  }
.Ltmp8:
0x121: {  	_ = 	snop;
	(pc) =	sbr.rel .LBB2_9-.Ltmp8, $1  }
0x122: {  	_ =	sdelay $0x3  }
.LBB2_10:
0x123: {  	p2 =	sne.s32 s7, $0x1  }
0x124: {  	p3 =	slt.s32 @!p2 s22, $0x1  }
0x125: {  	p2 =	por p2, p3  }
.Ltmp9:
0x126: {  	_ = 	snop;
	(pc) =	sbr.rel @p2 .LBB2_15-.Ltmp9, $2  }
0x127: {  	_ =	sdelay $0x1  }
0x128: {  	[bflag:$0x0] =	sbarrier.arrive $0xFFFF;
	_ =	sdelay $0x1  }
0x129: {  	p3 =	sgt.s32 s22, $0x1  }
.Ltmp10:
0x12a: {  	_ = 	snop;
	(pc) =	sbr.rel @!p3 .LBB2_14-.Ltmp10, $3  }
0x12b: {  	_ =	sdelay $0x1  }
0x12c: {  	s28 =	sadd.s32 s23, s14;
	s23 =	simm.s32 $0x3300  }
0x12d: {  	s24 =	simm.s32 $0x2A80;
	p2 =	por $0x0, $0x0;
	s25 =	sshrl.u32 s28, $0x3  }
0x12e: {  	s26 =	sadd.s32 s5, s25  }
0x12f: {  	[hbm4b:s26+s3] =	stream.linear.scatter [tilespmem:s24], [sflag:$0x1], $0x80, $0x38;
	[tilespmem:$0x4C20] =	vst v63  }
0x130: {  	p3 =	sgt.s32 s22, $0x2;
	_ =	swait.ge [sflag:s16], $0x80  }
.Ltmp11:
0x131: {  	s31 =	sadd.s32 s6, s25;
	[sflag:s16] =	ssyncset.done $0x0;
	(pc) =	sbr.rel @!p3 .LBB2_14-.Ltmp11, $4  }
0x132: {  	s28 =	sadd.s32 $0x80, s28;
	p2 =	por $0x1, $0x1;
	[sflag:s16] =	ssyncadd.s32 $0xFFFFFF80  }
0x133: {  	[hbm4b:s31+s3] =	stream.linear.scatter [tilespmem:s23], [sflag:$0x1], $0x80, $0x38;
	[tilespmem:$0x4C20] =	vst v63  }
0x134: {  	s26 =	simm.s32 $0x2;
	s24 =	simm.s32 $0x2B00;
	_ =	swait.ge [sflag:s16], $0x80  }
0x135: {  	s25 =	sshrl.u32 s28, $0x3;
	s23 =	simm.s32 $0x3380;
	[sflag:s16] =	ssyncset.done $0x0  }
.LBB2_13:
0x136: {  	s26 =	sadd.s32 $0x1, s26;
	s29 =	sadd.s32 s5, s25;
	[sflag:s16] =	ssyncadd.s32 $0xFFFFFF80  }
0x137: {  	[hbm4b:s29+s3] =	stream.linear.scatter [tilespmem:s24], [sflag:$0x1], $0x80, $0x38;
	[tilespmem:$0x4C20] =	vst v63  }
0x138: {  	p3 =	sgt.s32 s22, s26;
	_ =	swait.ge [sflag:s16], $0x80  }
.Ltmp12:
0x139: {  	[sflag:s16] =	ssyncset.done $0x0;
	(pc) =	sbr.rel @p3 .LBB2_13-.Ltmp12, $4  }
0x13a: {  	s25 =	sadd.s32 s6, s25;
	[sflag:s16] =	ssyncadd.s32 $0xFFFFFF80  }
0x13b: {  	[hbm4b:s25+s3] =	stream.linear.scatter [tilespmem:s23], [sflag:$0x1], $0x80, $0x38;
	[tilespmem:$0x4C20] =	vst v63  }
0x13c: {  	s28 =	sadd.s32 $0x80, s28;
	s24 =	sadd.s32 $0x80, s24;
	_ =	swait.ge [sflag:s16], $0x80  }
0x13d: {  	s25 =	sshrl.u32 s28, $0x3;
	s23 =	sadd.s32 $0x80, s23;
	[sflag:s16] =	ssyncset.done $0x0  }
.LBB2_14:
0x13e: {  	s22 =	sadd.s32 s5, s25;
	[sflag:s16] =	ssyncadd.s32 @p2 $0xFFFFFF80  }
0x13f: {  	[hbm4b:s22+s3] =	stream.linear.scatter [tilespmem:s24], [sflag:$0x1], $0x80, $0x38;
	[tilespmem:$0x4C20] =	vst v63  }
0x140: {  	_ =	swait.ge [sflag:s16], $0x80  }
0x141: {  	[sflag:s16] =	ssyncset.done $0x0  }
0x142: {  	s31 =	sadd.s32 s6, s25;
	[sflag:s16] =	ssyncadd.s32 $0xFFFFFF80  }
0x143: {  	[hbm4b:s31+s3] =	stream.linear.scatter [tilespmem:s23], [sflag:$0x1], $0x80, $0x38;
	[tilespmem:$0x4C20] =	vst v63  }
0x144: {  	_ =	swait.ge [sflag:s16], $0x80  }
0x145: {  	[sflag:s16] =	ssyncset.done $0x0  }
0x146: {  	[sflag:s16] =	ssyncadd.s32 $0xFFFFFF80  }
0x147: {  	[bflag:$0x0] =	sbarrier.arrive $0xFFFF  }
0x148: {  	[bflag:$0x0] =	sbarrier.arrive $0xFFFF  }
.Ltmp13:
0x149: {  	[bflag:$0x0] =	sbarrier.arrive $0xFFFF;
	(pc) =	sbr.rel .LBB2_45-.Ltmp13, $3  }
0x14a: {  	[bflag:$0x0] =	sbarrier.arrive $0xFFFF  }
0x14b: {  	[bflag:$0x0] =	sbarrier.arrive $0xFFFF  }
0x14c: {  	[bflag:$0x0] =	sbarrier.arrive $0xFFFF;
	_ =	sdelay $0x1  }
.LBB2_15:
0x14d: {  	p2 =	sne.s32 s7, $0x2  }
0x14e: {  	p3 =	slt.s32 @!p2 s22, $0x1  }
0x14f: {  	p2 =	por p2, p3  }
.Ltmp14:
0x150: {  	_ = 	snop;
	(pc) =	sbr.rel @p2 .LBB2_20-.Ltmp14, $2  }
0x151: {  	_ =	sdelay $0x1  }
0x152: {  	[bflag:$0x0] =	sbarrier.arrive $0xFFFF;
	_ =	sdelay $0x1  }
0x153: {  	p3 =	sgt.s32 s22, $0x1  }
.Ltmp15:
0x154: {  	_ = 	snop;
	(pc) =	sbr.rel @!p3 .LBB2_19-.Ltmp15, $3  }
0x155: {  	_ =	sdelay $0x1  }
0x156: {  	s28 =	sadd.s32 s23, s14;
	s23 =	simm.s32 $0x3300  }
0x157: {  	s24 =	simm.s32 $0x2A80;
	p2 =	por $0x0, $0x0;
	s25 =	sshrl.u32 s28, $0x3  }
0x158: {  	s26 =	sadd.s32 s5, s25  }
0x159: {  	[hbm4b:s26+s3] =	stream.linear.scatter [tilespmem:s24], [sflag:$0x1], $0x80, $0x38;
	[tilespmem:$0x4C20] =	vst v63  }
0x15a: {  	p3 =	sgt.s32 s22, $0x2;
	_ =	swait.ge [sflag:s16], $0x80  }
.Ltmp16:
0x15b: {  	s31 =	sadd.s32 s6, s25;
	[sflag:s16] =	ssyncset.done $0x0;
	(pc) =	sbr.rel @!p3 .LBB2_19-.Ltmp16, $4  }
0x15c: {  	s28 =	sadd.s32 $0x80, s28;
	p2 =	por $0x1, $0x1;
	[sflag:s16] =	ssyncadd.s32 $0xFFFFFF80  }
0x15d: {  	[hbm4b:s31+s3] =	stream.linear.scatter [tilespmem:s23], [sflag:$0x1], $0x80, $0x38;
	[tilespmem:$0x4C20] =	vst v63  }
0x15e: {  	s26 =	simm.s32 $0x2;
	s24 =	simm.s32 $0x2B00;
	_ =	swait.ge [sflag:s16], $0x80  }
0x15f: {  	s25 =	sshrl.u32 s28, $0x3;
	s23 =	simm.s32 $0x3380;
	[sflag:s16] =	ssyncset.done $0x0  }
.LBB2_18:
0x160: {  	s26 =	sadd.s32 $0x1, s26;
	s29 =	sadd.s32 s5, s25;
	[sflag:s16] =	ssyncadd.s32 $0xFFFFFF80  }
0x161: {  	[hbm4b:s29+s3] =	stream.linear.scatter [tilespmem:s24], [sflag:$0x1], $0x80, $0x38;
	[tilespmem:$0x4C20] =	vst v63  }
0x162: {  	p3 =	sgt.s32 s22, s26;
	_ =	swait.ge [sflag:s16], $0x80  }
.Ltmp17:
0x163: {  	[sflag:s16] =	ssyncset.done $0x0;
	(pc) =	sbr.rel @p3 .LBB2_18-.Ltmp17, $4  }
0x164: {  	s25 =	sadd.s32 s6, s25;
	[sflag:s16] =	ssyncadd.s32 $0xFFFFFF80  }
0x165: {  	[hbm4b:s25+s3] =	stream.linear.scatter [tilespmem:s23], [sflag:$0x1], $0x80, $0x38;
	[tilespmem:$0x4C20] =	vst v63  }
0x166: {  	s28 =	sadd.s32 $0x80, s28;
	s24 =	sadd.s32 $0x80, s24;
	_ =	swait.ge [sflag:s16], $0x80  }
0x167: {  	s25 =	sshrl.u32 s28, $0x3;
	s23 =	sadd.s32 $0x80, s23;
	[sflag:s16] =	ssyncset.done $0x0  }
.LBB2_19:
0x168: {  	s22 =	sadd.s32 s5, s25;
	[sflag:s16] =	ssyncadd.s32 @p2 $0xFFFFFF80  }
0x169: {  	[hbm4b:s22+s3] =	stream.linear.scatter [tilespmem:s24], [sflag:$0x1], $0x80, $0x38;
	[tilespmem:$0x4C20] =	vst v63  }
0x16a: {  	_ =	swait.ge [sflag:s16], $0x80  }
0x16b: {  	[sflag:s16] =	ssyncset.done $0x0  }
0x16c: {  	s31 =	sadd.s32 s6, s25;
	[sflag:s16] =	ssyncadd.s32 $0xFFFFFF80  }
0x16d: {  	[hbm4b:s31+s3] =	stream.linear.scatter [tilespmem:s23], [sflag:$0x1], $0x80, $0x38;
	[tilespmem:$0x4C20] =	vst v63  }
0x16e: {  	_ =	swait.ge [sflag:s16], $0x80  }
0x16f: {  	[sflag:s16] =	ssyncset.done $0x0  }
0x170: {  	[sflag:s16] =	ssyncadd.s32 $0xFFFFFF80  }
0x171: {  	[bflag:$0x0] =	sbarrier.arrive $0xFFFF  }
.Ltmp18:
0x172: {  	[bflag:$0x0] =	sbarrier.arrive $0xFFFF;
	(pc) =	sbr.rel .LBB2_45-.Ltmp18, $3  }
0x173: {  	[bflag:$0x0] =	sbarrier.arrive $0xFFFF  }
0x174: {  	[bflag:$0x0] =	sbarrier.arrive $0xFFFF  }
0x175: {  	[bflag:$0x0] =	sbarrier.arrive $0xFFFF;
	_ =	sdelay $0x1  }
.LBB2_20:
0x176: {  	p2 =	sne.s32 s7, $0x3  }
0x177: {  	p3 =	slt.s32 @!p2 s22, $0x1  }
0x178: {  	p2 =	por p2, p3  }
.Ltmp19:
0x179: {  	_ = 	snop;
	(pc) =	sbr.rel @p2 .LBB2_25-.Ltmp19, $2  }
0x17a: {  	_ =	sdelay $0x1  }
0x17b: {  	[bflag:$0x0] =	sbarrier.arrive $0xFFFF;
	_ =	sdelay $0x1  }
0x17c: {  	p3 =	sgt.s32 s22, $0x1  }
.Ltmp20:
0x17d: {  	_ = 	snop;
	(pc) =	sbr.rel @!p3 .LBB2_24-.Ltmp20, $3  }
0x17e: {  	_ =	sdelay $0x1  }
0x17f: {  	s28 =	sadd.s32 s23, s14;
	s23 =	simm.s32 $0x3300  }
0x180: {  	s24 =	simm.s32 $0x2A80;
	p2 =	por $0x0, $0x0;
	s25 =	sshrl.u32 s28, $0x3  }
0x181: {  	s26 =	sadd.s32 s5, s25  }
0x182: {  	[hbm4b:s26+s3] =	stream.linear.scatter [tilespmem:s24], [sflag:$0x1], $0x80, $0x38;
	[tilespmem:$0x4C20] =	vst v63  }
0x183: {  	p3 =	sgt.s32 s22, $0x2;
	_ =	swait.ge [sflag:s16], $0x80  }
.Ltmp21:
0x184: {  	s31 =	sadd.s32 s6, s25;
	[sflag:s16] =	ssyncset.done $0x0;
	(pc) =	sbr.rel @!p3 .LBB2_24-.Ltmp21, $4  }
0x185: {  	s28 =	sadd.s32 $0x80, s28;
	p2 =	por $0x1, $0x1;
	[sflag:s16] =	ssyncadd.s32 $0xFFFFFF80  }
0x186: {  	[hbm4b:s31+s3] =	stream.linear.scatter [tilespmem:s23], [sflag:$0x1], $0x80, $0x38;
	[tilespmem:$0x4C20] =	vst v63  }
0x187: {  	s26 =	simm.s32 $0x2;
	s24 =	simm.s32 $0x2B00;
	_ =	swait.ge [sflag:s16], $0x80  }
0x188: {  	s25 =	sshrl.u32 s28, $0x3;
	s23 =	simm.s32 $0x3380;
	[sflag:s16] =	ssyncset.done $0x0  }
.LBB2_23:
0x189: {  	s26 =	sadd.s32 $0x1, s26;
	s29 =	sadd.s32 s5, s25;
	[sflag:s16] =	ssyncadd.s32 $0xFFFFFF80  }
0x18a: {  	[hbm4b:s29+s3] =	stream.linear.scatter [tilespmem:s24], [sflag:$0x1], $0x80, $0x38;
	[tilespmem:$0x4C20] =	vst v63  }
0x18b: {  	p3 =	sgt.s32 s22, s26;
	_ =	swait.ge [sflag:s16], $0x80  }
.Ltmp22:
0x18c: {  	[sflag:s16] =	ssyncset.done $0x0;
	(pc) =	sbr.rel @p3 .LBB2_23-.Ltmp22, $4  }
0x18d: {  	s25 =	sadd.s32 s6, s25;
	[sflag:s16] =	ssyncadd.s32 $0xFFFFFF80  }
0x18e: {  	[hbm4b:s25+s3] =	stream.linear.scatter [tilespmem:s23], [sflag:$0x1], $0x80, $0x38;
	[tilespmem:$0x4C20] =	vst v63  }
0x18f: {  	s28 =	sadd.s32 $0x80, s28;
	s24 =	sadd.s32 $0x80, s24;
	_ =	swait.ge [sflag:s16], $0x80  }
0x190: {  	s25 =	sshrl.u32 s28, $0x3;
	s23 =	sadd.s32 $0x80, s23;
	[sflag:s16] =	ssyncset.done $0x0  }
.LBB2_24:
0x191: {  	s22 =	sadd.s32 s5, s25;
	[sflag:s16] =	ssyncadd.s32 @p2 $0xFFFFFF80  }
0x192: {  	[hbm4b:s22+s3] =	stream.linear.scatter [tilespmem:s24], [sflag:$0x1], $0x80, $0x38;
	[tilespmem:$0x4C20] =	vst v63  }
0x193: {  	_ =	swait.ge [sflag:s16], $0x80  }
0x194: {  	[sflag:s16] =	ssyncset.done $0x0  }
0x195: {  	s31 =	sadd.s32 s6, s25;
	[sflag:s16] =	ssyncadd.s32 $0xFFFFFF80  }
0x196: {  	[hbm4b:s31+s3] =	stream.linear.scatter [tilespmem:s23], [sflag:$0x1], $0x80, $0x38;
	[tilespmem:$0x4C20] =	vst v63  }
0x197: {  	_ =	swait.ge [sflag:s16], $0x80  }
0x198: {  	[sflag:s16] =	ssyncset.done $0x0  }
0x199: {  	[sflag:s16] =	ssyncadd.s32 $0xFFFFFF80  }
.Ltmp23:
0x19a: {  	[bflag:$0x0] =	sbarrier.arrive $0xFFFF;
	(pc) =	sbr.rel .LBB2_45-.Ltmp23, $3  }
0x19b: {  	[bflag:$0x0] =	sbarrier.arrive $0xFFFF  }
0x19c: {  	[bflag:$0x0] =	sbarrier.arrive $0xFFFF  }
0x19d: {  	[bflag:$0x0] =	sbarrier.arrive $0xFFFF;
	_ =	sdelay $0x1  }
.LBB2_25:
0x19e: {  	p2 =	sne.s32 s7, $0x4  }
0x19f: {  	p3 =	slt.s32 @!p2 s22, $0x1  }
0x1a0: {  	p2 =	por p2, p3  }
.Ltmp24:
0x1a1: {  	_ = 	snop;
	(pc) =	sbr.rel @p2 .LBB2_30-.Ltmp24, $2  }
0x1a2: {  	_ =	sdelay $0x1  }
0x1a3: {  	[bflag:$0x0] =	sbarrier.arrive $0xFFFF;
	_ =	sdelay $0x1  }
0x1a4: {  	p2 =	sgt.s32 s22, $0x1  }
.Ltmp25:
0x1a5: {  	_ = 	snop;
	(pc) =	sbr.rel @!p2 .LBB2_29-.Ltmp25, $3  }
0x1a6: {  	_ =	sdelay $0x1  }
0x1a7: {  	s28 =	sadd.s32 s23, s14;
	s23 =	simm.s32 $0x3300  }
0x1a8: {  	s24 =	simm.s32 $0x2A80;
	p3 =	por $0x0, $0x0;
	s25 =	sshrl.u32 s28, $0x3  }
0x1a9: {  	s26 =	sadd.s32 s5, s25  }
0x1aa: {  	[hbm4b:s26+s3] =	stream.linear.scatter [tilespmem:s24], [sflag:$0x1], $0x80, $0x38;
	[tilespmem:$0x4C20] =	vst v63  }
0x1ab: {  	p2 =	sgt.s32 s22, $0x2;
	_ =	swait.ge [sflag:s16], $0x80  }
.Ltmp26:
0x1ac: {  	s31 =	sadd.s32 s6, s25;
	[sflag:s16] =	ssyncset.done $0x0;
	(pc) =	sbr.rel @!p2 .LBB2_29-.Ltmp26, $4  }
0x1ad: {  	s28 =	sadd.s32 $0x80, s28;
	p3 =	por $0x1, $0x1;
	[sflag:s16] =	ssyncadd.s32 $0xFFFFFF80  }
0x1ae: {  	[hbm4b:s31+s3] =	stream.linear.scatter [tilespmem:s23], [sflag:$0x1], $0x80, $0x38;
	[tilespmem:$0x4C20] =	vst v63  }
0x1af: {  	s26 =	simm.s32 $0x2;
	s24 =	simm.s32 $0x2B00;
	_ =	swait.ge [sflag:s16], $0x80  }
0x1b0: {  	s25 =	sshrl.u32 s28, $0x3;
	s23 =	simm.s32 $0x3380;
	[sflag:s16] =	ssyncset.done $0x0  }
.LBB2_28:
0x1b1: {  	s26 =	sadd.s32 $0x1, s26;
	s29 =	sadd.s32 s5, s25;
	[sflag:s16] =	ssyncadd.s32 $0xFFFFFF80  }
0x1b2: {  	[hbm4b:s29+s3] =	stream.linear.scatter [tilespmem:s24], [sflag:$0x1], $0x80, $0x38;
	[tilespmem:$0x4C20] =	vst v63  }
0x1b3: {  	p2 =	sgt.s32 s22, s26;
	_ =	swait.ge [sflag:s16], $0x80  }
.Ltmp27:
0x1b4: {  	[sflag:s16] =	ssyncset.done $0x0;
	(pc) =	sbr.rel @p2 .LBB2_28-.Ltmp27, $4  }
0x1b5: {  	s25 =	sadd.s32 s6, s25;
	[sflag:s16] =	ssyncadd.s32 $0xFFFFFF80  }
0x1b6: {  	[hbm4b:s25+s3] =	stream.linear.scatter [tilespmem:s23], [sflag:$0x1], $0x80, $0x38;
	[tilespmem:$0x4C20] =	vst v63  }
0x1b7: {  	s28 =	sadd.s32 $0x80, s28;
	s24 =	sadd.s32 $0x80, s24;
	_ =	swait.ge [sflag:s16], $0x80  }
0x1b8: {  	s25 =	sshrl.u32 s28, $0x3;
	s23 =	sadd.s32 $0x80, s23;
	[sflag:s16] =	ssyncset.done $0x0  }
.LBB2_29:
0x1b9: {  	s22 =	sadd.s32 s5, s25;
	[sflag:s16] =	ssyncadd.s32 @p3 $0xFFFFFF80  }
0x1ba: {  	[hbm4b:s22+s3] =	stream.linear.scatter [tilespmem:s24], [sflag:$0x1], $0x80, $0x38;
	[tilespmem:$0x4C20] =	vst v63  }
0x1bb: {  	_ =	swait.ge [sflag:s16], $0x80  }
0x1bc: {  	[sflag:s16] =	ssyncset.done $0x0  }
0x1bd: {  	s31 =	sadd.s32 s6, s25;
	[sflag:s16] =	ssyncadd.s32 $0xFFFFFF80  }
0x1be: {  	[hbm4b:s31+s3] =	stream.linear.scatter [tilespmem:s23], [sflag:$0x1], $0x80, $0x38;
	[tilespmem:$0x4C20] =	vst v63  }
0x1bf: {  	_ =	swait.ge [sflag:s16], $0x80  }
0x1c0: {  	[sflag:s16] =	ssyncset.done $0x0  }
.Ltmp28:
0x1c1: {  	[sflag:s16] =	ssyncadd.s32 $0xFFFFFF80;
	(pc) =	sbr.rel .LBB2_45-.Ltmp28, $3  }
0x1c2: {  	[bflag:$0x0] =	sbarrier.arrive $0xFFFF  }
0x1c3: {  	[bflag:$0x0] =	sbarrier.arrive $0xFFFF  }
0x1c4: {  	[bflag:$0x0] =	sbarrier.arrive $0xFFFF;
	_ =	sdelay $0x1  }
.LBB2_30:
0x1c5: {  	p2 =	sne.s32 s7, $0x5  }
0x1c6: {  	p3 =	slt.s32 @!p2 s22, $0x1  }
0x1c7: {  	p2 =	por p2, p3  }
.Ltmp29:
0x1c8: {  	_ = 	snop;
	(pc) =	sbr.rel @p2 .LBB2_35-.Ltmp29, $2  }
0x1c9: {  	_ =	sdelay $0x1  }
0x1ca: {  	[bflag:$0x0] =	sbarrier.arrive $0xFFFF;
	_ =	sdelay $0x1  }
0x1cb: {  	p2 =	sgt.s32 s22, $0x1  }
.Ltmp30:
0x1cc: {  	_ = 	snop;
	(pc) =	sbr.rel @!p2 .LBB2_34-.Ltmp30, $3  }
0x1cd: {  	_ =	sdelay $0x1  }
0x1ce: {  	s28 =	sadd.s32 s23, s14;
	s23 =	simm.s32 $0x3300  }
0x1cf: {  	s24 =	simm.s32 $0x2A80;
	p3 =	por $0x0, $0x0;
	s25 =	sshrl.u32 s28, $0x3  }
0x1d0: {  	s26 =	sadd.s32 s5, s25  }
0x1d1: {  	[hbm4b:s26+s3] =	stream.linear.scatter [tilespmem:s24], [sflag:$0x1], $0x80, $0x38;
	[tilespmem:$0x4C20] =	vst v63  }
0x1d2: {  	p2 =	sgt.s32 s22, $0x2;
	_ =	swait.ge [sflag:s16], $0x80  }
.Ltmp31:
0x1d3: {  	s31 =	sadd.s32 s6, s25;
	[sflag:s16] =	ssyncset.done $0x0;
	(pc) =	sbr.rel @!p2 .LBB2_34-.Ltmp31, $4  }
0x1d4: {  	s28 =	sadd.s32 $0x80, s28;
	p3 =	por $0x1, $0x1;
	[sflag:s16] =	ssyncadd.s32 $0xFFFFFF80  }
0x1d5: {  	[hbm4b:s31+s3] =	stream.linear.scatter [tilespmem:s23], [sflag:$0x1], $0x80, $0x38;
	[tilespmem:$0x4C20] =	vst v63  }
0x1d6: {  	s26 =	simm.s32 $0x2;
	s24 =	simm.s32 $0x2B00;
	_ =	swait.ge [sflag:s16], $0x80  }
0x1d7: {  	s25 =	sshrl.u32 s28, $0x3;
	s23 =	simm.s32 $0x3380;
	[sflag:s16] =	ssyncset.done $0x0  }
.LBB2_33:
0x1d8: {  	s26 =	sadd.s32 $0x1, s26;
	s29 =	sadd.s32 s5, s25;
	[sflag:s16] =	ssyncadd.s32 $0xFFFFFF80  }
0x1d9: {  	[hbm4b:s29+s3] =	stream.linear.scatter [tilespmem:s24], [sflag:$0x1], $0x80, $0x38;
	[tilespmem:$0x4C20] =	vst v63  }
0x1da: {  	p2 =	sgt.s32 s22, s26;
	_ =	swait.ge [sflag:s16], $0x80  }
.Ltmp32:
0x1db: {  	[sflag:s16] =	ssyncset.done $0x0;
	(pc) =	sbr.rel @p2 .LBB2_33-.Ltmp32, $4  }
0x1dc: {  	s25 =	sadd.s32 s6, s25;
	[sflag:s16] =	ssyncadd.s32 $0xFFFFFF80  }
0x1dd: {  	[hbm4b:s25+s3] =	stream.linear.scatter [tilespmem:s23], [sflag:$0x1], $0x80, $0x38;
	[tilespmem:$0x4C20] =	vst v63  }
0x1de: {  	s28 =	sadd.s32 $0x80, s28;
	s24 =	sadd.s32 $0x80, s24;
	_ =	swait.ge [sflag:s16], $0x80  }
0x1df: {  	s25 =	sshrl.u32 s28, $0x3;
	s23 =	sadd.s32 $0x80, s23;
	[sflag:s16] =	ssyncset.done $0x0  }
.LBB2_34:
0x1e0: {  	s22 =	sadd.s32 s5, s25;
	[sflag:s16] =	ssyncadd.s32 @p3 $0xFFFFFF80  }
0x1e1: {  	[hbm4b:s22+s3] =	stream.linear.scatter [tilespmem:s24], [sflag:$0x1], $0x80, $0x38;
	[tilespmem:$0x4C20] =	vst v63  }
0x1e2: {  	_ =	swait.ge [sflag:s16], $0x80  }
0x1e3: {  	[sflag:s16] =	ssyncset.done $0x0  }
0x1e4: {  	s31 =	sadd.s32 s6, s25;
	[sflag:s16] =	ssyncadd.s32 $0xFFFFFF80  }
0x1e5: {  	[hbm4b:s31+s3] =	stream.linear.scatter [tilespmem:s23], [sflag:$0x1], $0x80, $0x38;
	[tilespmem:$0x4C20] =	vst v63  }
0x1e6: {  	_ =	swait.ge [sflag:s16], $0x80  }
.Ltmp33:
0x1e7: {  	[sflag:s16] =	ssyncset.done $0x0;
	(pc) =	sbr.rel .LBB2_45-.Ltmp33, $3  }
0x1e8: {  	[sflag:s16] =	ssyncadd.s32 $0xFFFFFF80  }
0x1e9: {  	[bflag:$0x0] =	sbarrier.arrive $0xFFFF  }
0x1ea: {  	[bflag:$0x0] =	sbarrier.arrive $0xFFFF;
	_ =	sdelay $0x1  }
.LBB2_35:
0x1eb: {  	p2 =	sne.s32 s7, $0x6  }
0x1ec: {  	p3 =	slt.s32 @!p2 s22, $0x1  }
0x1ed: {  	p2 =	por p2, p3  }
.Ltmp34:
0x1ee: {  	_ = 	snop;
	(pc) =	sbr.rel @p2 .LBB2_40-.Ltmp34, $2  }
0x1ef: {  	_ =	sdelay $0x1  }
0x1f0: {  	[bflag:$0x0] =	sbarrier.arrive $0xFFFF;
	_ =	sdelay $0x1  }
0x1f1: {  	p2 =	sgt.s32 s22, $0x1  }
.Ltmp35:
0x1f2: {  	_ = 	snop;
	(pc) =	sbr.rel @!p2 .LBB2_39-.Ltmp35, $3  }
0x1f3: {  	_ =	sdelay $0x1  }
0x1f4: {  	s28 =	sadd.s32 s23, s14;
	s23 =	simm.s32 $0x3300  }
0x1f5: {  	s24 =	simm.s32 $0x2A80;
	p3 =	por $0x0, $0x0;
	s25 =	sshrl.u32 s28, $0x3  }
0x1f6: {  	s26 =	sadd.s32 s5, s25  }
0x1f7: {  	[hbm4b:s26+s3] =	stream.linear.scatter [tilespmem:s24], [sflag:$0x1], $0x80, $0x38;
	[tilespmem:$0x4C20] =	vst v63  }
0x1f8: {  	p2 =	sgt.s32 s22, $0x2;
	_ =	swait.ge [sflag:s16], $0x80  }
.Ltmp36:
0x1f9: {  	s31 =	sadd.s32 s6, s25;
	[sflag:s16] =	ssyncset.done $0x0;
	(pc) =	sbr.rel @!p2 .LBB2_39-.Ltmp36, $4  }
0x1fa: {  	s28 =	sadd.s32 $0x80, s28;
	p3 =	por $0x1, $0x1;
	[sflag:s16] =	ssyncadd.s32 $0xFFFFFF80  }
0x1fb: {  	[hbm4b:s31+s3] =	stream.linear.scatter [tilespmem:s23], [sflag:$0x1], $0x80, $0x38;
	[tilespmem:$0x4C20] =	vst v63  }
0x1fc: {  	s26 =	simm.s32 $0x2;
	s24 =	simm.s32 $0x2B00;
	_ =	swait.ge [sflag:s16], $0x80  }
0x1fd: {  	s25 =	sshrl.u32 s28, $0x3;
	s23 =	simm.s32 $0x3380;
	[sflag:s16] =	ssyncset.done $0x0  }
.LBB2_38:
0x1fe: {  	s26 =	sadd.s32 $0x1, s26;
	s29 =	sadd.s32 s5, s25;
	[sflag:s16] =	ssyncadd.s32 $0xFFFFFF80  }
0x1ff: {  	[hbm4b:s29+s3] =	stream.linear.scatter [tilespmem:s24], [sflag:$0x1], $0x80, $0x38;
	[tilespmem:$0x4C20] =	vst v63  }
0x200: {  	p2 =	sgt.s32 s22, s26;
	_ =	swait.ge [sflag:s16], $0x80  }
.Ltmp37:
0x201: {  	[sflag:s16] =	ssyncset.done $0x0;
	(pc) =	sbr.rel @p2 .LBB2_38-.Ltmp37, $4  }
0x202: {  	s25 =	sadd.s32 s6, s25;
	[sflag:s16] =	ssyncadd.s32 $0xFFFFFF80  }
0x203: {  	[hbm4b:s25+s3] =	stream.linear.scatter [tilespmem:s23], [sflag:$0x1], $0x80, $0x38;
	[tilespmem:$0x4C20] =	vst v63  }
0x204: {  	s28 =	sadd.s32 $0x80, s28;
	s24 =	sadd.s32 $0x80, s24;
	_ =	swait.ge [sflag:s16], $0x80  }
0x205: {  	s25 =	sshrl.u32 s28, $0x3;
	s23 =	sadd.s32 $0x80, s23;
	[sflag:s16] =	ssyncset.done $0x0  }
.LBB2_39:
0x206: {  	s22 =	sadd.s32 s5, s25;
	[sflag:s16] =	ssyncadd.s32 @p3 $0xFFFFFF80  }
0x207: {  	[hbm4b:s22+s3] =	stream.linear.scatter [tilespmem:s24], [sflag:$0x1], $0x80, $0x38;
	[tilespmem:$0x4C20] =	vst v63  }
0x208: {  	_ =	swait.ge [sflag:s16], $0x80  }
0x209: {  	[sflag:s16] =	ssyncset.done $0x0  }
0x20a: {  	s31 =	sadd.s32 s6, s25;
	[sflag:s16] =	ssyncadd.s32 $0xFFFFFF80  }
0x20b: {  	[hbm4b:s31+s3] =	stream.linear.scatter [tilespmem:s23], [sflag:$0x1], $0x80, $0x38;
	[tilespmem:$0x4C20] =	vst v63  }
.Ltmp38:
0x20c: {  	_ =	swait.ge [sflag:s16], $0x80;
	(pc) =	sbr.rel .LBB2_45-.Ltmp38, $3  }
0x20d: {  	[sflag:s16] =	ssyncset.done $0x0  }
0x20e: {  	[sflag:s16] =	ssyncadd.s32 $0xFFFFFF80  }
0x20f: {  	[bflag:$0x0] =	sbarrier.arrive $0xFFFF;
	_ =	sdelay $0x1  }
.LBB2_40:
0x210: {  	p2 =	sne.s32 s7, $0x7  }
0x211: {  	p3 =	slt.s32 @!p2 s22, $0x1  }
0x212: {  	p2 =	por p2, p3  }
.Ltmp39:
0x213: {  	_ = 	snop;
	(pc) =	sbr.rel @p2 .LBB2_45-.Ltmp39, $2  }
0x214: {  	_ =	sdelay $0x1  }
0x215: {  	[bflag:$0x0] =	sbarrier.arrive $0xFFFF;
	_ =	sdelay $0x1  }
0x216: {  	p2 =	sgt.s32 s22, $0x1  }
.Ltmp40:
0x217: {  	_ = 	snop;
	(pc) =	sbr.rel @!p2 .LBB2_44-.Ltmp40, $3  }
0x218: {  	_ =	sdelay $0x1  }
0x219: {  	s28 =	sadd.s32 s23, s14;
	s23 =	simm.s32 $0x3300  }
0x21a: {  	s24 =	simm.s32 $0x2A80;
	p3 =	por $0x0, $0x0;
	s25 =	sshrl.u32 s28, $0x3  }
0x21b: {  	s26 =	sadd.s32 s5, s25  }
0x21c: {  	[hbm4b:s26+s3] =	stream.linear.scatter [tilespmem:s24], [sflag:$0x1], $0x80, $0x38;
	[tilespmem:$0x4C20] =	vst v63  }
0x21d: {  	p2 =	sgt.s32 s22, $0x2;
	_ =	swait.ge [sflag:s16], $0x80  }
.Ltmp41:
0x21e: {  	s31 =	sadd.s32 s6, s25;
	[sflag:s16] =	ssyncset.done $0x0;
	(pc) =	sbr.rel @!p2 .LBB2_44-.Ltmp41, $4  }
0x21f: {  	s28 =	sadd.s32 $0x80, s28;
	p3 =	por $0x1, $0x1;
	[sflag:s16] =	ssyncadd.s32 $0xFFFFFF80  }
0x220: {  	[hbm4b:s31+s3] =	stream.linear.scatter [tilespmem:s23], [sflag:$0x1], $0x80, $0x38;
	[tilespmem:$0x4C20] =	vst v63  }
0x221: {  	s26 =	simm.s32 $0x2;
	s24 =	simm.s32 $0x2B00;
	_ =	swait.ge [sflag:s16], $0x80  }
0x222: {  	s25 =	sshrl.u32 s28, $0x3;
	s23 =	simm.s32 $0x3380;
	[sflag:s16] =	ssyncset.done $0x0  }
.LBB2_43:
0x223: {  	s26 =	sadd.s32 $0x1, s26;
	s29 =	sadd.s32 s5, s25;
	[sflag:s16] =	ssyncadd.s32 $0xFFFFFF80  }
0x224: {  	[hbm4b:s29+s3] =	stream.linear.scatter [tilespmem:s24], [sflag:$0x1], $0x80, $0x38;
	[tilespmem:$0x4C20] =	vst v63  }
0x225: {  	p2 =	sgt.s32 s22, s26;
	_ =	swait.ge [sflag:s16], $0x80  }
.Ltmp42:
0x226: {  	[sflag:s16] =	ssyncset.done $0x0;
	(pc) =	sbr.rel @p2 .LBB2_43-.Ltmp42, $4  }
0x227: {  	s25 =	sadd.s32 s6, s25;
	[sflag:s16] =	ssyncadd.s32 $0xFFFFFF80  }
0x228: {  	[hbm4b:s25+s3] =	stream.linear.scatter [tilespmem:s23], [sflag:$0x1], $0x80, $0x38;
	[tilespmem:$0x4C20] =	vst v63  }
0x229: {  	s28 =	sadd.s32 $0x80, s28;
	s24 =	sadd.s32 $0x80, s24;
	_ =	swait.ge [sflag:s16], $0x80  }
0x22a: {  	s25 =	sshrl.u32 s28, $0x3;
	s23 =	sadd.s32 $0x80, s23;
	[sflag:s16] =	ssyncset.done $0x0  }
.LBB2_44:
0x22b: {  	s22 =	sadd.s32 s5, s25;
	[sflag:s16] =	ssyncadd.s32 @p3 $0xFFFFFF80  }
0x22c: {  	[hbm4b:s22+s3] =	stream.linear.scatter [tilespmem:s24], [sflag:$0x1], $0x80, $0x38;
	[tilespmem:$0x4C20] =	vst v63  }
0x22d: {  	_ =	swait.ge [sflag:s16], $0x80  }
0x22e: {  	[sflag:s16] =	ssyncset.done $0x0  }
.Ltmp43:
0x22f: {  	s31 =	sadd.s32 s6, s25;
	[sflag:s16] =	ssyncadd.s32 $0xFFFFFF80;
	(pc) =	sbr.rel .LBB2_45-.Ltmp43, $4  }
0x230: {  	[hbm4b:s31+s3] =	stream.linear.scatter [tilespmem:s23], [sflag:$0x1], $0x80, $0x38;
	[tilespmem:$0x4C20] =	vst v63  }
0x231: {  	_ =	swait.ge [sflag:s16], $0x80  }
0x232: {  	[sflag:s16] =	ssyncset.done $0x0  }
0x233: {  	[sflag:s16] =	ssyncadd.s32 $0xFFFFFF80  }
.LBB2_46:
0x234: {  	_ =	sfence.sel $0x180000  }
0x235: {  	[bflag:$0x0] =	sbarrier.arrive $0xFFFF  }
0x236: {  	p0 =	sne.s32 s0, $0x0;
	_ =	strace $0x90000047  }
0x237: {  	s0 =	sadd.s32 @!p0 $0x100000, s1;
	[bflag:$0x2] =	sbarrier.arrive $0xFFFF  }
0x238: {  	[sflag:s0] =	ssyncadd.tile.s32 @!p0 $0x1;
	_ =	shalt  }
.Lfunc_end2:
_tile_overlayer_lowered:
.L_overlay_start_2:
0x239: {  	(tag) =	ssettag $0x2  }
0x23a: {  	s0 =	rddreg [dreg:$0x0];
	s2 =	stileid.u32  }
0x23b: {  	s1 =	rddreg [dreg:$0x1];
	p0 =	sne.s32 s2, $0x0  }
0x23c: {  	s3 =	rddreg [dreg:$0x2];
	[bflag:$0x3] =	sbarrier.arrive $0xFFFF;
	s2 =	simm.s32 @!p0 $0x1C01  }
0x23d: {  	[timem:s3], [sflag:s2] =	dma.local @!p0 [hbm:s0], s1  }
0x23e: {  	s0 =	simm.s32 @!p0 $0x1  }
0x23f: {  	_ =	swait.ge @!p0 [sflag:s0], s1  }
0x240: {  	s1 =	ssub.s32 @!p0 $0x0, s1;
	[sflag:s0] =	ssyncset.done @!p0 $0x0  }
0x241: {  	[sflag:s0] =	ssyncadd.s32 @!p0 s1  }
0x242: {  	[bflag:$0x3] =	sbarrier.arrive $0xFFFF  }
0x243: {  	_ =	shalt  }

</sc_bundles>
